<compile_context>
chip_gen: v7x
topology: tpu7x:2x2x1
jax: 0.10.2.dev20260603
libtpu: 0.0.44.dev20260713+nightly
codegen_flags: <defaults>
</compile_context>

<pallas_src>
import functools

import jax
import jax.numpy as jnp
from jax import lax
from jax.experimental import pallas as pl
from jax.experimental.pallas import tpu as pltpu
from jax.experimental.pallas import tpu_sc as plsc

N = 10000
E = 320000
D_IN = 128
H1 = 64
H2 = 32
EPS = 1e-5

NC = 2
NS = 16
NW = NC * NS
EPW = E // NW
W = 80
NWIN = EPW // W
NP = 10240
NPT = NP // NS
CW = 16
ZCH = 128



def _proj_body(x_ref, wl_ref, wr_ref, yl_ref, yr_ref):
    x = x_ref[...]
    yl_ref[...] = lax.dot_general(
        x, wl_ref[...], (((1,), (1,)), ((), ())),
        preferred_element_type=jnp.float32,
        precision=lax.Precision.HIGHEST)
    yr_ref[...] = lax.dot_general(
        x, wr_ref[...], (((1,), (1,)), ((), ())),
        preferred_element_type=jnp.float32,
        precision=lax.Precision.HIGHEST)


def _proj(x, wl, wr):
    h = wl.shape[0]
    return pl.pallas_call(
        _proj_body,
        out_shape=(
            jax.ShapeDtypeStruct((x.shape[0], h), jnp.float32),
            jax.ShapeDtypeStruct((x.shape[0], h), jnp.float32),
        ),
    )(x, wl, wr)


def _bn_relu(h, g_ref, be_ref):
    mu = jnp.mean(h, axis=0, keepdims=True)
    var = jnp.mean((h - mu) * (h - mu), axis=0, keepdims=True)
    hn = (h - mu) * lax.rsqrt(var + EPS) * g_ref[...] + be_ref[...]
    return jnp.maximum(hn, 0.0)


def _mid_body(acc_ref, cnt_ref, r_ref, b_ref, g_ref, be_ref, wl_ref, wr_ref,
              y2_ref, r2_ref):
    cnt = cnt_ref[0, 0:N, 0:1] + cnt_ref[1, 0:N, 0:1]
    agg = (acc_ref[0, 0:N] + acc_ref[1, 0:N]) / jnp.maximum(cnt, 1.0)
    h = agg + b_ref[...] + r_ref[...]
    h = _bn_relu(h, g_ref, be_ref)
    y2_ref[...] = lax.dot_general(
        h, wl_ref[...], (((1,), (1,)), ((), ())),
        preferred_element_type=jnp.float32,
        precision=lax.Precision.HIGHEST)
    r2_ref[...] = lax.dot_general(
        h, wr_ref[...], (((1,), (1,)), ((), ())),
        preferred_element_type=jnp.float32,
        precision=lax.Precision.HIGHEST)


def _mid(acc, cnt, r, b, g, be, wl, wr):
    return pl.pallas_call(
        _mid_body,
        out_shape=(
            jax.ShapeDtypeStruct((N, H2), jnp.float32),
            jax.ShapeDtypeStruct((N, H2), jnp.float32),
        ),
        compiler_params=pltpu.CompilerParams(vmem_limit_bytes=64 * 1024 * 1024),
    )(acc, cnt, r, b, g, be, wl, wr)


def _fin_body(acc_ref, cnt_ref, r_ref, b_ref, g_ref, be_ref, o_ref):
    cnt = cnt_ref[0, 0:N, 0:1] + cnt_ref[1, 0:N, 0:1]
    agg = (acc_ref[0, 0:N] + acc_ref[1, 0:N]) / jnp.maximum(cnt, 1.0)
    h = agg + b_ref[...] + r_ref[...]
    o_ref[...] = _bn_relu(h, g_ref, be_ref)


def _fin(acc, cnt, r, b, g, be):
    return pl.pallas_call(
        _fin_body,
        out_shape=jax.ShapeDtypeStruct((N, H2), jnp.float32),
    )(acc, cnt, r, b, g, be)



NBUF = 8


def _sc_agg_body(d, with_cnt, *refs):
    refs = list(refs)
    if with_cnt:
        y_hbm, src_hbm, dst_hbm, acc_out, cnt_out, idx_s, idx_d = refs[:7]
        rows = refs[7:7 + NBUF]
        ones_v, zer_v, zerc_v, acc_sh, cnt_sh, sem = refs[7 + NBUF:
                                                          13 + NBUF]
        sems = refs[13 + NBUF:]
    else:
        cnt_out = ones_v = zerc_v = cnt_sh = None
        y_hbm, src_hbm, dst_hbm, acc_out, idx_s, idx_d = refs[:6]
        rows = refs[6:6 + NBUF]
        zer_v, acc_sh, sem = refs[6 + NBUF:9 + NBUF]
        sems = refs[9 + NBUF:]

    c = lax.axis_index("c")
    s = lax.axis_index("s")
    wid = s * NC + c

    @pl.loop(0, ZCH)
    def _(i):
        for k in range(d // 16):
            zer_v[i, pl.ds(16 * k, 16)] = jnp.zeros((16,), jnp.float32)
        if with_cnt:
            zerc_v[i] = jnp.zeros((16,), jnp.float32)

    if with_cnt:
        @pl.loop(0, W)
        def _(i):
            ones_v[i] = jnp.ones((16,), jnp.float32)

    cp_s = pltpu.async_copy(src_hbm.at[wid], idx_s, sem)
    cp_d = pltpu.async_copy(dst_hbm.at[wid], idx_d, sem)

    @pl.loop(0, NPT // ZCH)
    def _(k):
        base = s * NPT + k * ZCH
        pltpu.sync_copy(zer_v, acc_sh.at[pl.ds(base, ZCH)])
        if with_cnt:
            pltpu.sync_copy(zerc_v, cnt_sh.at[pl.ds(base, ZCH)])

    cp_s.wait()
    cp_d.wait()
    plsc.subcore_barrier()

    for b in range(NBUF):
        pltpu.async_copy(y_hbm.at[idx_s.at[b]], rows[b], sems[b])

    @pl.loop(0, NWIN - NWIN % NBUF, step=NBUF)
    def _(j):
        for b in range(NBUF):
            if with_cnt:
                pltpu.sync_copy(ones_v, cnt_sh.at[idx_d.at[j + b]], add=True)
            pltpu.make_async_copy(y_hbm.at[pl.ds(0, W)], rows[b],
                                  sems[b]).wait()
            pltpu.sync_copy(rows[b], acc_sh.at[idx_d.at[j + b]], add=True)

            @pl.when(j + NBUF + b < NWIN)
            def _():
                pltpu.async_copy(y_hbm.at[idx_s.at[j + NBUF + b]], rows[b],
                                 sems[b])

    for b in range(NWIN % NBUF):
        t = NWIN - NWIN % NBUF + b
        if with_cnt:
            pltpu.sync_copy(ones_v, cnt_sh.at[idx_d.at[t]], add=True)
        pltpu.make_async_copy(y_hbm.at[pl.ds(0, W)], rows[b], sems[b]).wait()
        pltpu.sync_copy(rows[b], acc_sh.at[idx_d.at[t]], add=True)

    plsc.subcore_barrier()

    pltpu.sync_copy(acc_sh.at[pl.ds(s * NPT, NPT)],
                    acc_out.at[c, pl.ds(s * NPT, NPT)])
    if with_cnt:
        pltpu.sync_copy(cnt_sh.at[pl.ds(s * NPT, NPT)],
                        cnt_out.at[c, pl.ds(s * NPT, NPT)])


def _make_sc_agg(d, with_cnt):
    mesh = plsc.VectorSubcoreMesh(core_axis_name="c", subcore_axis_name="s")
    out_type = [jax.ShapeDtypeStruct((NC, NP, d), jnp.float32)]
    scratch = [
        pltpu.VMEM((NWIN, W), jnp.int32),
        pltpu.VMEM((NWIN, W), jnp.int32),
    ] + [pltpu.VMEM((W, d), jnp.float32) for _ in range(NBUF)]
    if with_cnt:
        out_type.append(jax.ShapeDtypeStruct((NC, NP, CW), jnp.float32))
        scratch.append(pltpu.VMEM((W, CW), jnp.float32))
    scratch.append(pltpu.VMEM((ZCH, d), jnp.float32))
    if with_cnt:
        scratch.append(pltpu.VMEM((ZCH, CW), jnp.float32))
    scratch.append(pltpu.VMEM_SHARED((NP, d), jnp.float32))
    if with_cnt:
        scratch.append(pltpu.VMEM_SHARED((NP, CW), jnp.float32))
    for _ in range(NBUF + 1):
        scratch.append(pltpu.SemaphoreType.DMA)
    return pl.kernel(
        functools.partial(_sc_agg_body, d, with_cnt),
        out_type=out_type,
        mesh=mesh,
        scratch_types=scratch,
        compiler_params=pltpu.CompilerParams(use_tc_tiling_on_sc=False),
    )


def kernel(x, edge_index, W1l, b1, W1r, g1, be1, W2l, b2, W2r, g2, be2):
    src = edge_index[0].reshape(NW, NWIN, W)
    dst = edge_index[1].reshape(NW, NWIN, W)

    y1, r1 = _proj(x, W1l, W1r)
    acc1, cnt = _make_sc_agg(H1, True)(y1, src, dst)
    y2, r2 = _mid(acc1, cnt, r1, b1.reshape(1, H1), g1.reshape(1, H1),
                  be1.reshape(1, H1), W2l, W2r)
    acc2, = _make_sc_agg(H2, False)(y2, src, dst)
    return _fin(acc2, cnt, r2, b2.reshape(1, H2), g2.reshape(1, H2),
                be2.reshape(1, H2))

# --- scband reference (transcript-rebuilt; emitter-appended) ---
"""Pipeline reference for scband-topology-extraction-36816459661827 (READ-ONLY COPY).

The authoritative reference and input builder live on the scoring server;
editing this copy changes nothing except your own understanding.
"""

import jax, jax.numpy as jnp
import numpy as np

N = 10000
E = 320000
D_IN = 128
H1 = 64
H2 = 32
EPS = 1e-5


def setup_inputs(seed: int = 0) -> dict:
    key = jax.random.key(seed)
    ks = jax.random.split(key, 14)
    x = jax.random.normal(ks[0], (N, D_IN), dtype=jnp.float32)
    edge_index = jax.random.randint(ks[1], (2, E), 0, N, dtype=jnp.int32)
    # SAGEConv1: lin_l (neighbor agg, with bias), lin_r (root, no bias)
    W1l = jax.random.normal(ks[2], (H1, D_IN), dtype=jnp.float32) / np.sqrt(D_IN)
    b1 = jnp.zeros((H1,), dtype=jnp.float32)
    W1r = jax.random.normal(ks[3], (H1, D_IN), dtype=jnp.float32) / np.sqrt(D_IN)
    g1 = jnp.ones((H1,), dtype=jnp.float32)
    be1 = jnp.zeros((H1,), dtype=jnp.float32)
    # SAGEConv2
    W2l = jax.random.normal(ks[4], (H2, H1), dtype=jnp.float32) / np.sqrt(H1)
    b2 = jnp.zeros((H2,), dtype=jnp.float32)
    W2r = jax.random.normal(ks[5], (H2, H1), dtype=jnp.float32) / np.sqrt(H1)
    g2 = jnp.ones((H2,), dtype=jnp.float32)
    be2 = jnp.zeros((H2,), dtype=jnp.float32)
    return {
        "x": x, "edge_index": edge_index,
        "W1l": W1l, "b1": b1, "W1r": W1r, "g1": g1, "be1": be1,
        "W2l": W2l, "b2": b2, "W2r": W2r, "g2": g2, "be2": be2,
    }


def _sage_conv(x, edge_index, Wl, bl, Wr, n_nodes):
    src = edge_index[0]
    dst = edge_index[1]
    msgs = jnp.take(x, src, axis=0)
    agg_sum = jax.ops.segment_sum(msgs, dst, num_segments=n_nodes)
    cnt = jax.ops.segment_sum(jnp.ones((edge_index.shape[1],), x.dtype), dst, num_segments=n_nodes)
    agg = agg_sum / jnp.clip(cnt, 1.0)[:, None]
    return agg @ Wl.T + bl + x @ Wr.T


def _batch_norm(h, gamma, beta):
    mu = h.mean(axis=0)
    var = h.var(axis=0)  # biased, matches torch BN training-mode normalization
    return (h - mu) / jnp.sqrt(var + EPS) * gamma + beta


def reference(x, edge_index, W1l, b1, W1r, g1, be1, W2l, b2, W2r, g2, be2):
    h = _sage_conv(x, edge_index, W1l, b1, W1r, N)
    h = _batch_norm(h, g1, be1)
    h = jax.nn.relu(h)
    h = _sage_conv(h, edge_index, W2l, b2, W2r, N)
    h = _batch_norm(h, g2, be2)
    h = jax.nn.relu(h)
    return h

if __name__ == "__main__":
    import jax
    _d = setup_inputs()
    print(jax.jit(kernel)(*tuple(_d.values())))

</pallas_src>

<mosaic_0001>
#map = affine_map<(d0, d1) -> (0, 0)>
#map1 = affine_map<(d0, d1) -> (0, 0, 0)>
module attributes {stable_mosaic.version = 14 : i64} {
  func.func @_sc_agg_body(%arg0: i32, %arg1: i32, %arg2: memref<10000x64xf32, #tpu.memory_space<hbm>>, %arg3: memref<32x125x80xi32, #tpu.memory_space<hbm>>, %arg4: memref<32x125x80xi32, #tpu.memory_space<hbm>>, %arg5: memref<2x10240x64xf32, #tpu.memory_space<hbm>>, %arg6: memref<2x10240x16xf32, #tpu.memory_space<hbm>>, %arg7: memref<125x80xi32, #tpu.memory_space<vmem>>, %arg8: memref<125x80xi32, #tpu.memory_space<vmem>>, %arg9: memref<80x64xf32, #tpu.memory_space<vmem>>, %arg10: memref<80x64xf32, #tpu.memory_space<vmem>>, %arg11: memref<80x64xf32, #tpu.memory_space<vmem>>, %arg12: memref<80x64xf32, #tpu.memory_space<vmem>>, %arg13: memref<80x64xf32, #tpu.memory_space<vmem>>, %arg14: memref<80x64xf32, #tpu.memory_space<vmem>>, %arg15: memref<80x64xf32, #tpu.memory_space<vmem>>, %arg16: memref<80x64xf32, #tpu.memory_space<vmem>>, %arg17: memref<80x16xf32, #tpu.memory_space<vmem>>, %arg18: memref<128x64xf32, #tpu.memory_space<vmem>>, %arg19: memref<128x16xf32, #tpu.memory_space<vmem>>, %arg20: memref<10240x64xf32, #tpu.memory_space<vmem_shared>>, %arg21: memref<10240x16xf32, #tpu.memory_space<vmem_shared>>, %arg22: memref<!tpu.dma_semaphore, #tpu.memory_space<semaphore_mem>>, %arg23: memref<!tpu.dma_semaphore, #tpu.memory_space<semaphore_mem>>, %arg24: memref<!tpu.dma_semaphore, #tpu.memory_space<semaphore_mem>>, %arg25: memref<!tpu.dma_semaphore, #tpu.memory_space<semaphore_mem>>, %arg26: memref<!tpu.dma_semaphore, #tpu.memory_space<semaphore_mem>>, %arg27: memref<!tpu.dma_semaphore, #tpu.memory_space<semaphore_mem>>, %arg28: memref<!tpu.dma_semaphore, #tpu.memory_space<semaphore_mem>>, %arg29: memref<!tpu.dma_semaphore, #tpu.memory_space<semaphore_mem>>, %arg30: memref<!tpu.dma_semaphore, #tpu.memory_space<semaphore_mem>>) attributes {dimension_semantics = [#tpu.dimension_semantics<core_parallel>, #tpu.dimension_semantics<subcore_parallel>], iteration_bounds = array<i64: 2, 16>, scalar_prefetch = 0 : i64, scratch_operands = 24 : i64, tpu.core_type = #tpu.core_type<sc_vector_subcore>, window_params = [{transform_indices = #map}, {transform_indices = #map1}, {transform_indices = #map1}, {transform_indices = #map1}, {transform_indices = #map1}]} {
    %mul3A = arith.constant 2 : i32
    %mul3A_0 = arith.muli %arg1, %mul3A : i32
    %add3A = arith.addi %mul3A_0, %arg0 : i32
    %scan3A = arith.constant 0 : i32
    %scan3A_1 = arith.constant 128 : i32
    %scan3A_2 = arith.addi %scan3A, %scan3A_1 : i32
    %scan3A_3 = arith.constant 1 : i32
    scf.for %scan3A_154 = %scan3A to %scan3A_2 step %scan3A_3  : i32 {
      %mul3A_155 = arith.constant 1 : i32
      %mul3A_156 = arith.muli %scan3A_154, %mul3A_155 : i32
      %add3A_157 = arith.constant 0 : i32
      %add3A_158 = arith.addi %add3A_157, %mul3A_156 : i32
      %broadcast_in_dim3A = arith.constant 0.000000e+00 : f32
      %broadcast_in_dim3A_159 = vector.broadcast %broadcast_in_dim3A : f32 to vector<16xf32>
      %swap3A = arith.index_cast %add3A_158 : i32 to index
      %swap3A_160 = arith.constant 0 : index
      %swap3A_161 = tpu.vector_load %arg18[%swap3A, %swap3A_160] {strides = array<i32>} : memref<128x64xf32, #tpu.memory_space<vmem>>, vector<1x16xf32>,
      %swap3A_162 = vector.shape_cast %swap3A_161 : vector<1x16xf32> to vector<16xf32>
      %swap3A_163 = vector.shape_cast %broadcast_in_dim3A_159 : vector<16xf32> to vector<1x16xf32>
      tpu.vector_store %arg18[%swap3A, %swap3A_160], %swap3A_163 {strides = array<i32>} : memref<128x64xf32, #tpu.memory_space<vmem>>, vector<1x16xf32>,
      %broadcast_in_dim3A_164 = arith.constant 0.000000e+00 : f32
      %broadcast_in_dim3A_165 = vector.broadcast %broadcast_in_dim3A_164 : f32 to vector<16xf32>
      %swap3A_166 = arith.index_cast %add3A_158 : i32 to index
      %swap3A_167 = arith.constant 16 : index
      %swap3A_168 = tpu.vector_load %arg18[%swap3A_166, %swap3A_167] {strides = array<i32>} : memref<128x64xf32, #tpu.memory_space<vmem>>, vector<1x16xf32>,
      %swap3A_169 = vector.shape_cast %swap3A_168 : vector<1x16xf32> to vector<16xf32>
      %swap3A_170 = vector.shape_cast %broadcast_in_dim3A_165 : vector<16xf32> to vector<1x16xf32>
      tpu.vector_store %arg18[%swap3A_166, %swap3A_167], %swap3A_170 {strides = array<i32>} : memref<128x64xf32, #tpu.memory_space<vmem>>, vector<1x16xf32>,
      %broadcast_in_dim3A_171 = arith.constant 0.000000e+00 : f32
      %broadcast_in_dim3A_172 = vector.broadcast %broadcast_in_dim3A_171 : f32 to vector<16xf32>
      %swap3A_173 = arith.index_cast %add3A_158 : i32 to index
      %swap3A_174 = arith.constant 32 : index
      %swap3A_175 = tpu.vector_load %arg18[%swap3A_173, %swap3A_174] {strides = array<i32>} : memref<128x64xf32, #tpu.memory_space<vmem>>, vector<1x16xf32>,
      %swap3A_176 = vector.shape_cast %swap3A_175 : vector<1x16xf32> to vector<16xf32>
      %swap3A_177 = vector.shape_cast %broadcast_in_dim3A_172 : vector<16xf32> to vector<1x16xf32>
      tpu.vector_store %arg18[%swap3A_173, %swap3A_174], %swap3A_177 {strides = array<i32>} : memref<128x64xf32, #tpu.memory_space<vmem>>, vector<1x16xf32>,
      %broadcast_in_dim3A_178 = arith.constant 0.000000e+00 : f32
      %broadcast_in_dim3A_179 = vector.broadcast %broadcast_in_dim3A_178 : f32 to vector<16xf32>
      %swap3A_180 = arith.index_cast %add3A_158 : i32 to index
      %swap3A_181 = arith.constant 48 : index
      %swap3A_182 = tpu.vector_load %arg18[%swap3A_180, %swap3A_181] {strides = array<i32>} : memref<128x64xf32, #tpu.memory_space<vmem>>, vector<1x16xf32>,
      %swap3A_183 = vector.shape_cast %swap3A_182 : vector<1x16xf32> to vector<16xf32>
      %swap3A_184 = vector.shape_cast %broadcast_in_dim3A_179 : vector<16xf32> to vector<1x16xf32>
      tpu.vector_store %arg18[%swap3A_180, %swap3A_181], %swap3A_184 {strides = array<i32>} : memref<128x64xf32, #tpu.memory_space<vmem>>, vector<1x16xf32>,
      %broadcast_in_dim3A_185 = arith.constant 0.000000e+00 : f32
      %broadcast_in_dim3A_186 = vector.broadcast %broadcast_in_dim3A_185 : f32 to vector<16xf32>
      %swap3A_187 = arith.index_cast %add3A_158 : i32 to index
      %swap3A_188 = arith.constant 0 : index
      %swap3A_189 = tpu.vector_load %arg19[%swap3A_187, %swap3A_188] {strides = array<i32>} : memref<128x16xf32, #tpu.memory_space<vmem>>, vector<1x16xf32>,
      %swap3A_190 = vector.shape_cast %swap3A_189 : vector<1x16xf32> to vector<16xf32>
      %swap3A_191 = vector.shape_cast %broadcast_in_dim3A_186 : vector<16xf32> to vector<1x16xf32>
      tpu.vector_store %arg19[%swap3A_187, %swap3A_188], %swap3A_191 {strides = array<i32>} : memref<128x16xf32, #tpu.memory_space<vmem>>, vector<1x16xf32>,
    }
    %scan3A_4 = arith.constant 128 : i32
    %scan3A_5 = arith.constant 0 : i32
    %scan3A_6 = arith.constant 80 : i32
    %scan3A_7 = arith.addi %scan3A_5, %scan3A_6 : i32
    %scan3A_8 = arith.constant 1 : i32
    scf.for %scan3A_154 = %scan3A_5 to %scan3A_7 step %scan3A_8  : i32 {
      %mul3A_155 = arith.constant 1 : i32
      %mul3A_156 = arith.muli %scan3A_154, %mul3A_155 : i32
      %add3A_157 = arith.constant 0 : i32
      %add3A_158 = arith.addi %add3A_157, %mul3A_156 : i32
      %broadcast_in_dim3A = arith.constant 1.000000e+00 : f32
      %broadcast_in_dim3A_159 = vector.broadcast %broadcast_in_dim3A : f32 to vector<16xf32>
      %swap3A = arith.index_cast %add3A_158 : i32 to index
      %swap3A_160 = arith.constant 0 : index
      %swap3A_161 = tpu.vector_load %arg17[%swap3A, %swap3A_160] {strides = array<i32>} : memref<80x16xf32, #tpu.memory_space<vmem>>, vector<1x16xf32>,
      %swap3A_162 = vector.shape_cast %swap3A_161 : vector<1x16xf32> to vector<16xf32>
      %swap3A_163 = vector.shape_cast %broadcast_in_dim3A_159 : vector<16xf32> to vector<1x16xf32>
      tpu.vector_store %arg17[%swap3A, %swap3A_160], %swap3A_163 {strides = array<i32>} : memref<80x16xf32, #tpu.memory_space<vmem>>, vector<1x16xf32>,
    }
    %scan3A_9 = arith.constant 80 : i32
    %dma_start3A = arith.constant 0 : i32
    %dma_start3A_10 = arith.constant 0 : i32
    %dma_start3A_11 = tpu.memref_slice %arg3[%add3A, %dma_start3A, %dma_start3A_10] : memref<32x125x80xi32, #tpu.memory_space<hbm>> -> memref<1x125x80xi32, #tpu.memory_space<hbm>>
    %dma_start3A_12 = tpu.memref_squeeze %dma_start3A_11 : memref<1x125x80xi32, #tpu.memory_space<hbm>> -> memref<125x80xi32, #tpu.memory_space<hbm>>
    %dma_start3A_13 = arith.constant 0 : i32
    %dma_start3A_14 = arith.constant 0 : i32
    %dma_start3A_15 = tpu.memref_slice %arg3[%add3A, %dma_start3A_13, %dma_start3A_14] : memref<32x125x80xi32, #tpu.memory_space<hbm>> -> memref<1x125x80xi32, #tpu.memory_space<hbm>>
    %dma_start3A_16 = tpu.memref_squeeze %dma_start3A_15 : memref<1x125x80xi32, #tpu.memory_space<hbm>> -> memref<125x80xi32, #tpu.memory_space<hbm>>
    tpu.enqueue_dma source(%dma_start3A_16 : memref<125x80xi32, #tpu.memory_space<hbm>>) target(%arg7 : memref<125x80xi32, #tpu.memory_space<vmem>>) target_semaphore(%arg22 : memref<!tpu.dma_semaphore, #tpu.memory_space<semaphore_mem>>)
    %dma_start3A_17 = arith.constant 0 : i32
    %dma_start3A_18 = arith.constant 0 : i32
    %dma_start3A_19 = tpu.memref_slice %arg4[%add3A, %dma_start3A_17, %dma_start3A_18] : memref<32x125x80xi32, #tpu.memory_space<hbm>> -> memref<1x125x80xi32, #tpu.memory_space<hbm>>
    %dma_start3A_20 = tpu.memref_squeeze %dma_start3A_19 : memref<1x125x80xi32, #tpu.memory_space<hbm>> -> memref<125x80xi32, #tpu.memory_space<hbm>>
    %dma_start3A_21 = arith.constant 0 : i32
    %dma_start3A_22 = arith.constant 0 : i32
    %dma_start3A_23 = tpu.memref_slice %arg4[%add3A, %dma_start3A_21, %dma_start3A_22] : memref<32x125x80xi32, #tpu.memory_space<hbm>> -> memref<1x125x80xi32, #tpu.memory_space<hbm>>
    %dma_start3A_24 = tpu.memref_squeeze %dma_start3A_23 : memref<1x125x80xi32, #tpu.memory_space<hbm>> -> memref<125x80xi32, #tpu.memory_space<hbm>>
    tpu.enqueue_dma source(%dma_start3A_24 : memref<125x80xi32, #tpu.memory_space<hbm>>) target(%arg8 : memref<125x80xi32, #tpu.memory_space<vmem>>) target_semaphore(%arg22 : memref<!tpu.dma_semaphore, #tpu.memory_space<semaphore_mem>>)
    %scan3A_25 = arith.constant 0 : i32
    %scan3A_26 = arith.constant 5 : i32
    %scan3A_27 = arith.addi %scan3A_25, %scan3A_26 : i32
    %scan3A_28 = arith.constant 1 : i32
    scf.for %scan3A_154 = %scan3A_25 to %scan3A_27 step %scan3A_28  : i32 {
      %mul3A_155 = arith.constant 1 : i32
      %mul3A_156 = arith.muli %scan3A_154, %mul3A_155 : i32
      %add3A_157 = arith.constant 0 : i32
      %add3A_158 = arith.addi %add3A_157, %mul3A_156 : i32
      %mul3A_159 = arith.constant 640 : i32
      %mul3A_160 = arith.muli %arg1, %mul3A_159 : i32
      %mul3A_161 = arith.constant 128 : i32
      %mul3A_162 = arith.muli %add3A_158, %mul3A_161 : i32
      %add3A_163 = arith.addi %mul3A_160, %mul3A_162 : i32
      "tpu.region"() ({
        %run_scoped3A_164 = tpu.sem_alloc : memref<!tpu.dma_semaphore, #tpu.memory_space<semaphore_mem>>
        %dma_start3A_165 = arith.constant 0 : i32
        %dma_start3A_166 = tpu.memref_slice %arg20[%add3A_163, %dma_start3A_165] : memref<10240x64xf32, #tpu.memory_space<vmem_shared>> -> memref<128x64xf32, #tpu.memory_space<vmem_shared>>
        %dma_start3A_167 = arith.constant 0 : i32
        %dma_start3A_168 = tpu.memref_slice %arg20[%add3A_163, %dma_start3A_167] : memref<10240x64xf32, #tpu.memory_space<vmem_shared>> -> memref<128x64xf32, #tpu.memory_space<vmem_shared>>
        tpu.enqueue_dma source(%arg18 : memref<128x64xf32, #tpu.memory_space<vmem>>) target(%dma_start3A_168 : memref<128x64xf32, #tpu.memory_space<vmem_shared>>) target_semaphore(%run_scoped3A_164 : memref<!tpu.dma_semaphore, #tpu.memory_space<semaphore_mem>>)
        %dma_wait3A_169 = arith.constant 0 : i32
        %dma_wait3A_170 = tpu.memref_slice %arg20[%add3A_163, %dma_wait3A_169] : memref<10240x64xf32, #tpu.memory_space<vmem_shared>> -> memref<128x64xf32, #tpu.memory_space<vmem_shared>>
        %dma_wait3A_171 = arith.constant 0 : i32
        %dma_wait3A_172 = tpu.memref_slice %arg20[%add3A_163, %dma_wait3A_171] : memref<10240x64xf32, #tpu.memory_space<vmem_shared>> -> memref<128x64xf32, #tpu.memory_space<vmem_shared>>
        tpu.wait_dma2 semaphore(%run_scoped3A_164 : memref<!tpu.dma_semaphore, #tpu.memory_space<semaphore_mem>>) src(%arg18 : memref<128x64xf32, #tpu.memory_space<vmem>>) dst(%dma_wait3A_172 : memref<128x64xf32, #tpu.memory_space<vmem_shared>>)
        tpu.yield
      }) : () -> ()
      "tpu.region"() ({
        %run_scoped3A_164 = tpu.sem_alloc : memref<!tpu.dma_semaphore, #tpu.memory_space<semaphore_mem>>
        %dma_start3A_165 = arith.constant 0 : i32
        %dma_start3A_166 = tpu.memref_slice %arg21[%add3A_163, %dma_start3A_165] : memref<10240x16xf32, #tpu.memory_space<vmem_shared>> -> memref<128x16xf32, #tpu.memory_space<vmem_shared>>
        %dma_start3A_167 = arith.constant 0 : i32
        %dma_start3A_168 = tpu.memref_slice %arg21[%add3A_163, %dma_start3A_167] : memref<10240x16xf32, #tpu.memory_space<vmem_shared>> -> memref<128x16xf32, #tpu.memory_space<vmem_shared>>
        tpu.enqueue_dma source(%arg19 : memref<128x16xf32, #tpu.memory_space<vmem>>) target(%dma_start3A_168 : memref<128x16xf32, #tpu.memory_space<vmem_shared>>) target_semaphore(%run_scoped3A_164 : memref<!tpu.dma_semaphore, #tpu.memory_space<semaphore_mem>>)
        %dma_wait3A_169 = arith.constant 0 : i32
        %dma_wait3A_170 = tpu.memref_slice %arg21[%add3A_163, %dma_wait3A_169] : memref<10240x16xf32, #tpu.memory_space<vmem_shared>> -> memref<128x16xf32, #tpu.memory_space<vmem_shared>>
        %dma_wait3A_171 = arith.constant 0 : i32
        %dma_wait3A_172 = tpu.memref_slice %arg21[%add3A_163, %dma_wait3A_171] : memref<10240x16xf32, #tpu.memory_space<vmem_shared>> -> memref<128x16xf32, #tpu.memory_space<vmem_shared>>
        tpu.wait_dma2 semaphore(%run_scoped3A_164 : memref<!tpu.dma_semaphore, #tpu.memory_space<semaphore_mem>>) src(%arg19 : memref<128x16xf32, #tpu.memory_space<vmem>>) dst(%dma_wait3A_172 : memref<128x16xf32, #tpu.memory_space<vmem_shared>>)
        tpu.yield
      }) : () -> ()
    }
    %scan3A_29 = arith.constant 5 : i32
    %dma_wait3A = arith.constant 0 : i32
    %dma_wait3A_30 = arith.constant 0 : i32
    %dma_wait3A_31 = tpu.memref_slice %arg3[%add3A, %dma_wait3A, %dma_wait3A_30] : memref<32x125x80xi32, #tpu.memory_space<hbm>> -> memref<1x125x80xi32, #tpu.memory_space<hbm>>
    %dma_wait3A_32 = tpu.memref_squeeze %dma_wait3A_31 : memref<1x125x80xi32, #tpu.memory_space<hbm>> -> memref<125x80xi32, #tpu.memory_space<hbm>>
    %dma_wait3A_33 = arith.constant 0 : i32
    %dma_wait3A_34 = arith.constant 0 : i32
    %dma_wait3A_35 = tpu.memref_slice %arg3[%add3A, %dma_wait3A_33, %dma_wait3A_34] : memref<32x125x80xi32, #tpu.memory_space<hbm>> -> memref<1x125x80xi32, #tpu.memory_space<hbm>>
    %dma_wait3A_36 = tpu.memref_squeeze %dma_wait3A_35 : memref<1x125x80xi32, #tpu.memory_space<hbm>> -> memref<125x80xi32, #tpu.memory_space<hbm>>
    tpu.wait_dma2 semaphore(%arg22 : memref<!tpu.dma_semaphore, #tpu.memory_space<semaphore_mem>>) src(%dma_wait3A_36 : memref<125x80xi32, #tpu.memory_space<hbm>>) dst(%arg7 : memref<125x80xi32, #tpu.memory_space<vmem>>)
    %dma_wait3A_37 = arith.constant 0 : i32
    %dma_wait3A_38 = arith.constant 0 : i32
    %dma_wait3A_39 = tpu.memref_slice %arg4[%add3A, %dma_wait3A_37, %dma_wait3A_38] : memref<32x125x80xi32, #tpu.memory_space<hbm>> -> memref<1x125x80xi32, #tpu.memory_space<hbm>>
    %dma_wait3A_40 = tpu.memref_squeeze %dma_wait3A_39 : memref<1x125x80xi32, #tpu.memory_space<hbm>> -> memref<125x80xi32, #tpu.memory_space<hbm>>
    %dma_wait3A_41 = arith.constant 0 : i32
    %dma_wait3A_42 = arith.constant 0 : i32
    %dma_wait3A_43 = tpu.memref_slice %arg4[%add3A, %dma_wait3A_41, %dma_wait3A_42] : memref<32x125x80xi32, #tpu.memory_space<hbm>> -> memref<1x125x80xi32, #tpu.memory_space<hbm>>
    %dma_wait3A_44 = tpu.memref_squeeze %dma_wait3A_43 : memref<1x125x80xi32, #tpu.memory_space<hbm>> -> memref<125x80xi32, #tpu.memory_space<hbm>>
    tpu.wait_dma2 semaphore(%arg22 : memref<!tpu.dma_semaphore, #tpu.memory_space<semaphore_mem>>) src(%dma_wait3A_44 : memref<125x80xi32, #tpu.memory_space<hbm>>) dst(%arg8 : memref<125x80xi32, #tpu.memory_space<vmem>>)
    %barrier3A = arith.constant 0 : index
    tpu.barrier barrier_id(%barrier3A)
    %dma_start3A_45 = arith.constant 0 : i32
    %dma_start3A_46 = arith.constant 0 : i32
    %dma_start3A_47 = tpu.memref_slice %arg7[%dma_start3A_45, %dma_start3A_46] : memref<125x80xi32, #tpu.memory_space<vmem>> -> memref<1x80xi32, #tpu.memory_space<vmem>>
    %dma_start3A_48 = tpu.memref_squeeze %dma_start3A_47 : memref<1x80xi32, #tpu.memory_space<vmem>> -> memref<80xi32, #tpu.memory_space<vmem>>
    %dma_start3A_49 = arith.constant 0 : i32
    %dma_start3A_50 = arith.constant 0 : i32
    %dma_start3A_51 = tpu.memref_slice %arg2[%dma_start3A_49, %dma_start3A_50] : memref<10000x64xf32, #tpu.memory_space<hbm>> -> memref<10000x64xf32, #tpu.memory_space<hbm>>
    tpu.enqueue_indirect_dma source(%dma_start3A_51 : memref<10000x64xf32, #tpu.memory_space<hbm>>) target(%arg9 : memref<80x64xf32, #tpu.memory_space<vmem>>) offsets(%dma_start3A_48 : memref<80xi32, #tpu.memory_space<vmem>>) semaphore(%arg23 : memref<!tpu.dma_semaphore, #tpu.memory_space<semaphore_mem>>)
    %dma_start3A_52 = arith.constant 1 : i32
    %dma_start3A_53 = arith.constant 0 : i32
    %dma_start3A_54 = tpu.memref_slice %arg7[%dma_start3A_52, %dma_start3A_53] : memref<125x80xi32, #tpu.memory_space<vmem>> -> memref<1x80xi32, #tpu.memory_space<vmem>>
    %dma_start3A_55 = tpu.memref_squeeze %dma_start3A_54 : memref<1x80xi32, #tpu.memory_space<vmem>> -> memref<80xi32, #tpu.memory_space<vmem>>
    %dma_start3A_56 = arith.constant 0 : i32
    %dma_start3A_57 = arith.constant 0 : i32
    %dma_start3A_58 = tpu.memref_slice %arg2[%dma_start3A_56, %dma_start3A_57] : memref<10000x64xf32, #tpu.memory_space<hbm>> -> memref<10000x64xf32, #tpu.memory_space<hbm>>
    tpu.enqueue_indirect_dma source(%dma_start3A_58 : memref<10000x64xf32, #tpu.memory_space<hbm>>) target(%arg10 : memref<80x64xf32, #tpu.memory_space<vmem>>) offsets(%dma_start3A_55 : memref<80xi32, #tpu.memory_space<vmem>>) semaphore(%arg24 : memref<!tpu.dma_semaphore, #tpu.memory_space<semaphore_mem>>)
    %dma_start3A_59 = arith.constant 2 : i32
    %dma_start3A_60 = arith.constant 0 : i32
    %dma_start3A_61 = tpu.memref_slice %arg7[%dma_start3A_59, %dma_start3A_60] : memref<125x80xi32, #tpu.memory_space<vmem>> -> memref<1x80xi32, #tpu.memory_space<vmem>>
    %dma_start3A_62 = tpu.memref_squeeze %dma_start3A_61 : memref<1x80xi32, #tpu.memory_space<vmem>> -> memref<80xi32, #tpu.memory_space<vmem>>
    %dma_start3A_63 = arith.constant 0 : i32
    %dma_start3A_64 = arith.constant 0 : i32
    %dma_start3A_65 = tpu.memref_slice %arg2[%dma_start3A_63, %dma_start3A_64] : memref<10000x64xf32, #tpu.memory_space<hbm>> -> memref<10000x64xf32, #tpu.memory_space<hbm>>
    tpu.enqueue_indirect_dma source(%dma_start3A_65 : memref<10000x64xf32, #tpu.memory_space<hbm>>) target(%arg11 : memref<80x64xf32, #tpu.memory_space<vmem>>) offsets(%dma_start3A_62 : memref<80xi32, #tpu.memory_space<vmem>>) semaphore(%arg25 : memref<!tpu.dma_semaphore, #tpu.memory_space<semaphore_mem>>)
    %dma_start3A_66 = arith.constant 3 : i32
    %dma_start3A_67 = arith.constant 0 : i32
    %dma_start3A_68 = tpu.memref_slice %arg7[%dma_start3A_66, %dma_start3A_67] : memref<125x80xi32, #tpu.memory_space<vmem>> -> memref<1x80xi32, #tpu.memory_space<vmem>>
    %dma_start3A_69 = tpu.memref_squeeze %dma_start3A_68 : memref<1x80xi32, #tpu.memory_space<vmem>> -> memref<80xi32, #tpu.memory_space<vmem>>
    %dma_start3A_70 = arith.constant 0 : i32
    %dma_start3A_71 = arith.constant 0 : i32
    %dma_start3A_72 = tpu.memref_slice %arg2[%dma_start3A_70, %dma_start3A_71] : memref<10000x64xf32, #tpu.memory_space<hbm>> -> memref<10000x64xf32, #tpu.memory_space<hbm>>
    tpu.enqueue_indirect_dma source(%dma_start3A_72 : memref<10000x64xf32, #tpu.memory_space<hbm>>) target(%arg12 : memref<80x64xf32, #tpu.memory_space<vmem>>) offsets(%dma_start3A_69 : memref<80xi32, #tpu.memory_space<vmem>>) semaphore(%arg26 : memref<!tpu.dma_semaphore, #tpu.memory_space<semaphore_mem>>)
    %dma_start3A_73 = arith.constant 4 : i32
    %dma_start3A_74 = arith.constant 0 : i32
    %dma_start3A_75 = tpu.memref_slice %arg7[%dma_start3A_73, %dma_start3A_74] : memref<125x80xi32, #tpu.memory_space<vmem>> -> memref<1x80xi32, #tpu.memory_space<vmem>>
    %dma_start3A_76 = tpu.memref_squeeze %dma_start3A_75 : memref<1x80xi32, #tpu.memory_space<vmem>> -> memref<80xi32, #tpu.memory_space<vmem>>
    %dma_start3A_77 = arith.constant 0 : i32
    %dma_start3A_78 = arith.constant 0 : i32
    %dma_start3A_79 = tpu.memref_slice %arg2[%dma_start3A_77, %dma_start3A_78] : memref<10000x64xf32, #tpu.memory_space<hbm>> -> memref<10000x64xf32, #tpu.memory_space<hbm>>
    tpu.enqueue_indirect_dma source(%dma_start3A_79 : memref<10000x64xf32, #tpu.memory_space<hbm>>) target(%arg13 : memref<80x64xf32, #tpu.memory_space<vmem>>) offsets(%dma_start3A_76 : memref<80xi32, #tpu.memory_space<vmem>>) semaphore(%arg27 : memref<!tpu.dma_semaphore, #tpu.memory_space<semaphore_mem>>)
    %dma_start3A_80 = arith.constant 5 : i32
    %dma_start3A_81 = arith.constant 0 : i32
    %dma_start3A_82 = tpu.memref_slice %arg7[%dma_start3A_80, %dma_start3A_81] : memref<125x80xi32, #tpu.memory_space<vmem>> -> memref<1x80xi32, #tpu.memory_space<vmem>>
    %dma_start3A_83 = tpu.memref_squeeze %dma_start3A_82 : memref<1x80xi32, #tpu.memory_space<vmem>> -> memref<80xi32, #tpu.memory_space<vmem>>
    %dma_start3A_84 = arith.constant 0 : i32
    %dma_start3A_85 = arith.constant 0 : i32
    %dma_start3A_86 = tpu.memref_slice %arg2[%dma_start3A_84, %dma_start3A_85] : memref<10000x64xf32, #tpu.memory_space<hbm>> -> memref<10000x64xf32, #tpu.memory_space<hbm>>
    tpu.enqueue_indirect_dma source(%dma_start3A_86 : memref<10000x64xf32, #tpu.memory_space<hbm>>) target(%arg14 : memref<80x64xf32, #tpu.memory_space<vmem>>) offsets(%dma_start3A_83 : memref<80xi32, #tpu.memory_space<vmem>>) semaphore(%arg28 : memref<!tpu.dma_semaphore, #tpu.memory_space<semaphore_mem>>)
    %dma_start3A_87 = arith.constant 6 : i32
    %dma_start3A_88 = arith.constant 0 : i32
    %dma_start3A_89 = tpu.memref_slice %arg7[%dma_start3A_87, %dma_start3A_88] : memref<125x80xi32, #tpu.memory_space<vmem>> -> memref<1x80xi32, #tpu.memory_space<vmem>>
    %dma_start3A_90 = tpu.memref_squeeze %dma_start3A_89 : memref<1x80xi32, #tpu.memory_space<vmem>> -> memref<80xi32, #tpu.memory_space<vmem>>
    %dma_start3A_91 = arith.constant 0 : i32
    %dma_start3A_92 = arith.constant 0 : i32
    %dma_start3A_93 = tpu.memref_slice %arg2[%dma_start3A_91, %dma_start3A_92] : memref<10000x64xf32, #tpu.memory_space<hbm>> -> memref<10000x64xf32, #tpu.memory_space<hbm>>
    tpu.enqueue_indirect_dma source(%dma_start3A_93 : memref<10000x64xf32, #tpu.memory_space<hbm>>) target(%arg15 : memref<80x64xf32, #tpu.memory_space<vmem>>) offsets(%dma_start3A_90 : memref<80xi32, #tpu.memory_space<vmem>>) semaphore(%arg29 : memref<!tpu.dma_semaphore, #tpu.memory_space<semaphore_mem>>)
    %dma_start3A_94 = arith.constant 7 : i32
    %dma_start3A_95 = arith.constant 0 : i32
    %dma_start3A_96 = tpu.memref_slice %arg7[%dma_start3A_94, %dma_start3A_95] : memref<125x80xi32, #tpu.memory_space<vmem>> -> memref<1x80xi32, #tpu.memory_space<vmem>>
    %dma_start3A_97 = tpu.memref_squeeze %dma_start3A_96 : memref<1x80xi32, #tpu.memory_space<vmem>> -> memref<80xi32, #tpu.memory_space<vmem>>
    %dma_start3A_98 = arith.constant 0 : i32
    %dma_start3A_99 = arith.constant 0 : i32
    %dma_start3A_100 = tpu.memref_slice %arg2[%dma_start3A_98, %dma_start3A_99] : memref<10000x64xf32, #tpu.memory_space<hbm>> -> memref<10000x64xf32, #tpu.memory_space<hbm>>
    tpu.enqueue_indirect_dma source(%dma_start3A_100 : memref<10000x64xf32, #tpu.memory_space<hbm>>) target(%arg16 : memref<80x64xf32, #tpu.memory_space<vmem>>) offsets(%dma_start3A_97 : memref<80xi32, #tpu.memory_space<vmem>>) semaphore(%arg30 : memref<!tpu.dma_semaphore, #tpu.memory_space<semaphore_mem>>)
    %scan3A_101 = arith.constant 0 : i32
    %scan3A_102 = arith.constant 15 : i32
    %scan3A_103 = arith.addi %scan3A_101, %scan3A_102 : i32
    %scan3A_104 = arith.constant 1 : i32
    scf.for %scan3A_154 = %scan3A_101 to %scan3A_103 step %scan3A_104  : i32 {
      %mul3A_155 = arith.constant 8 : i32
      %mul3A_156 = arith.muli %scan3A_154, %mul3A_155 : i32
      %add3A_157 = arith.constant 0 : i32
      %add3A_158 = arith.addi %add3A_157, %mul3A_156 : i32
      %add3A_159 = arith.constant 0 : i32
      %add3A_160 = arith.addi %add3A_158, %add3A_159 : i32
      "tpu.region"() ({
        %run_scoped3A_308 = tpu.sem_alloc : memref<!tpu.dma_semaphore, #tpu.memory_space<semaphore_mem>>
        %dma_start3A_309 = arith.constant 0 : i32
        %dma_start3A_310 = tpu.memref_slice %arg8[%add3A_160, %dma_start3A_309] : memref<125x80xi32, #tpu.memory_space<vmem>> -> memref<1x80xi32, #tpu.memory_space<vmem>>
        %dma_start3A_311 = tpu.memref_squeeze %dma_start3A_310 : memref<1x80xi32, #tpu.memory_space<vmem>> -> memref<80xi32, #tpu.memory_space<vmem>>
        %dma_start3A_312 = arith.constant 0 : i32
        %dma_start3A_313 = arith.constant 0 : i32
        %dma_start3A_314 = tpu.memref_slice %arg21[%dma_start3A_312, %dma_start3A_313] : memref<10240x16xf32, #tpu.memory_space<vmem_shared>> -> memref<10240x16xf32, #tpu.memory_space<vmem_shared>>
        tpu.enqueue_indirect_dma source(%arg17 : memref<80x16xf32, #tpu.memory_space<vmem>>) target(%dma_start3A_314 : memref<10240x16xf32, #tpu.memory_space<vmem_shared>>) offsets(%dma_start3A_311 : memref<80xi32, #tpu.memory_space<vmem>>) semaphore(%run_scoped3A_308 : memref<!tpu.dma_semaphore, #tpu.memory_space<semaphore_mem>>) {add = true}
        %dma_wait3A_315 = arith.constant 0 : i32
        %dma_wait3A_316 = tpu.memref_slice %arg8[%add3A_160, %dma_wait3A_315] : memref<125x80xi32, #tpu.memory_space<vmem>> -> memref<1x80xi32, #tpu.memory_space<vmem>>
        %dma_wait3A_317 = tpu.memref_squeeze %dma_wait3A_316 : memref<1x80xi32, #tpu.memory_space<vmem>> -> memref<80xi32, #tpu.memory_space<vmem>>
        %dma_wait3A_318 = arith.constant 0 : i32
        %dma_wait3A_319 = arith.constant 0 : i32
        %dma_wait3A_320 = tpu.memref_slice %arg21[%dma_wait3A_318, %dma_wait3A_319] : memref<10240x16xf32, #tpu.memory_space<vmem_shared>> -> memref<10240x16xf32, #tpu.memory_space<vmem_shared>>
        tpu.wait_indirect_dma semaphore(%run_scoped3A_308 : memref<!tpu.dma_semaphore, #tpu.memory_space<semaphore_mem>>) src(%arg17 : memref<80x16xf32, #tpu.memory_space<vmem>>) dst(%dma_wait3A_320 : memref<10240x16xf32, #tpu.memory_space<vmem_shared>>)
        tpu.yield
      }) : () -> ()
      %dma_wait3A_161 = arith.constant 0 : i32
      %dma_wait3A_162 = arith.constant 0 : i32
      %dma_wait3A_163 = tpu.memref_slice %arg2[%dma_wait3A_161, %dma_wait3A_162] : memref<10000x64xf32, #tpu.memory_space<hbm>> -> memref<80x64xf32, #tpu.memory_space<hbm>>
      %dma_wait3A_164 = arith.constant 0 : i32
      %dma_wait3A_165 = arith.constant 0 : i32
      %dma_wait3A_166 = tpu.memref_slice %arg2[%dma_wait3A_164, %dma_wait3A_165] : memref<10000x64xf32, #tpu.memory_space<hbm>> -> memref<80x64xf32, #tpu.memory_space<hbm>>
      tpu.wait_dma2 semaphore(%arg23 : memref<!tpu.dma_semaphore, #tpu.memory_space<semaphore_mem>>) src(%dma_wait3A_166 : memref<80x64xf32, #tpu.memory_space<hbm>>) dst(%arg9 : memref<80x64xf32, #tpu.memory_space<vmem>>)
      %add3A_167 = arith.constant 0 : i32
      %add3A_168 = arith.addi %add3A_158, %add3A_167 : i32
      "tpu.region"() ({
        %run_scoped3A_308 = tpu.sem_alloc : memref<!tpu.dma_semaphore, #tpu.memory_space<semaphore_mem>>
        %dma_start3A_309 = arith.constant 0 : i32
        %dma_start3A_310 = tpu.memref_slice %arg8[%add3A_168, %dma_start3A_309] : memref<125x80xi32, #tpu.memory_space<vmem>> -> memref<1x80xi32, #tpu.memory_space<vmem>>
        %dma_start3A_311 = tpu.memref_squeeze %dma_start3A_310 : memref<1x80xi32, #tpu.memory_space<vmem>> -> memref<80xi32, #tpu.memory_space<vmem>>
        %dma_start3A_312 = arith.constant 0 : i32
        %dma_start3A_313 = arith.constant 0 : i32
        %dma_start3A_314 = tpu.memref_slice %arg20[%dma_start3A_312, %dma_start3A_313] : memref<10240x64xf32, #tpu.memory_space<vmem_shared>> -> memref<10240x64xf32, #tpu.memory_space<vmem_shared>>
        tpu.enqueue_indirect_dma source(%arg9 : memref<80x64xf32, #tpu.memory_space<vmem>>) target(%dma_start3A_314 : memref<10240x64xf32, #tpu.memory_space<vmem_shared>>) offsets(%dma_start3A_311 : memref<80xi32, #tpu.memory_space<vmem>>) semaphore(%run_scoped3A_308 : memref<!tpu.dma_semaphore, #tpu.memory_space<semaphore_mem>>) {add = true}
        %dma_wait3A_315 = arith.constant 0 : i32
        %dma_wait3A_316 = tpu.memref_slice %arg8[%add3A_168, %dma_wait3A_315] : memref<125x80xi32, #tpu.memory_space<vmem>> -> memref<1x80xi32, #tpu.memory_space<vmem>>
        %dma_wait3A_317 = tpu.memref_squeeze %dma_wait3A_316 : memref<1x80xi32, #tpu.memory_space<vmem>> -> memref<80xi32, #tpu.memory_space<vmem>>
        %dma_wait3A_318 = arith.constant 0 : i32
        %dma_wait3A_319 = arith.constant 0 : i32
        %dma_wait3A_320 = tpu.memref_slice %arg20[%dma_wait3A_318, %dma_wait3A_319] : memref<10240x64xf32, #tpu.memory_space<vmem_shared>> -> memref<10240x64xf32, #tpu.memory_space<vmem_shared>>
        tpu.wait_indirect_dma semaphore(%run_scoped3A_308 : memref<!tpu.dma_semaphore, #tpu.memory_space<semaphore_mem>>) src(%arg9 : memref<80x64xf32, #tpu.memory_space<vmem>>) dst(%dma_wait3A_320 : memref<10240x64xf32, #tpu.memory_space<vmem_shared>>)
        tpu.yield
      }) : () -> ()
      %add3A_169 = arith.constant 8 : i32
      %add3A_170 = arith.addi %add3A_158, %add3A_169 : i32
      %add3A_171 = arith.constant 0 : i32
      %add3A_172 = arith.addi %add3A_170, %add3A_171 : i32
      %lt3A = arith.constant 125 : i32
      %lt3A_173 = arith.cmpi slt, %add3A_172, %lt3A : i32
      %convert_element_type3A = arith.extui %lt3A_173 : i1 to i32
      %cond3A = arith.constant 0 : i32
      %cond3A_174 = arith.cmpi ne, %convert_element_type3A, %cond3A : i32
      scf.if %cond3A_174 {
        %add3A_308 = arith.constant 8 : i32
        %add3A_309 = arith.addi %add3A_158, %add3A_308 : i32
        %add3A_310 = arith.constant 0 : i32
        %add3A_311 = arith.addi %add3A_309, %add3A_310 : i32
        %dma_start3A_312 = arith.constant 0 : i32
        %dma_start3A_313 = tpu.memref_slice %arg7[%add3A_311, %dma_start3A_312] : memref<125x80xi32, #tpu.memory_space<vmem>> -> memref<1x80xi32, #tpu.memory_space<vmem>>
        %dma_start3A_314 = tpu.memref_squeeze %dma_start3A_313 : memref<1x80xi32, #tpu.memory_space<vmem>> -> memref<80xi32, #tpu.memory_space<vmem>>
        %dma_start3A_315 = arith.constant 0 : i32
        %dma_start3A_316 = arith.constant 0 : i32
        %dma_start3A_317 = tpu.memref_slice %arg2[%dma_start3A_315, %dma_start3A_316] : memref<10000x64xf32, #tpu.memory_space<hbm>> -> memref<10000x64xf32, #tpu.memory_space<hbm>>
        tpu.enqueue_indirect_dma source(%dma_start3A_317 : memref<10000x64xf32, #tpu.memory_space<hbm>>) target(%arg9 : memref<80x64xf32, #tpu.memory_space<vmem>>) offsets(%dma_start3A_314 : memref<80xi32, #tpu.memory_space<vmem>>) semaphore(%arg23 : memref<!tpu.dma_semaphore, #tpu.memory_space<semaphore_mem>>)
      } else {
      }
      %add3A_175 = arith.constant 1 : i32
      %add3A_176 = arith.addi %add3A_158, %add3A_175 : i32
      "tpu.region"() ({
        %run_scoped3A_308 = tpu.sem_alloc : memref<!tpu.dma_semaphore, #tpu.memory_space<semaphore_mem>>
        %dma_start3A_309 = arith.constant 0 : i32
        %dma_start3A_310 = tpu.memref_slice %arg8[%add3A_176, %dma_start3A_309] : memref<125x80xi32, #tpu.memory_space<vmem>> -> memref<1x80xi32, #tpu.memory_space<vmem>>
        %dma_start3A_311 = tpu.memref_squeeze %dma_start3A_310 : memref<1x80xi32, #tpu.memory_space<vmem>> -> memref<80xi32, #tpu.memory_space<vmem>>
        %dma_start3A_312 = arith.constant 0 : i32
        %dma_start3A_313 = arith.constant 0 : i32
        %dma_start3A_314 = tpu.memref_slice %arg21[%dma_start3A_312, %dma_start3A_313] : memref<10240x16xf32, #tpu.memory_space<vmem_shared>> -> memref<10240x16xf32, #tpu.memory_space<vmem_shared>>
        tpu.enqueue_indirect_dma source(%arg17 : memref<80x16xf32, #tpu.memory_space<vmem>>) target(%dma_start3A_314 : memref<10240x16xf32, #tpu.memory_space<vmem_shared>>) offsets(%dma_start3A_311 : memref<80xi32, #tpu.memory_space<vmem>>) semaphore(%run_scoped3A_308 : memref<!tpu.dma_semaphore, #tpu.memory_space<semaphore_mem>>) {add = true}
        %dma_wait3A_315 = arith.constant 0 : i32
        %dma_wait3A_316 = tpu.memref_slice %arg8[%add3A_176, %dma_wait3A_315] : memref<125x80xi32, #tpu.memory_space<vmem>> -> memref<1x80xi32, #tpu.memory_space<vmem>>
        %dma_wait3A_317 = tpu.memref_squeeze %dma_wait3A_316 : memref<1x80xi32, #tpu.memory_space<vmem>> -> memref<80xi32, #tpu.memory_space<vmem>>
        %dma_wait3A_318 = arith.constant 0 : i32
        %dma_wait3A_319 = arith.constant 0 : i32
        %dma_wait3A_320 = tpu.memref_slice %arg21[%dma_wait3A_318, %dma_wait3A_319] : memref<10240x16xf32, #tpu.memory_space<vmem_shared>> -> memref<10240x16xf32, #tpu.memory_space<vmem_shared>>
        tpu.wait_indirect_dma semaphore(%run_scoped3A_308 : memref<!tpu.dma_semaphore, #tpu.memory_space<semaphore_mem>>) src(%arg17 : memref<80x16xf32, #tpu.memory_space<vmem>>) dst(%dma_wait3A_320 : memref<10240x16xf32, #tpu.memory_space<vmem_shared>>)
        tpu.yield
      }) : () -> ()
      %dma_wait3A_177 = arith.constant 0 : i32
      %dma_wait3A_178 = arith.constant 0 : i32
      %dma_wait3A_179 = tpu.memref_slice %arg2[%dma_wait3A_177, %dma_wait3A_178] : memref<10000x64xf32, #tpu.memory_space<hbm>> -> memref<80x64xf32, #tpu.memory_space<hbm>>
      %dma_wait3A_180 = arith.constant 0 : i32
      %dma_wait3A_181 = arith.constant 0 : i32
      %dma_wait3A_182 = tpu.memref_slice %arg2[%dma_wait3A_180, %dma_wait3A_181] : memref<10000x64xf32, #tpu.memory_space<hbm>> -> memref<80x64xf32, #tpu.memory_space<hbm>>
      tpu.wait_dma2 semaphore(%arg24 : memref<!tpu.dma_semaphore, #tpu.memory_space<semaphore_mem>>) src(%dma_wait3A_182 : memref<80x64xf32, #tpu.memory_space<hbm>>) dst(%arg10 : memref<80x64xf32, #tpu.memory_space<vmem>>)
      %add3A_183 = arith.constant 1 : i32
      %add3A_184 = arith.addi %add3A_158, %add3A_183 : i32
      "tpu.region"() ({
        %run_scoped3A_308 = tpu.sem_alloc : memref<!tpu.dma_semaphore, #tpu.memory_space<semaphore_mem>>
        %dma_start3A_309 = arith.constant 0 : i32
        %dma_start3A_310 = tpu.memref_slice %arg8[%add3A_184, %dma_start3A_309] : memref<125x80xi32, #tpu.memory_space<vmem>> -> memref<1x80xi32, #tpu.memory_space<vmem>>
        %dma_start3A_311 = tpu.memref_squeeze %dma_start3A_310 : memref<1x80xi32, #tpu.memory_space<vmem>> -> memref<80xi32, #tpu.memory_space<vmem>>
        %dma_start3A_312 = arith.constant 0 : i32
        %dma_start3A_313 = arith.constant 0 : i32
        %dma_start3A_314 = tpu.memref_slice %arg20[%dma_start3A_312, %dma_start3A_313] : memref<10240x64xf32, #tpu.memory_space<vmem_shared>> -> memref<10240x64xf32, #tpu.memory_space<vmem_shared>>
        tpu.enqueue_indirect_dma source(%arg10 : memref<80x64xf32, #tpu.memory_space<vmem>>) target(%dma_start3A_314 : memref<10240x64xf32, #tpu.memory_space<vmem_shared>>) offsets(%dma_start3A_311 : memref<80xi32, #tpu.memory_space<vmem>>) semaphore(%run_scoped3A_308 : memref<!tpu.dma_semaphore, #tpu.memory_space<semaphore_mem>>) {add = true}
        %dma_wait3A_315 = arith.constant 0 : i32
        %dma_wait3A_316 = tpu.memref_slice %arg8[%add3A_184, %dma_wait3A_315] : memref<125x80xi32, #tpu.memory_space<vmem>> -> memref<1x80xi32, #tpu.memory_space<vmem>>
        %dma_wait3A_317 = tpu.memref_squeeze %dma_wait3A_316 : memref<1x80xi32, #tpu.memory_space<vmem>> -> memref<80xi32, #tpu.memory_space<vmem>>
        %dma_wait3A_318 = arith.constant 0 : i32
        %dma_wait3A_319 = arith.constant 0 : i32
        %dma_wait3A_320 = tpu.memref_slice %arg20[%dma_wait3A_318, %dma_wait3A_319] : memref<10240x64xf32, #tpu.memory_space<vmem_shared>> -> memref<10240x64xf32, #tpu.memory_space<vmem_shared>>
        tpu.wait_indirect_dma semaphore(%run_scoped3A_308 : memref<!tpu.dma_semaphore, #tpu.memory_space<semaphore_mem>>) src(%arg10 : memref<80x64xf32, #tpu.memory_space<vmem>>) dst(%dma_wait3A_320 : memref<10240x64xf32, #tpu.memory_space<vmem_shared>>)
        tpu.yield
      }) : () -> ()
      %add3A_185 = arith.constant 8 : i32
      %add3A_186 = arith.addi %add3A_158, %add3A_185 : i32
      %add3A_187 = arith.constant 1 : i32
      %add3A_188 = arith.addi %add3A_186, %add3A_187 : i32
      %lt3A_189 = arith.constant 125 : i32
      %lt3A_190 = arith.cmpi slt, %add3A_188, %lt3A_189 : i32
      %convert_element_type3A_191 = arith.extui %lt3A_190 : i1 to i32
      %cond3A_192 = arith.constant 0 : i32
      %cond3A_193 = arith.cmpi ne, %convert_element_type3A_191, %cond3A_192 : i32
      scf.if %cond3A_193 {
        %add3A_308 = arith.constant 8 : i32
        %add3A_309 = arith.addi %add3A_158, %add3A_308 : i32
        %add3A_310 = arith.constant 1 : i32
        %add3A_311 = arith.addi %add3A_309, %add3A_310 : i32
        %dma_start3A_312 = arith.constant 0 : i32
        %dma_start3A_313 = tpu.memref_slice %arg7[%add3A_311, %dma_start3A_312] : memref<125x80xi32, #tpu.memory_space<vmem>> -> memref<1x80xi32, #tpu.memory_space<vmem>>
        %dma_start3A_314 = tpu.memref_squeeze %dma_start3A_313 : memref<1x80xi32, #tpu.memory_space<vmem>> -> memref<80xi32, #tpu.memory_space<vmem>>
        %dma_start3A_315 = arith.constant 0 : i32
        %dma_start3A_316 = arith.constant 0 : i32
        %dma_start3A_317 = tpu.memref_slice %arg2[%dma_start3A_315, %dma_start3A_316] : memref<10000x64xf32, #tpu.memory_space<hbm>> -> memref<10000x64xf32, #tpu.memory_space<hbm>>
        tpu.enqueue_indirect_dma source(%dma_start3A_317 : memref<10000x64xf32, #tpu.memory_space<hbm>>) target(%arg10 : memref<80x64xf32, #tpu.memory_space<vmem>>) offsets(%dma_start3A_314 : memref<80xi32, #tpu.memory_space<vmem>>) semaphore(%arg24 : memref<!tpu.dma_semaphore, #tpu.memory_space<semaphore_mem>>)
      } else {
      }
      %add3A_194 = arith.constant 2 : i32
      %add3A_195 = arith.addi %add3A_158, %add3A_194 : i32
      "tpu.region"() ({
        %run_scoped3A_308 = tpu.sem_alloc : memref<!tpu.dma_semaphore, #tpu.memory_space<semaphore_mem>>
        %dma_start3A_309 = arith.constant 0 : i32
        %dma_start3A_310 = tpu.memref_slice %arg8[%add3A_195, %dma_start3A_309] : memref<125x80xi32, #tpu.memory_space<vmem>> -> memref<1x80xi32, #tpu.memory_space<vmem>>
        %dma_start3A_311 = tpu.memref_squeeze %dma_start3A_310 : memref<1x80xi32, #tpu.memory_space<vmem>> -> memref<80xi32, #tpu.memory_space<vmem>>
        %dma_start3A_312 = arith.constant 0 : i32
        %dma_start3A_313 = arith.constant 0 : i32
        %dma_start3A_314 = tpu.memref_slice %arg21[%dma_start3A_312, %dma_start3A_313] : memref<10240x16xf32, #tpu.memory_space<vmem_shared>> -> memref<10240x16xf32, #tpu.memory_space<vmem_shared>>
        tpu.enqueue_indirect_dma source(%arg17 : memref<80x16xf32, #tpu.memory_space<vmem>>) target(%dma_start3A_314 : memref<10240x16xf32, #tpu.memory_space<vmem_shared>>) offsets(%dma_start3A_311 : memref<80xi32, #tpu.memory_space<vmem>>) semaphore(%run_scoped3A_308 : memref<!tpu.dma_semaphore, #tpu.memory_space<semaphore_mem>>) {add = true}
        %dma_wait3A_315 = arith.constant 0 : i32
        %dma_wait3A_316 = tpu.memref_slice %arg8[%add3A_195, %dma_wait3A_315] : memref<125x80xi32, #tpu.memory_space<vmem>> -> memref<1x80xi32, #tpu.memory_space<vmem>>
        %dma_wait3A_317 = tpu.memref_squeeze %dma_wait3A_316 : memref<1x80xi32, #tpu.memory_space<vmem>> -> memref<80xi32, #tpu.memory_space<vmem>>
        %dma_wait3A_318 = arith.constant 0 : i32
        %dma_wait3A_319 = arith.constant 0 : i32
        %dma_wait3A_320 = tpu.memref_slice %arg21[%dma_wait3A_318, %dma_wait3A_319] : memref<10240x16xf32, #tpu.memory_space<vmem_shared>> -> memref<10240x16xf32, #tpu.memory_space<vmem_shared>>
        tpu.wait_indirect_dma semaphore(%run_scoped3A_308 : memref<!tpu.dma_semaphore, #tpu.memory_space<semaphore_mem>>) src(%arg17 : memref<80x16xf32, #tpu.memory_space<vmem>>) dst(%dma_wait3A_320 : memref<10240x16xf32, #tpu.memory_space<vmem_shared>>)
        tpu.yield
      }) : () -> ()
      %dma_wait3A_196 = arith.constant 0 : i32
      %dma_wait3A_197 = arith.constant 0 : i32
      %dma_wait3A_198 = tpu.memref_slice %arg2[%dma_wait3A_196, %dma_wait3A_197] : memref<10000x64xf32, #tpu.memory_space<hbm>> -> memref<80x64xf32, #tpu.memory_space<hbm>>
      %dma_wait3A_199 = arith.constant 0 : i32
      %dma_wait3A_200 = arith.constant 0 : i32
      %dma_wait3A_201 = tpu.memref_slice %arg2[%dma_wait3A_199, %dma_wait3A_200] : memref<10000x64xf32, #tpu.memory_space<hbm>> -> memref<80x64xf32, #tpu.memory_space<hbm>>
      tpu.wait_dma2 semaphore(%arg25 : memref<!tpu.dma_semaphore, #tpu.memory_space<semaphore_mem>>) src(%dma_wait3A_201 : memref<80x64xf32, #tpu.memory_space<hbm>>) dst(%arg11 : memref<80x64xf32, #tpu.memory_space<vmem>>)
      %add3A_202 = arith.constant 2 : i32
      %add3A_203 = arith.addi %add3A_158, %add3A_202 : i32
      "tpu.region"() ({
        %run_scoped3A_308 = tpu.sem_alloc : memref<!tpu.dma_semaphore, #tpu.memory_space<semaphore_mem>>
        %dma_start3A_309 = arith.constant 0 : i32
        %dma_start3A_310 = tpu.memref_slice %arg8[%add3A_203, %dma_start3A_309] : memref<125x80xi32, #tpu.memory_space<vmem>> -> memref<1x80xi32, #tpu.memory_space<vmem>>
        %dma_start3A_311 = tpu.memref_squeeze %dma_start3A_310 : memref<1x80xi32, #tpu.memory_space<vmem>> -> memref<80xi32, #tpu.memory_space<vmem>>
        %dma_start3A_312 = arith.constant 0 : i32
        %dma_start3A_313 = arith.constant 0 : i32
        %dma_start3A_314 = tpu.memref_slice %arg20[%dma_start3A_312, %dma_start3A_313] : memref<10240x64xf32, #tpu.memory_space<vmem_shared>> -> memref<10240x64xf32, #tpu.memory_space<vmem_shared>>
        tpu.enqueue_indirect_dma source(%arg11 : memref<80x64xf32, #tpu.memory_space<vmem>>) target(%dma_start3A_314 : memref<10240x64xf32, #tpu.memory_space<vmem_shared>>) offsets(%dma_start3A_311 : memref<80xi32, #tpu.memory_space<vmem>>) semaphore(%run_scoped3A_308 : memref<!tpu.dma_semaphore, #tpu.memory_space<semaphore_mem>>) {add = true}
        %dma_wait3A_315 = arith.constant 0 : i32
        %dma_wait3A_316 = tpu.memref_slice %arg8[%add3A_203, %dma_wait3A_315] : memref<125x80xi32, #tpu.memory_space<vmem>> -> memref<1x80xi32, #tpu.memory_space<vmem>>
        %dma_wait3A_317 = tpu.memref_squeeze %dma_wait3A_316 : memref<1x80xi32, #tpu.memory_space<vmem>> -> memref<80xi32, #tpu.memory_space<vmem>>
        %dma_wait3A_318 = arith.constant 0 : i32
        %dma_wait3A_319 = arith.constant 0 : i32
        %dma_wait3A_320 = tpu.memref_slice %arg20[%dma_wait3A_318, %dma_wait3A_319] : memref<10240x64xf32, #tpu.memory_space<vmem_shared>> -> memref<10240x64xf32, #tpu.memory_space<vmem_shared>>
        tpu.wait_indirect_dma semaphore(%run_scoped3A_308 : memref<!tpu.dma_semaphore, #tpu.memory_space<semaphore_mem>>) src(%arg11 : memref<80x64xf32, #tpu.memory_space<vmem>>) dst(%dma_wait3A_320 : memref<10240x64xf32, #tpu.memory_space<vmem_shared>>)
        tpu.yield
      }) : () -> ()
      %add3A_204 = arith.constant 8 : i32
      %add3A_205 = arith.addi %add3A_158, %add3A_204 : i32
      %add3A_206 = arith.constant 2 : i32
      %add3A_207 = arith.addi %add3A_205, %add3A_206 : i32
      %lt3A_208 = arith.constant 125 : i32
      %lt3A_209 = arith.cmpi slt, %add3A_207, %lt3A_208 : i32
      %convert_element_type3A_210 = arith.extui %lt3A_209 : i1 to i32
      %cond3A_211 = arith.constant 0 : i32
      %cond3A_212 = arith.cmpi ne, %convert_element_type3A_210, %cond3A_211 : i32
      scf.if %cond3A_212 {
        %add3A_308 = arith.constant 8 : i32
        %add3A_309 = arith.addi %add3A_158, %add3A_308 : i32
        %add3A_310 = arith.constant 2 : i32
        %add3A_311 = arith.addi %add3A_309, %add3A_310 : i32
        %dma_start3A_312 = arith.constant 0 : i32
        %dma_start3A_313 = tpu.memref_slice %arg7[%add3A_311, %dma_start3A_312] : memref<125x80xi32, #tpu.memory_space<vmem>> -> memref<1x80xi32, #tpu.memory_space<vmem>>
        %dma_start3A_314 = tpu.memref_squeeze %dma_start3A_313 : memref<1x80xi32, #tpu.memory_space<vmem>> -> memref<80xi32, #tpu.memory_space<vmem>>
        %dma_start3A_315 = arith.constant 0 : i32
        %dma_start3A_316 = arith.constant 0 : i32
        %dma_start3A_317 = tpu.memref_slice %arg2[%dma_start3A_315, %dma_start3A_316] : memref<10000x64xf32, #tpu.memory_space<hbm>> -> memref<10000x64xf32, #tpu.memory_space<hbm>>
        tpu.enqueue_indirect_dma source(%dma_start3A_317 : memref<10000x64xf32, #tpu.memory_space<hbm>>) target(%arg11 : memref<80x64xf32, #tpu.memory_space<vmem>>) offsets(%dma_start3A_314 : memref<80xi32, #tpu.memory_space<vmem>>) semaphore(%arg25 : memref<!tpu.dma_semaphore, #tpu.memory_space<semaphore_mem>>)
      } else {
      }
      %add3A_213 = arith.constant 3 : i32
      %add3A_214 = arith.addi %add3A_158, %add3A_213 : i32
      "tpu.region"() ({
        %run_scoped3A_308 = tpu.sem_alloc : memref<!tpu.dma_semaphore, #tpu.memory_space<semaphore_mem>>
        %dma_start3A_309 = arith.constant 0 : i32
        %dma_start3A_310 = tpu.memref_slice %arg8[%add3A_214, %dma_start3A_309] : memref<125x80xi32, #tpu.memory_space<vmem>> -> memref<1x80xi32, #tpu.memory_space<vmem>>
        %dma_start3A_311 = tpu.memref_squeeze %dma_start3A_310 : memref<1x80xi32, #tpu.memory_space<vmem>> -> memref<80xi32, #tpu.memory_space<vmem>>
        %dma_start3A_312 = arith.constant 0 : i32
        %dma_start3A_313 = arith.constant 0 : i32
        %dma_start3A_314 = tpu.memref_slice %arg21[%dma_start3A_312, %dma_start3A_313] : memref<10240x16xf32, #tpu.memory_space<vmem_shared>> -> memref<10240x16xf32, #tpu.memory_space<vmem_shared>>
        tpu.enqueue_indirect_dma source(%arg17 : memref<80x16xf32, #tpu.memory_space<vmem>>) target(%dma_start3A_314 : memref<10240x16xf32, #tpu.memory_space<vmem_shared>>) offsets(%dma_start3A_311 : memref<80xi32, #tpu.memory_space<vmem>>) semaphore(%run_scoped3A_308 : memref<!tpu.dma_semaphore, #tpu.memory_space<semaphore_mem>>) {add = true}
        %dma_wait3A_315 = arith.constant 0 : i32
        %dma_wait3A_316 = tpu.memref_slice %arg8[%add3A_214, %dma_wait3A_315] : memref<125x80xi32, #tpu.memory_space<vmem>> -> memref<1x80xi32, #tpu.memory_space<vmem>>
        %dma_wait3A_317 = tpu.memref_squeeze %dma_wait3A_316 : memref<1x80xi32, #tpu.memory_space<vmem>> -> memref<80xi32, #tpu.memory_space<vmem>>
        %dma_wait3A_318 = arith.constant 0 : i32
        %dma_wait3A_319 = arith.constant 0 : i32
        %dma_wait3A_320 = tpu.memref_slice %arg21[%dma_wait3A_318, %dma_wait3A_319] : memref<10240x16xf32, #tpu.memory_space<vmem_shared>> -> memref<10240x16xf32, #tpu.memory_space<vmem_shared>>
        tpu.wait_indirect_dma semaphore(%run_scoped3A_308 : memref<!tpu.dma_semaphore, #tpu.memory_space<semaphore_mem>>) src(%arg17 : memref<80x16xf32, #tpu.memory_space<vmem>>) dst(%dma_wait3A_320 : memref<10240x16xf32, #tpu.memory_space<vmem_shared>>)
        tpu.yield
      }) : () -> ()
      %dma_wait3A_215 = arith.constant 0 : i32
      %dma_wait3A_216 = arith.constant 0 : i32
      %dma_wait3A_217 = tpu.memref_slice %arg2[%dma_wait3A_215, %dma_wait3A_216] : memref<10000x64xf32, #tpu.memory_space<hbm>> -> memref<80x64xf32, #tpu.memory_space<hbm>>
      %dma_wait3A_218 = arith.constant 0 : i32
      %dma_wait3A_219 = arith.constant 0 : i32
      %dma_wait3A_220 = tpu.memref_slice %arg2[%dma_wait3A_218, %dma_wait3A_219] : memref<10000x64xf32, #tpu.memory_space<hbm>> -> memref<80x64xf32, #tpu.memory_space<hbm>>
      tpu.wait_dma2 semaphore(%arg26 : memref<!tpu.dma_semaphore, #tpu.memory_space<semaphore_mem>>) src(%dma_wait3A_220 : memref<80x64xf32, #tpu.memory_space<hbm>>) dst(%arg12 : memref<80x64xf32, #tpu.memory_space<vmem>>)
      %add3A_221 = arith.constant 3 : i32
      %add3A_222 = arith.addi %add3A_158, %add3A_221 : i32
      "tpu.region"() ({
        %run_scoped3A_308 = tpu.sem_alloc : memref<!tpu.dma_semaphore, #tpu.memory_space<semaphore_mem>>
        %dma_start3A_309 = arith.constant 0 : i32
        %dma_start3A_310 = tpu.memref_slice %arg8[%add3A_222, %dma_start3A_309] : memref<125x80xi32, #tpu.memory_space<vmem>> -> memref<1x80xi32, #tpu.memory_space<vmem>>
        %dma_start3A_311 = tpu.memref_squeeze %dma_start3A_310 : memref<1x80xi32, #tpu.memory_space<vmem>> -> memref<80xi32, #tpu.memory_space<vmem>>
        %dma_start3A_312 = arith.constant 0 : i32
        %dma_start3A_313 = arith.constant 0 : i32
        %dma_start3A_314 = tpu.memref_slice %arg20[%dma_start3A_312, %dma_start3A_313] : memref<10240x64xf32, #tpu.memory_space<vmem_shared>> -> memref<10240x64xf32, #tpu.memory_space<vmem_shared>>
        tpu.enqueue_indirect_dma source(%arg12 : memref<80x64xf32, #tpu.memory_space<vmem>>) target(%dma_start3A_314 : memref<10240x64xf32, #tpu.memory_space<vmem_shared>>) offsets(%dma_start3A_311 : memref<80xi32, #tpu.memory_space<vmem>>) semaphore(%run_scoped3A_308 : memref<!tpu.dma_semaphore, #tpu.memory_space<semaphore_mem>>) {add = true}
        %dma_wait3A_315 = arith.constant 0 : i32
        %dma_wait3A_316 = tpu.memref_slice %arg8[%add3A_222, %dma_wait3A_315] : memref<125x80xi32, #tpu.memory_space<vmem>> -> memref<1x80xi32, #tpu.memory_space<vmem>>
        %dma_wait3A_317 = tpu.memref_squeeze %dma_wait3A_316 : memref<1x80xi32, #tpu.memory_space<vmem>> -> memref<80xi32, #tpu.memory_space<vmem>>
        %dma_wait3A_318 = arith.constant 0 : i32
        %dma_wait3A_319 = arith.constant 0 : i32
        %dma_wait3A_320 = tpu.memref_slice %arg20[%dma_wait3A_318, %dma_wait3A_319] : memref<10240x64xf32, #tpu.memory_space<vmem_shared>> -> memref<10240x64xf32, #tpu.memory_space<vmem_shared>>
        tpu.wait_indirect_dma semaphore(%run_scoped3A_308 : memref<!tpu.dma_semaphore, #tpu.memory_space<semaphore_mem>>) src(%arg12 : memref<80x64xf32, #tpu.memory_space<vmem>>) dst(%dma_wait3A_320 : memref<10240x64xf32, #tpu.memory_space<vmem_shared>>)
        tpu.yield
      }) : () -> ()
      %add3A_223 = arith.constant 8 : i32
      %add3A_224 = arith.addi %add3A_158, %add3A_223 : i32
      %add3A_225 = arith.constant 3 : i32
      %add3A_226 = arith.addi %add3A_224, %add3A_225 : i32
      %lt3A_227 = arith.constant 125 : i32
      %lt3A_228 = arith.cmpi slt, %add3A_226, %lt3A_227 : i32
      %convert_element_type3A_229 = arith.extui %lt3A_228 : i1 to i32
      %cond3A_230 = arith.constant 0 : i32
      %cond3A_231 = arith.cmpi ne, %convert_element_type3A_229, %cond3A_230 : i32
      scf.if %cond3A_231 {
        %add3A_308 = arith.constant 8 : i32
        %add3A_309 = arith.addi %add3A_158, %add3A_308 : i32
        %add3A_310 = arith.constant 3 : i32
        %add3A_311 = arith.addi %add3A_309, %add3A_310 : i32
        %dma_start3A_312 = arith.constant 0 : i32
        %dma_start3A_313 = tpu.memref_slice %arg7[%add3A_311, %dma_start3A_312] : memref<125x80xi32, #tpu.memory_space<vmem>> -> memref<1x80xi32, #tpu.memory_space<vmem>>
        %dma_start3A_314 = tpu.memref_squeeze %dma_start3A_313 : memref<1x80xi32, #tpu.memory_space<vmem>> -> memref<80xi32, #tpu.memory_space<vmem>>
        %dma_start3A_315 = arith.constant 0 : i32
        %dma_start3A_316 = arith.constant 0 : i32
        %dma_start3A_317 = tpu.memref_slice %arg2[%dma_start3A_315, %dma_start3A_316] : memref<10000x64xf32, #tpu.memory_space<hbm>> -> memref<10000x64xf32, #tpu.memory_space<hbm>>
        tpu.enqueue_indirect_dma source(%dma_start3A_317 : memref<10000x64xf32, #tpu.memory_space<hbm>>) target(%arg12 : memref<80x64xf32, #tpu.memory_space<vmem>>) offsets(%dma_start3A_314 : memref<80xi32, #tpu.memory_space<vmem>>) semaphore(%arg26 : memref<!tpu.dma_semaphore, #tpu.memory_space<semaphore_mem>>)
      } else {
      }
      %add3A_232 = arith.constant 4 : i32
      %add3A_233 = arith.addi %add3A_158, %add3A_232 : i32
      "tpu.region"() ({
        %run_scoped3A_308 = tpu.sem_alloc : memref<!tpu.dma_semaphore, #tpu.memory_space<semaphore_mem>>
        %dma_start3A_309 = arith.constant 0 : i32
        %dma_start3A_310 = tpu.memref_slice %arg8[%add3A_233, %dma_start3A_309] : memref<125x80xi32, #tpu.memory_space<vmem>> -> memref<1x80xi32, #tpu.memory_space<vmem>>
        %dma_start3A_311 = tpu.memref_squeeze %dma_start3A_310 : memref<1x80xi32, #tpu.memory_space<vmem>> -> memref<80xi32, #tpu.memory_space<vmem>>
        %dma_start3A_312 = arith.constant 0 : i32
        %dma_start3A_313 = arith.constant 0 : i32
        %dma_start3A_314 = tpu.memref_slice %arg21[%dma_start3A_312, %dma_start3A_313] : memref<10240x16xf32, #tpu.memory_space<vmem_shared>> -> memref<10240x16xf32, #tpu.memory_space<vmem_shared>>
        tpu.enqueue_indirect_dma source(%arg17 : memref<80x16xf32, #tpu.memory_space<vmem>>) target(%dma_start3A_314 : memref<10240x16xf32, #tpu.memory_space<vmem_shared>>) offsets(%dma_start3A_311 : memref<80xi32, #tpu.memory_space<vmem>>) semaphore(%run_scoped3A_308 : memref<!tpu.dma_semaphore, #tpu.memory_space<semaphore_mem>>) {add = true}
        %dma_wait3A_315 = arith.constant 0 : i32
        %dma_wait3A_316 = tpu.memref_slice %arg8[%add3A_233, %dma_wait3A_315] : memref<125x80xi32, #tpu.memory_space<vmem>> -> memref<1x80xi32, #tpu.memory_space<vmem>>
        %dma_wait3A_317 = tpu.memref_squeeze %dma_wait3A_316 : memref<1x80xi32, #tpu.memory_space<vmem>> -> memref<80xi32, #tpu.memory_space<vmem>>
        %dma_wait3A_318 = arith.constant 0 : i32
        %dma_wait3A_319 = arith.constant 0 : i32
        %dma_wait3A_320 = tpu.memref_slice %arg21[%dma_wait3A_318, %dma_wait3A_319] : memref<10240x16xf32, #tpu.memory_space<vmem_shared>> -> memref<10240x16xf32, #tpu.memory_space<vmem_shared>>
        tpu.wait_indirect_dma semaphore(%run_scoped3A_308 : memref<!tpu.dma_semaphore, #tpu.memory_space<semaphore_mem>>) src(%arg17 : memref<80x16xf32, #tpu.memory_space<vmem>>) dst(%dma_wait3A_320 : memref<10240x16xf32, #tpu.memory_space<vmem_shared>>)
        tpu.yield
      }) : () -> ()
      %dma_wait3A_234 = arith.constant 0 : i32
      %dma_wait3A_235 = arith.constant 0 : i32
      %dma_wait3A_236 = tpu.memref_slice %arg2[%dma_wait3A_234, %dma_wait3A_235] : memref<10000x64xf32, #tpu.memory_space<hbm>> -> memref<80x64xf32, #tpu.memory_space<hbm>>
      %dma_wait3A_237 = arith.constant 0 : i32
      %dma_wait3A_238 = arith.constant 0 : i32
      %dma_wait3A_239 = tpu.memref_slice %arg2[%dma_wait3A_237, %dma_wait3A_238] : memref<10000x64xf32, #tpu.memory_space<hbm>> -> memref<80x64xf32, #tpu.memory_space<hbm>>
      tpu.wait_dma2 semaphore(%arg27 : memref<!tpu.dma_semaphore, #tpu.memory_space<semaphore_mem>>) src(%dma_wait3A_239 : memref<80x64xf32, #tpu.memory_space<hbm>>) dst(%arg13 : memref<80x64xf32, #tpu.memory_space<vmem>>)
      %add3A_240 = arith.constant 4 : i32
      %add3A_241 = arith.addi %add3A_158, %add3A_240 : i32
      "tpu.region"() ({
        %run_scoped3A_308 = tpu.sem_alloc : memref<!tpu.dma_semaphore, #tpu.memory_space<semaphore_mem>>
        %dma_start3A_309 = arith.constant 0 : i32
        %dma_start3A_310 = tpu.memref_slice %arg8[%add3A_241, %dma_start3A_309] : memref<125x80xi32, #tpu.memory_space<vmem>> -> memref<1x80xi32, #tpu.memory_space<vmem>>
        %dma_start3A_311 = tpu.memref_squeeze %dma_start3A_310 : memref<1x80xi32, #tpu.memory_space<vmem>> -> memref<80xi32, #tpu.memory_space<vmem>>
        %dma_start3A_312 = arith.constant 0 : i32
        %dma_start3A_313 = arith.constant 0 : i32
        %dma_start3A_314 = tpu.memref_slice %arg20[%dma_start3A_312, %dma_start3A_313] : memref<10240x64xf32, #tpu.memory_space<vmem_shared>> -> memref<10240x64xf32, #tpu.memory_space<vmem_shared>>
        tpu.enqueue_indirect_dma source(%arg13 : memref<80x64xf32, #tpu.memory_space<vmem>>) target(%dma_start3A_314 : memref<10240x64xf32, #tpu.memory_space<vmem_shared>>) offsets(%dma_start3A_311 : memref<80xi32, #tpu.memory_space<vmem>>) semaphore(%run_scoped3A_308 : memref<!tpu.dma_semaphore, #tpu.memory_space<semaphore_mem>>) {add = true}
        %dma_wait3A_315 = arith.constant 0 : i32
        %dma_wait3A_316 = tpu.memref_slice %arg8[%add3A_241, %dma_wait3A_315] : memref<125x80xi32, #tpu.memory_space<vmem>> -> memref<1x80xi32, #tpu.memory_space<vmem>>
        %dma_wait3A_317 = tpu.memref_squeeze %dma_wait3A_316 : memref<1x80xi32, #tpu.memory_space<vmem>> -> memref<80xi32, #tpu.memory_space<vmem>>
        %dma_wait3A_318 = arith.constant 0 : i32
        %dma_wait3A_319 = arith.constant 0 : i32
        %dma_wait3A_320 = tpu.memref_slice %arg20[%dma_wait3A_318, %dma_wait3A_319] : memref<10240x64xf32, #tpu.memory_space<vmem_shared>> -> memref<10240x64xf32, #tpu.memory_space<vmem_shared>>
        tpu.wait_indirect_dma semaphore(%run_scoped3A_308 : memref<!tpu.dma_semaphore, #tpu.memory_space<semaphore_mem>>) src(%arg13 : memref<80x64xf32, #tpu.memory_space<vmem>>) dst(%dma_wait3A_320 : memref<10240x64xf32, #tpu.memory_space<vmem_shared>>)
        tpu.yield
      }) : () -> ()
      %add3A_242 = arith.constant 8 : i32
      %add3A_243 = arith.addi %add3A_158, %add3A_242 : i32
      %add3A_244 = arith.constant 4 : i32
      %add3A_245 = arith.addi %add3A_243, %add3A_244 : i32
      %lt3A_246 = arith.constant 125 : i32
      %lt3A_247 = arith.cmpi slt, %add3A_245, %lt3A_246 : i32
      %convert_element_type3A_248 = arith.extui %lt3A_247 : i1 to i32
      %cond3A_249 = arith.constant 0 : i32
      %cond3A_250 = arith.cmpi ne, %convert_element_type3A_248, %cond3A_249 : i32
      scf.if %cond3A_250 {
        %add3A_308 = arith.constant 8 : i32
        %add3A_309 = arith.addi %add3A_158, %add3A_308 : i32
        %add3A_310 = arith.constant 4 : i32
        %add3A_311 = arith.addi %add3A_309, %add3A_310 : i32
        %dma_start3A_312 = arith.constant 0 : i32
        %dma_start3A_313 = tpu.memref_slice %arg7[%add3A_311, %dma_start3A_312] : memref<125x80xi32, #tpu.memory_space<vmem>> -> memref<1x80xi32, #tpu.memory_space<vmem>>
        %dma_start3A_314 = tpu.memref_squeeze %dma_start3A_313 : memref<1x80xi32, #tpu.memory_space<vmem>> -> memref<80xi32, #tpu.memory_space<vmem>>
        %dma_start3A_315 = arith.constant 0 : i32
        %dma_start3A_316 = arith.constant 0 : i32
        %dma_start3A_317 = tpu.memref_slice %arg2[%dma_start3A_315, %dma_start3A_316] : memref<10000x64xf32, #tpu.memory_space<hbm>> -> memref<10000x64xf32, #tpu.memory_space<hbm>>
        tpu.enqueue_indirect_dma source(%dma_start3A_317 : memref<10000x64xf32, #tpu.memory_space<hbm>>) target(%arg13 : memref<80x64xf32, #tpu.memory_space<vmem>>) offsets(%dma_start3A_314 : memref<80xi32, #tpu.memory_space<vmem>>) semaphore(%arg27 : memref<!tpu.dma_semaphore, #tpu.memory_space<semaphore_mem>>)
      } else {
      }
      %add3A_251 = arith.constant 5 : i32
      %add3A_252 = arith.addi %add3A_158, %add3A_251 : i32
      "tpu.region"() ({
        %run_scoped3A_308 = tpu.sem_alloc : memref<!tpu.dma_semaphore, #tpu.memory_space<semaphore_mem>>
        %dma_start3A_309 = arith.constant 0 : i32
        %dma_start3A_310 = tpu.memref_slice %arg8[%add3A_252, %dma_start3A_309] : memref<125x80xi32, #tpu.memory_space<vmem>> -> memref<1x80xi32, #tpu.memory_space<vmem>>
        %dma_start3A_311 = tpu.memref_squeeze %dma_start3A_310 : memref<1x80xi32, #tpu.memory_space<vmem>> -> memref<80xi32, #tpu.memory_space<vmem>>
        %dma_start3A_312 = arith.constant 0 : i32
        %dma_start3A_313 = arith.constant 0 : i32
        %dma_start3A_314 = tpu.memref_slice %arg21[%dma_start3A_312, %dma_start3A_313] : memref<10240x16xf32, #tpu.memory_space<vmem_shared>> -> memref<10240x16xf32, #tpu.memory_space<vmem_shared>>
        tpu.enqueue_indirect_dma source(%arg17 : memref<80x16xf32, #tpu.memory_space<vmem>>) target(%dma_start3A_314 : memref<10240x16xf32, #tpu.memory_space<vmem_shared>>) offsets(%dma_start3A_311 : memref<80xi32, #tpu.memory_space<vmem>>) semaphore(%run_scoped3A_308 : memref<!tpu.dma_semaphore, #tpu.memory_space<semaphore_mem>>) {add = true}
        %dma_wait3A_315 = arith.constant 0 : i32
        %dma_wait3A_316 = tpu.memref_slice %arg8[%add3A_252, %dma_wait3A_315] : memref<125x80xi32, #tpu.memory_space<vmem>> -> memref<1x80xi32, #tpu.memory_space<vmem>>
        %dma_wait3A_317 = tpu.memref_squeeze %dma_wait3A_316 : memref<1x80xi32, #tpu.memory_space<vmem>> -> memref<80xi32, #tpu.memory_space<vmem>>
        %dma_wait3A_318 = arith.constant 0 : i32
        %dma_wait3A_319 = arith.constant 0 : i32
        %dma_wait3A_320 = tpu.memref_slice %arg21[%dma_wait3A_318, %dma_wait3A_319] : memref<10240x16xf32, #tpu.memory_space<vmem_shared>> -> memref<10240x16xf32, #tpu.memory_space<vmem_shared>>
        tpu.wait_indirect_dma semaphore(%run_scoped3A_308 : memref<!tpu.dma_semaphore, #tpu.memory_space<semaphore_mem>>) src(%arg17 : memref<80x16xf32, #tpu.memory_space<vmem>>) dst(%dma_wait3A_320 : memref<10240x16xf32, #tpu.memory_space<vmem_shared>>)
        tpu.yield
      }) : () -> ()
      %dma_wait3A_253 = arith.constant 0 : i32
      %dma_wait3A_254 = arith.constant 0 : i32
      %dma_wait3A_255 = tpu.memref_slice %arg2[%dma_wait3A_253, %dma_wait3A_254] : memref<10000x64xf32, #tpu.memory_space<hbm>> -> memref<80x64xf32, #tpu.memory_space<hbm>>
      %dma_wait3A_256 = arith.constant 0 : i32
      %dma_wait3A_257 = arith.constant 0 : i32
      %dma_wait3A_258 = tpu.memref_slice %arg2[%dma_wait3A_256, %dma_wait3A_257] : memref<10000x64xf32, #tpu.memory_space<hbm>> -> memref<80x64xf32, #tpu.memory_space<hbm>>
      tpu.wait_dma2 semaphore(%arg28 : memref<!tpu.dma_semaphore, #tpu.memory_space<semaphore_mem>>) src(%dma_wait3A_258 : memref<80x64xf32, #tpu.memory_space<hbm>>) dst(%arg14 : memref<80x64xf32, #tpu.memory_space<vmem>>)
      %add3A_259 = arith.constant 5 : i32
      %add3A_260 = arith.addi %add3A_158, %add3A_259 : i32
      "tpu.region"() ({
        %run_scoped3A_308 = tpu.sem_alloc : memref<!tpu.dma_semaphore, #tpu.memory_space<semaphore_mem>>
        %dma_start3A_309 = arith.constant 0 : i32
        %dma_start3A_310 = tpu.memref_slice %arg8[%add3A_260, %dma_start3A_309] : memref<125x80xi32, #tpu.memory_space<vmem>> -> memref<1x80xi32, #tpu.memory_space<vmem>>
        %dma_start3A_311 = tpu.memref_squeeze %dma_start3A_310 : memref<1x80xi32, #tpu.memory_space<vmem>> -> memref<80xi32, #tpu.memory_space<vmem>>
        %dma_start3A_312 = arith.constant 0 : i32
        %dma_start3A_313 = arith.constant 0 : i32
        %dma_start3A_314 = tpu.memref_slice %arg20[%dma_start3A_312, %dma_start3A_313] : memref<10240x64xf32, #tpu.memory_space<vmem_shared>> -> memref<10240x64xf32, #tpu.memory_space<vmem_shared>>
        tpu.enqueue_indirect_dma source(%arg14 : memref<80x64xf32, #tpu.memory_space<vmem>>) target(%dma_start3A_314 : memref<10240x64xf32, #tpu.memory_space<vmem_shared>>) offsets(%dma_start3A_311 : memref<80xi32, #tpu.memory_space<vmem>>) semaphore(%run_scoped3A_308 : memref<!tpu.dma_semaphore, #tpu.memory_space<semaphore_mem>>) {add = true}
        %dma_wait3A_315 = arith.constant 0 : i32
        %dma_wait3A_316 = tpu.memref_slice %arg8[%add3A_260, %dma_wait3A_315] : memref<125x80xi32, #tpu.memory_space<vmem>> -> memref<1x80xi32, #tpu.memory_space<vmem>>
        %dma_wait3A_317 = tpu.memref_squeeze %dma_wait3A_316 : memref<1x80xi32, #tpu.memory_space<vmem>> -> memref<80xi32, #tpu.memory_space<vmem>>
        %dma_wait3A_318 = arith.constant 0 : i32
        %dma_wait3A_319 = arith.constant 0 : i32
        %dma_wait3A_320 = tpu.memref_slice %arg20[%dma_wait3A_318, %dma_wait3A_319] : memref<10240x64xf32, #tpu.memory_space<vmem_shared>> -> memref<10240x64xf32, #tpu.memory_space<vmem_shared>>
        tpu.wait_indirect_dma semaphore(%run_scoped3A_308 : memref<!tpu.dma_semaphore, #tpu.memory_space<semaphore_mem>>) src(%arg14 : memref<80x64xf32, #tpu.memory_space<vmem>>) dst(%dma_wait3A_320 : memref<10240x64xf32, #tpu.memory_space<vmem_shared>>)
        tpu.yield
      }) : () -> ()
      %add3A_261 = arith.constant 8 : i32
      %add3A_262 = arith.addi %add3A_158, %add3A_261 : i32
      %add3A_263 = arith.constant 5 : i32
      %add3A_264 = arith.addi %add3A_262, %add3A_263 : i32
      %lt3A_265 = arith.constant 125 : i32
      %lt3A_266 = arith.cmpi slt, %add3A_264, %lt3A_265 : i32
      %convert_element_type3A_267 = arith.extui %lt3A_266 : i1 to i32
      %cond3A_268 = arith.constant 0 : i32
      %cond3A_269 = arith.cmpi ne, %convert_element_type3A_267, %cond3A_268 : i32
      scf.if %cond3A_269 {
        %add3A_308 = arith.constant 8 : i32
        %add3A_309 = arith.addi %add3A_158, %add3A_308 : i32
        %add3A_310 = arith.constant 5 : i32
        %add3A_311 = arith.addi %add3A_309, %add3A_310 : i32
        %dma_start3A_312 = arith.constant 0 : i32
        %dma_start3A_313 = tpu.memref_slice %arg7[%add3A_311, %dma_start3A_312] : memref<125x80xi32, #tpu.memory_space<vmem>> -> memref<1x80xi32, #tpu.memory_space<vmem>>
        %dma_start3A_314 = tpu.memref_squeeze %dma_start3A_313 : memref<1x80xi32, #tpu.memory_space<vmem>> -> memref<80xi32, #tpu.memory_space<vmem>>
        %dma_start3A_315 = arith.constant 0 : i32
        %dma_start3A_316 = arith.constant 0 : i32
        %dma_start3A_317 = tpu.memref_slice %arg2[%dma_start3A_315, %dma_start3A_316] : memref<10000x64xf32, #tpu.memory_space<hbm>> -> memref<10000x64xf32, #tpu.memory_space<hbm>>
        tpu.enqueue_indirect_dma source(%dma_start3A_317 : memref<10000x64xf32, #tpu.memory_space<hbm>>) target(%arg14 : memref<80x64xf32, #tpu.memory_space<vmem>>) offsets(%dma_start3A_314 : memref<80xi32, #tpu.memory_space<vmem>>) semaphore(%arg28 : memref<!tpu.dma_semaphore, #tpu.memory_space<semaphore_mem>>)
      } else {
      }
      %add3A_270 = arith.constant 6 : i32
      %add3A_271 = arith.addi %add3A_158, %add3A_270 : i32
      "tpu.region"() ({
        %run_scoped3A_308 = tpu.sem_alloc : memref<!tpu.dma_semaphore, #tpu.memory_space<semaphore_mem>>
        %dma_start3A_309 = arith.constant 0 : i32
        %dma_start3A_310 = tpu.memref_slice %arg8[%add3A_271, %dma_start3A_309] : memref<125x80xi32, #tpu.memory_space<vmem>> -> memref<1x80xi32, #tpu.memory_space<vmem>>
        %dma_start3A_311 = tpu.memref_squeeze %dma_start3A_310 : memref<1x80xi32, #tpu.memory_space<vmem>> -> memref<80xi32, #tpu.memory_space<vmem>>
        %dma_start3A_312 = arith.constant 0 : i32
        %dma_start3A_313 = arith.constant 0 : i32
        %dma_start3A_314 = tpu.memref_slice %arg21[%dma_start3A_312, %dma_start3A_313] : memref<10240x16xf32, #tpu.memory_space<vmem_shared>> -> memref<10240x16xf32, #tpu.memory_space<vmem_shared>>
        tpu.enqueue_indirect_dma source(%arg17 : memref<80x16xf32, #tpu.memory_space<vmem>>) target(%dma_start3A_314 : memref<10240x16xf32, #tpu.memory_space<vmem_shared>>) offsets(%dma_start3A_311 : memref<80xi32, #tpu.memory_space<vmem>>) semaphore(%run_scoped3A_308 : memref<!tpu.dma_semaphore, #tpu.memory_space<semaphore_mem>>) {add = true}
        %dma_wait3A_315 = arith.constant 0 : i32
        %dma_wait3A_316 = tpu.memref_slice %arg8[%add3A_271, %dma_wait3A_315] : memref<125x80xi32, #tpu.memory_space<vmem>> -> memref<1x80xi32, #tpu.memory_space<vmem>>
        %dma_wait3A_317 = tpu.memref_squeeze %dma_wait3A_316 : memref<1x80xi32, #tpu.memory_space<vmem>> -> memref<80xi32, #tpu.memory_space<vmem>>
        %dma_wait3A_318 = arith.constant 0 : i32
        %dma_wait3A_319 = arith.constant 0 : i32
        %dma_wait3A_320 = tpu.memref_slice %arg21[%dma_wait3A_318, %dma_wait3A_319] : memref<10240x16xf32, #tpu.memory_space<vmem_shared>> -> memref<10240x16xf32, #tpu.memory_space<vmem_shared>>
        tpu.wait_indirect_dma semaphore(%run_scoped3A_308 : memref<!tpu.dma_semaphore, #tpu.memory_space<semaphore_mem>>) src(%arg17 : memref<80x16xf32, #tpu.memory_space<vmem>>) dst(%dma_wait3A_320 : memref<10240x16xf32, #tpu.memory_space<vmem_shared>>)
        tpu.yield
      }) : () -> ()
      %dma_wait3A_272 = arith.constant 0 : i32
      %dma_wait3A_273 = arith.constant 0 : i32
      %dma_wait3A_274 = tpu.memref_slice %arg2[%dma_wait3A_272, %dma_wait3A_273] : memref<10000x64xf32, #tpu.memory_space<hbm>> -> memref<80x64xf32, #tpu.memory_space<hbm>>
      %dma_wait3A_275 = arith.constant 0 : i32
      %dma_wait3A_276 = arith.constant 0 : i32
      %dma_wait3A_277 = tpu.memref_slice %arg2[%dma_wait3A_275, %dma_wait3A_276] : memref<10000x64xf32, #tpu.memory_space<hbm>> -> memref<80x64xf32, #tpu.memory_space<hbm>>
      tpu.wait_dma2 semaphore(%arg29 : memref<!tpu.dma_semaphore, #tpu.memory_space<semaphore_mem>>) src(%dma_wait3A_277 : memref<80x64xf32, #tpu.memory_space<hbm>>) dst(%arg15 : memref<80x64xf32, #tpu.memory_space<vmem>>)
      %add3A_278 = arith.constant 6 : i32
      %add3A_279 = arith.addi %add3A_158, %add3A_278 : i32
      "tpu.region"() ({
        %run_scoped3A_308 = tpu.sem_alloc : memref<!tpu.dma_semaphore, #tpu.memory_space<semaphore_mem>>
        %dma_start3A_309 = arith.constant 0 : i32
        %dma_start3A_310 = tpu.memref_slice %arg8[%add3A_279, %dma_start3A_309] : memref<125x80xi32, #tpu.memory_space<vmem>> -> memref<1x80xi32, #tpu.memory_space<vmem>>
        %dma_start3A_311 = tpu.memref_squeeze %dma_start3A_310 : memref<1x80xi32, #tpu.memory_space<vmem>> -> memref<80xi32, #tpu.memory_space<vmem>>
        %dma_start3A_312 = arith.constant 0 : i32
        %dma_start3A_313 = arith.constant 0 : i32
        %dma_start3A_314 = tpu.memref_slice %arg20[%dma_start3A_312, %dma_start3A_313] : memref<10240x64xf32, #tpu.memory_space<vmem_shared>> -> memref<10240x64xf32, #tpu.memory_space<vmem_shared>>
        tpu.enqueue_indirect_dma source(%arg15 : memref<80x64xf32, #tpu.memory_space<vmem>>) target(%dma_start3A_314 : memref<10240x64xf32, #tpu.memory_space<vmem_shared>>) offsets(%dma_start3A_311 : memref<80xi32, #tpu.memory_space<vmem>>) semaphore(%run_scoped3A_308 : memref<!tpu.dma_semaphore, #tpu.memory_space<semaphore_mem>>) {add = true}
        %dma_wait3A_315 = arith.constant 0 : i32
        %dma_wait3A_316 = tpu.memref_slice %arg8[%add3A_279, %dma_wait3A_315] : memref<125x80xi32, #tpu.memory_space<vmem>> -> memref<1x80xi32, #tpu.memory_space<vmem>>
        %dma_wait3A_317 = tpu.memref_squeeze %dma_wait3A_316 : memref<1x80xi32, #tpu.memory_space<vmem>> -> memref<80xi32, #tpu.memory_space<vmem>>
        %dma_wait3A_318 = arith.constant 0 : i32
        %dma_wait3A_319 = arith.constant 0 : i32
        %dma_wait3A_320 = tpu.memref_slice %arg20[%dma_wait3A_318, %dma_wait3A_319] : memref<10240x64xf32, #tpu.memory_space<vmem_shared>> -> memref<10240x64xf32, #tpu.memory_space<vmem_shared>>
        tpu.wait_indirect_dma semaphore(%run_scoped3A_308 : memref<!tpu.dma_semaphore, #tpu.memory_space<semaphore_mem>>) src(%arg15 : memref<80x64xf32, #tpu.memory_space<vmem>>) dst(%dma_wait3A_320 : memref<10240x64xf32, #tpu.memory_space<vmem_shared>>)
        tpu.yield
      }) : () -> ()
      %add3A_280 = arith.constant 8 : i32
      %add3A_281 = arith.addi %add3A_158, %add3A_280 : i32
      %add3A_282 = arith.constant 6 : i32
      %add3A_283 = arith.addi %add3A_281, %add3A_282 : i32
      %lt3A_284 = arith.constant 125 : i32
      %lt3A_285 = arith.cmpi slt, %add3A_283, %lt3A_284 : i32
      %convert_element_type3A_286 = arith.extui %lt3A_285 : i1 to i32
      %cond3A_287 = arith.constant 0 : i32
      %cond3A_288 = arith.cmpi ne, %convert_element_type3A_286, %cond3A_287 : i32
      scf.if %cond3A_288 {
        %add3A_308 = arith.constant 8 : i32
        %add3A_309 = arith.addi %add3A_158, %add3A_308 : i32
        %add3A_310 = arith.constant 6 : i32
        %add3A_311 = arith.addi %add3A_309, %add3A_310 : i32
        %dma_start3A_312 = arith.constant 0 : i32
        %dma_start3A_313 = tpu.memref_slice %arg7[%add3A_311, %dma_start3A_312] : memref<125x80xi32, #tpu.memory_space<vmem>> -> memref<1x80xi32, #tpu.memory_space<vmem>>
        %dma_start3A_314 = tpu.memref_squeeze %dma_start3A_313 : memref<1x80xi32, #tpu.memory_space<vmem>> -> memref<80xi32, #tpu.memory_space<vmem>>
        %dma_start3A_315 = arith.constant 0 : i32
        %dma_start3A_316 = arith.constant 0 : i32
        %dma_start3A_317 = tpu.memref_slice %arg2[%dma_start3A_315, %dma_start3A_316] : memref<10000x64xf32, #tpu.memory_space<hbm>> -> memref<10000x64xf32, #tpu.memory_space<hbm>>
        tpu.enqueue_indirect_dma source(%dma_start3A_317 : memref<10000x64xf32, #tpu.memory_space<hbm>>) target(%arg15 : memref<80x64xf32, #tpu.memory_space<vmem>>) offsets(%dma_start3A_314 : memref<80xi32, #tpu.memory_space<vmem>>) semaphore(%arg29 : memref<!tpu.dma_semaphore, #tpu.memory_space<semaphore_mem>>)
      } else {
      }
      %add3A_289 = arith.constant 7 : i32
      %add3A_290 = arith.addi %add3A_158, %add3A_289 : i32
      "tpu.region"() ({
        %run_scoped3A_308 = tpu.sem_alloc : memref<!tpu.dma_semaphore, #tpu.memory_space<semaphore_mem>>
        %dma_start3A_309 = arith.constant 0 : i32
        %dma_start3A_310 = tpu.memref_slice %arg8[%add3A_290, %dma_start3A_309] : memref<125x80xi32, #tpu.memory_space<vmem>> -> memref<1x80xi32, #tpu.memory_space<vmem>>
        %dma_start3A_311 = tpu.memref_squeeze %dma_start3A_310 : memref<1x80xi32, #tpu.memory_space<vmem>> -> memref<80xi32, #tpu.memory_space<vmem>>
        %dma_start3A_312 = arith.constant 0 : i32
        %dma_start3A_313 = arith.constant 0 : i32
        %dma_start3A_314 = tpu.memref_slice %arg21[%dma_start3A_312, %dma_start3A_313] : memref<10240x16xf32, #tpu.memory_space<vmem_shared>> -> memref<10240x16xf32, #tpu.memory_space<vmem_shared>>
        tpu.enqueue_indirect_dma source(%arg17 : memref<80x16xf32, #tpu.memory_space<vmem>>) target(%dma_start3A_314 : memref<10240x16xf32, #tpu.memory_space<vmem_shared>>) offsets(%dma_start3A_311 : memref<80xi32, #tpu.memory_space<vmem>>) semaphore(%run_scoped3A_308 : memref<!tpu.dma_semaphore, #tpu.memory_space<semaphore_mem>>) {add = true}
        %dma_wait3A_315 = arith.constant 0 : i32
        %dma_wait3A_316 = tpu.memref_slice %arg8[%add3A_290, %dma_wait3A_315] : memref<125x80xi32, #tpu.memory_space<vmem>> -> memref<1x80xi32, #tpu.memory_space<vmem>>
        %dma_wait3A_317 = tpu.memref_squeeze %dma_wait3A_316 : memref<1x80xi32, #tpu.memory_space<vmem>> -> memref<80xi32, #tpu.memory_space<vmem>>
        %dma_wait3A_318 = arith.constant 0 : i32
        %dma_wait3A_319 = arith.constant 0 : i32
        %dma_wait3A_320 = tpu.memref_slice %arg21[%dma_wait3A_318, %dma_wait3A_319] : memref<10240x16xf32, #tpu.memory_space<vmem_shared>> -> memref<10240x16xf32, #tpu.memory_space<vmem_shared>>
        tpu.wait_indirect_dma semaphore(%run_scoped3A_308 : memref<!tpu.dma_semaphore, #tpu.memory_space<semaphore_mem>>) src(%arg17 : memref<80x16xf32, #tpu.memory_space<vmem>>) dst(%dma_wait3A_320 : memref<10240x16xf32, #tpu.memory_space<vmem_shared>>)
        tpu.yield
      }) : () -> ()
      %dma_wait3A_291 = arith.constant 0 : i32
      %dma_wait3A_292 = arith.constant 0 : i32
      %dma_wait3A_293 = tpu.memref_slice %arg2[%dma_wait3A_291, %dma_wait3A_292] : memref<10000x64xf32, #tpu.memory_space<hbm>> -> memref<80x64xf32, #tpu.memory_space<hbm>>
      %dma_wait3A_294 = arith.constant 0 : i32
      %dma_wait3A_295 = arith.constant 0 : i32
      %dma_wait3A_296 = tpu.memref_slice %arg2[%dma_wait3A_294, %dma_wait3A_295] : memref<10000x64xf32, #tpu.memory_space<hbm>> -> memref<80x64xf32, #tpu.memory_space<hbm>>
      tpu.wait_dma2 semaphore(%arg30 : memref<!tpu.dma_semaphore, #tpu.memory_space<semaphore_mem>>) src(%dma_wait3A_296 : memref<80x64xf32, #tpu.memory_space<hbm>>) dst(%arg16 : memref<80x64xf32, #tpu.memory_space<vmem>>)
      %add3A_297 = arith.constant 7 : i32
      %add3A_298 = arith.addi %add3A_158, %add3A_297 : i32
      "tpu.region"() ({
        %run_scoped3A_308 = tpu.sem_alloc : memref<!tpu.dma_semaphore, #tpu.memory_space<semaphore_mem>>
        %dma_start3A_309 = arith.constant 0 : i32
        %dma_start3A_310 = tpu.memref_slice %arg8[%add3A_298, %dma_start3A_309] : memref<125x80xi32, #tpu.memory_space<vmem>> -> memref<1x80xi32, #tpu.memory_space<vmem>>
        %dma_start3A_311 = tpu.memref_squeeze %dma_start3A_310 : memref<1x80xi32, #tpu.memory_space<vmem>> -> memref<80xi32, #tpu.memory_space<vmem>>
        %dma_start3A_312 = arith.constant 0 : i32
        %dma_start3A_313 = arith.constant 0 : i32
        %dma_start3A_314 = tpu.memref_slice %arg20[%dma_start3A_312, %dma_start3A_313] : memref<10240x64xf32, #tpu.memory_space<vmem_shared>> -> memref<10240x64xf32, #tpu.memory_space<vmem_shared>>
        tpu.enqueue_indirect_dma source(%arg16 : memref<80x64xf32, #tpu.memory_space<vmem>>) target(%dma_start3A_314 : memref<10240x64xf32, #tpu.memory_space<vmem_shared>>) offsets(%dma_start3A_311 : memref<80xi32, #tpu.memory_space<vmem>>) semaphore(%run_scoped3A_308 : memref<!tpu.dma_semaphore, #tpu.memory_space<semaphore_mem>>) {add = true}
        %dma_wait3A_315 = arith.constant 0 : i32
        %dma_wait3A_316 = tpu.memref_slice %arg8[%add3A_298, %dma_wait3A_315] : memref<125x80xi32, #tpu.memory_space<vmem>> -> memref<1x80xi32, #tpu.memory_space<vmem>>
        %dma_wait3A_317 = tpu.memref_squeeze %dma_wait3A_316 : memref<1x80xi32, #tpu.memory_space<vmem>> -> memref<80xi32, #tpu.memory_space<vmem>>
        %dma_wait3A_318 = arith.constant 0 : i32
        %dma_wait3A_319 = arith.constant 0 : i32
        %dma_wait3A_320 = tpu.memref_slice %arg20[%dma_wait3A_318, %dma_wait3A_319] : memref<10240x64xf32, #tpu.memory_space<vmem_shared>> -> memref<10240x64xf32, #tpu.memory_space<vmem_shared>>
        tpu.wait_indirect_dma semaphore(%run_scoped3A_308 : memref<!tpu.dma_semaphore, #tpu.memory_space<semaphore_mem>>) src(%arg16 : memref<80x64xf32, #tpu.memory_space<vmem>>) dst(%dma_wait3A_320 : memref<10240x64xf32, #tpu.memory_space<vmem_shared>>)
        tpu.yield
      }) : () -> ()
      %add3A_299 = arith.constant 8 : i32
      %add3A_300 = arith.addi %add3A_158, %add3A_299 : i32
      %add3A_301 = arith.constant 7 : i32
      %add3A_302 = arith.addi %add3A_300, %add3A_301 : i32
      %lt3A_303 = arith.constant 125 : i32
      %lt3A_304 = arith.cmpi slt, %add3A_302, %lt3A_303 : i32
      %convert_element_type3A_305 = arith.extui %lt3A_304 : i1 to i32
      %cond3A_306 = arith.constant 0 : i32
      %cond3A_307 = arith.cmpi ne, %convert_element_type3A_305, %cond3A_306 : i32
      scf.if %cond3A_307 {
        %add3A_308 = arith.constant 8 : i32
        %add3A_309 = arith.addi %add3A_158, %add3A_308 : i32
        %add3A_310 = arith.constant 7 : i32
        %add3A_311 = arith.addi %add3A_309, %add3A_310 : i32
        %dma_start3A_312 = arith.constant 0 : i32
        %dma_start3A_313 = tpu.memref_slice %arg7[%add3A_311, %dma_start3A_312] : memref<125x80xi32, #tpu.memory_space<vmem>> -> memref<1x80xi32, #tpu.memory_space<vmem>>
        %dma_start3A_314 = tpu.memref_squeeze %dma_start3A_313 : memref<1x80xi32, #tpu.memory_space<vmem>> -> memref<80xi32, #tpu.memory_space<vmem>>
        %dma_start3A_315 = arith.constant 0 : i32
        %dma_start3A_316 = arith.constant 0 : i32
        %dma_start3A_317 = tpu.memref_slice %arg2[%dma_start3A_315, %dma_start3A_316] : memref<10000x64xf32, #tpu.memory_space<hbm>> -> memref<10000x64xf32, #tpu.memory_space<hbm>>
        tpu.enqueue_indirect_dma source(%dma_start3A_317 : memref<10000x64xf32, #tpu.memory_space<hbm>>) target(%arg16 : memref<80x64xf32, #tpu.memory_space<vmem>>) offsets(%dma_start3A_314 : memref<80xi32, #tpu.memory_space<vmem>>) semaphore(%arg30 : memref<!tpu.dma_semaphore, #tpu.memory_space<semaphore_mem>>)
      } else {
      }
    }
    %scan3A_105 = arith.constant 15 : i32
    %run_scoped3A = arith.constant 120 : i32
    "tpu.region"() ({
      %run_scoped3A_154 = tpu.sem_alloc : memref<!tpu.dma_semaphore, #tpu.memory_space<semaphore_mem>>
      %dma_start3A_155 = arith.constant 0 : i32
      %dma_start3A_156 = tpu.memref_slice %arg8[%run_scoped3A, %dma_start3A_155] : memref<125x80xi32, #tpu.memory_space<vmem>> -> memref<1x80xi32, #tpu.memory_space<vmem>>
      %dma_start3A_157 = tpu.memref_squeeze %dma_start3A_156 : memref<1x80xi32, #tpu.memory_space<vmem>> -> memref<80xi32, #tpu.memory_space<vmem>>
      %dma_start3A_158 = arith.constant 0 : i32
      %dma_start3A_159 = arith.constant 0 : i32
      %dma_start3A_160 = tpu.memref_slice %arg21[%dma_start3A_158, %dma_start3A_159] : memref<10240x16xf32, #tpu.memory_space<vmem_shared>> -> memref<10240x16xf32, #tpu.memory_space<vmem_shared>>
      tpu.enqueue_indirect_dma source(%arg17 : memref<80x16xf32, #tpu.memory_space<vmem>>) target(%dma_start3A_160 : memref<10240x16xf32, #tpu.memory_space<vmem_shared>>) offsets(%dma_start3A_157 : memref<80xi32, #tpu.memory_space<vmem>>) semaphore(%run_scoped3A_154 : memref<!tpu.dma_semaphore, #tpu.memory_space<semaphore_mem>>) {add = true}
      %dma_wait3A_161 = arith.constant 0 : i32
      %dma_wait3A_162 = tpu.memref_slice %arg8[%run_scoped3A, %dma_wait3A_161] : memref<125x80xi32, #tpu.memory_space<vmem>> -> memref<1x80xi32, #tpu.memory_space<vmem>>
      %dma_wait3A_163 = tpu.memref_squeeze %dma_wait3A_162 : memref<1x80xi32, #tpu.memory_space<vmem>> -> memref<80xi32, #tpu.memory_space<vmem>>
      %dma_wait3A_164 = arith.constant 0 : i32
      %dma_wait3A_165 = arith.constant 0 : i32
      %dma_wait3A_166 = tpu.memref_slice %arg21[%dma_wait3A_164, %dma_wait3A_165] : memref<10240x16xf32, #tpu.memory_space<vmem_shared>> -> memref<10240x16xf32, #tpu.memory_space<vmem_shared>>
      tpu.wait_indirect_dma semaphore(%run_scoped3A_154 : memref<!tpu.dma_semaphore, #tpu.memory_space<semaphore_mem>>) src(%arg17 : memref<80x16xf32, #tpu.memory_space<vmem>>) dst(%dma_wait3A_166 : memref<10240x16xf32, #tpu.memory_space<vmem_shared>>)
      tpu.yield
    }) : () -> ()
    %dma_wait3A_106 = arith.constant 0 : i32
    %dma_wait3A_107 = arith.constant 0 : i32
    %dma_wait3A_108 = tpu.memref_slice %arg2[%dma_wait3A_106, %dma_wait3A_107] : memref<10000x64xf32, #tpu.memory_space<hbm>> -> memref<80x64xf32, #tpu.memory_space<hbm>>
    %dma_wait3A_109 = arith.constant 0 : i32
    %dma_wait3A_110 = arith.constant 0 : i32
    %dma_wait3A_111 = tpu.memref_slice %arg2[%dma_wait3A_109, %dma_wait3A_110] : memref<10000x64xf32, #tpu.memory_space<hbm>> -> memref<80x64xf32, #tpu.memory_space<hbm>>
    tpu.wait_dma2 semaphore(%arg23 : memref<!tpu.dma_semaphore, #tpu.memory_space<semaphore_mem>>) src(%dma_wait3A_111 : memref<80x64xf32, #tpu.memory_space<hbm>>) dst(%arg9 : memref<80x64xf32, #tpu.memory_space<vmem>>)
    %run_scoped3A_112 = arith.constant 120 : i32
    "tpu.region"() ({
      %run_scoped3A_154 = tpu.sem_alloc : memref<!tpu.dma_semaphore, #tpu.memory_space<semaphore_mem>>
      %dma_start3A_155 = arith.constant 0 : i32
      %dma_start3A_156 = tpu.memref_slice %arg8[%run_scoped3A_112, %dma_start3A_155] : memref<125x80xi32, #tpu.memory_space<vmem>> -> memref<1x80xi32, #tpu.memory_space<vmem>>
      %dma_start3A_157 = tpu.memref_squeeze %dma_start3A_156 : memref<1x80xi32, #tpu.memory_space<vmem>> -> memref<80xi32, #tpu.memory_space<vmem>>
      %dma_start3A_158 = arith.constant 0 : i32
      %dma_start3A_159 = arith.constant 0 : i32
      %dma_start3A_160 = tpu.memref_slice %arg20[%dma_start3A_158, %dma_start3A_159] : memref<10240x64xf32, #tpu.memory_space<vmem_shared>> -> memref<10240x64xf32, #tpu.memory_space<vmem_shared>>
      tpu.enqueue_indirect_dma source(%arg9 : memref<80x64xf32, #tpu.memory_space<vmem>>) target(%dma_start3A_160 : memref<10240x64xf32, #tpu.memory_space<vmem_shared>>) offsets(%dma_start3A_157 : memref<80xi32, #tpu.memory_space<vmem>>) semaphore(%run_scoped3A_154 : memref<!tpu.dma_semaphore, #tpu.memory_space<semaphore_mem>>) {add = true}
      %dma_wait3A_161 = arith.constant 0 : i32
      %dma_wait3A_162 = tpu.memref_slice %arg8[%run_scoped3A_112, %dma_wait3A_161] : memref<125x80xi32, #tpu.memory_space<vmem>> -> memref<1x80xi32, #tpu.memory_space<vmem>>
      %dma_wait3A_163 = tpu.memref_squeeze %dma_wait3A_162 : memref<1x80xi32, #tpu.memory_space<vmem>> -> memref<80xi32, #tpu.memory_space<vmem>>
      %dma_wait3A_164 = arith.constant 0 : i32
      %dma_wait3A_165 = arith.constant 0 : i32
      %dma_wait3A_166 = tpu.memref_slice %arg20[%dma_wait3A_164, %dma_wait3A_165] : memref<10240x64xf32, #tpu.memory_space<vmem_shared>> -> memref<10240x64xf32, #tpu.memory_space<vmem_shared>>
      tpu.wait_indirect_dma semaphore(%run_scoped3A_154 : memref<!tpu.dma_semaphore, #tpu.memory_space<semaphore_mem>>) src(%arg9 : memref<80x64xf32, #tpu.memory_space<vmem>>) dst(%dma_wait3A_166 : memref<10240x64xf32, #tpu.memory_space<vmem_shared>>)
      tpu.yield
    }) : () -> ()
    %run_scoped3A_113 = arith.constant 121 : i32
    "tpu.region"() ({
      %run_scoped3A_154 = tpu.sem_alloc : memref<!tpu.dma_semaphore, #tpu.memory_space<semaphore_mem>>
      %dma_start3A_155 = arith.constant 0 : i32
      %dma_start3A_156 = tpu.memref_slice %arg8[%run_scoped3A_113, %dma_start3A_155] : memref<125x80xi32, #tpu.memory_space<vmem>> -> memref<1x80xi32, #tpu.memory_space<vmem>>
      %dma_start3A_157 = tpu.memref_squeeze %dma_start3A_156 : memref<1x80xi32, #tpu.memory_space<vmem>> -> memref<80xi32, #tpu.memory_space<vmem>>
      %dma_start3A_158 = arith.constant 0 : i32
      %dma_start3A_159 = arith.constant 0 : i32
      %dma_start3A_160 = tpu.memref_slice %arg21[%dma_start3A_158, %dma_start3A_159] : memref<10240x16xf32, #tpu.memory_space<vmem_shared>> -> memref<10240x16xf32, #tpu.memory_space<vmem_shared>>
      tpu.enqueue_indirect_dma source(%arg17 : memref<80x16xf32, #tpu.memory_space<vmem>>) target(%dma_start3A_160 : memref<10240x16xf32, #tpu.memory_space<vmem_shared>>) offsets(%dma_start3A_157 : memref<80xi32, #tpu.memory_space<vmem>>) semaphore(%run_scoped3A_154 : memref<!tpu.dma_semaphore, #tpu.memory_space<semaphore_mem>>) {add = true}
      %dma_wait3A_161 = arith.constant 0 : i32
      %dma_wait3A_162 = tpu.memref_slice %arg8[%run_scoped3A_113, %dma_wait3A_161] : memref<125x80xi32, #tpu.memory_space<vmem>> -> memref<1x80xi32, #tpu.memory_space<vmem>>
      %dma_wait3A_163 = tpu.memref_squeeze %dma_wait3A_162 : memref<1x80xi32, #tpu.memory_space<vmem>> -> memref<80xi32, #tpu.memory_space<vmem>>
      %dma_wait3A_164 = arith.constant 0 : i32
      %dma_wait3A_165 = arith.constant 0 : i32
      %dma_wait3A_166 = tpu.memref_slice %arg21[%dma_wait3A_164, %dma_wait3A_165] : memref<10240x16xf32, #tpu.memory_space<vmem_shared>> -> memref<10240x16xf32, #tpu.memory_space<vmem_shared>>
      tpu.wait_indirect_dma semaphore(%run_scoped3A_154 : memref<!tpu.dma_semaphore, #tpu.memory_space<semaphore_mem>>) src(%arg17 : memref<80x16xf32, #tpu.memory_space<vmem>>) dst(%dma_wait3A_166 : memref<10240x16xf32, #tpu.memory_space<vmem_shared>>)
      tpu.yield
    }) : () -> ()
    %dma_wait3A_114 = arith.constant 0 : i32
    %dma_wait3A_115 = arith.constant 0 : i32
    %dma_wait3A_116 = tpu.memref_slice %arg2[%dma_wait3A_114, %dma_wait3A_115] : memref<10000x64xf32, #tpu.memory_space<hbm>> -> memref<80x64xf32, #tpu.memory_space<hbm>>
    %dma_wait3A_117 = arith.constant 0 : i32
    %dma_wait3A_118 = arith.constant 0 : i32
    %dma_wait3A_119 = tpu.memref_slice %arg2[%dma_wait3A_117, %dma_wait3A_118] : memref<10000x64xf32, #tpu.memory_space<hbm>> -> memref<80x64xf32, #tpu.memory_space<hbm>>
    tpu.wait_dma2 semaphore(%arg24 : memref<!tpu.dma_semaphore, #tpu.memory_space<semaphore_mem>>) src(%dma_wait3A_119 : memref<80x64xf32, #tpu.memory_space<hbm>>) dst(%arg10 : memref<80x64xf32, #tpu.memory_space<vmem>>)
    %run_scoped3A_120 = arith.constant 121 : i32
    "tpu.region"() ({
      %run_scoped3A_154 = tpu.sem_alloc : memref<!tpu.dma_semaphore, #tpu.memory_space<semaphore_mem>>
      %dma_start3A_155 = arith.constant 0 : i32
      %dma_start3A_156 = tpu.memref_slice %arg8[%run_scoped3A_120, %dma_start3A_155] : memref<125x80xi32, #tpu.memory_space<vmem>> -> memref<1x80xi32, #tpu.memory_space<vmem>>
      %dma_start3A_157 = tpu.memref_squeeze %dma_start3A_156 : memref<1x80xi32, #tpu.memory_space<vmem>> -> memref<80xi32, #tpu.memory_space<vmem>>
      %dma_start3A_158 = arith.constant 0 : i32
      %dma_start3A_159 = arith.constant 0 : i32
      %dma_start3A_160 = tpu.memref_slice %arg20[%dma_start3A_158, %dma_start3A_159] : memref<10240x64xf32, #tpu.memory_space<vmem_shared>> -> memref<10240x64xf32, #tpu.memory_space<vmem_shared>>
      tpu.enqueue_indirect_dma source(%arg10 : memref<80x64xf32, #tpu.memory_space<vmem>>) target(%dma_start3A_160 : memref<10240x64xf32, #tpu.memory_space<vmem_shared>>) offsets(%dma_start3A_157 : memref<80xi32, #tpu.memory_space<vmem>>) semaphore(%run_scoped3A_154 : memref<!tpu.dma_semaphore, #tpu.memory_space<semaphore_mem>>) {add = true}
      %dma_wait3A_161 = arith.constant 0 : i32
      %dma_wait3A_162 = tpu.memref_slice %arg8[%run_scoped3A_120, %dma_wait3A_161] : memref<125x80xi32, #tpu.memory_space<vmem>> -> memref<1x80xi32, #tpu.memory_space<vmem>>
      %dma_wait3A_163 = tpu.memref_squeeze %dma_wait3A_162 : memref<1x80xi32, #tpu.memory_space<vmem>> -> memref<80xi32, #tpu.memory_space<vmem>>
      %dma_wait3A_164 = arith.constant 0 : i32
      %dma_wait3A_165 = arith.constant 0 : i32
      %dma_wait3A_166 = tpu.memref_slice %arg20[%dma_wait3A_164, %dma_wait3A_165] : memref<10240x64xf32, #tpu.memory_space<vmem_shared>> -> memref<10240x64xf32, #tpu.memory_space<vmem_shared>>
      tpu.wait_indirect_dma semaphore(%run_scoped3A_154 : memref<!tpu.dma_semaphore, #tpu.memory_space<semaphore_mem>>) src(%arg10 : memref<80x64xf32, #tpu.memory_space<vmem>>) dst(%dma_wait3A_166 : memref<10240x64xf32, #tpu.memory_space<vmem_shared>>)
      tpu.yield
    }) : () -> ()
    %run_scoped3A_121 = arith.constant 122 : i32
    "tpu.region"() ({
      %run_scoped3A_154 = tpu.sem_alloc : memref<!tpu.dma_semaphore, #tpu.memory_space<semaphore_mem>>
      %dma_start3A_155 = arith.constant 0 : i32
      %dma_start3A_156 = tpu.memref_slice %arg8[%run_scoped3A_121, %dma_start3A_155] : memref<125x80xi32, #tpu.memory_space<vmem>> -> memref<1x80xi32, #tpu.memory_space<vmem>>
      %dma_start3A_157 = tpu.memref_squeeze %dma_start3A_156 : memref<1x80xi32, #tpu.memory_space<vmem>> -> memref<80xi32, #tpu.memory_space<vmem>>
      %dma_start3A_158 = arith.constant 0 : i32
      %dma_start3A_159 = arith.constant 0 : i32
      %dma_start3A_160 = tpu.memref_slice %arg21[%dma_start3A_158, %dma_start3A_159] : memref<10240x16xf32, #tpu.memory_space<vmem_shared>> -> memref<10240x16xf32, #tpu.memory_space<vmem_shared>>
      tpu.enqueue_indirect_dma source(%arg17 : memref<80x16xf32, #tpu.memory_space<vmem>>) target(%dma_start3A_160 : memref<10240x16xf32, #tpu.memory_space<vmem_shared>>) offsets(%dma_start3A_157 : memref<80xi32, #tpu.memory_space<vmem>>) semaphore(%run_scoped3A_154 : memref<!tpu.dma_semaphore, #tpu.memory_space<semaphore_mem>>) {add = true}
      %dma_wait3A_161 = arith.constant 0 : i32
      %dma_wait3A_162 = tpu.memref_slice %arg8[%run_scoped3A_121, %dma_wait3A_161] : memref<125x80xi32, #tpu.memory_space<vmem>> -> memref<1x80xi32, #tpu.memory_space<vmem>>
      %dma_wait3A_163 = tpu.memref_squeeze %dma_wait3A_162 : memref<1x80xi32, #tpu.memory_space<vmem>> -> memref<80xi32, #tpu.memory_space<vmem>>
      %dma_wait3A_164 = arith.constant 0 : i32
      %dma_wait3A_165 = arith.constant 0 : i32
      %dma_wait3A_166 = tpu.memref_slice %arg21[%dma_wait3A_164, %dma_wait3A_165] : memref<10240x16xf32, #tpu.memory_space<vmem_shared>> -> memref<10240x16xf32, #tpu.memory_space<vmem_shared>>
      tpu.wait_indirect_dma semaphore(%run_scoped3A_154 : memref<!tpu.dma_semaphore, #tpu.memory_space<semaphore_mem>>) src(%arg17 : memref<80x16xf32, #tpu.memory_space<vmem>>) dst(%dma_wait3A_166 : memref<10240x16xf32, #tpu.memory_space<vmem_shared>>)
      tpu.yield
    }) : () -> ()
    %dma_wait3A_122 = arith.constant 0 : i32
    %dma_wait3A_123 = arith.constant 0 : i32
    %dma_wait3A_124 = tpu.memref_slice %arg2[%dma_wait3A_122, %dma_wait3A_123] : memref<10000x64xf32, #tpu.memory_space<hbm>> -> memref<80x64xf32, #tpu.memory_space<hbm>>
    %dma_wait3A_125 = arith.constant 0 : i32
    %dma_wait3A_126 = arith.constant 0 : i32
    %dma_wait3A_127 = tpu.memref_slice %arg2[%dma_wait3A_125, %dma_wait3A_126] : memref<10000x64xf32, #tpu.memory_space<hbm>> -> memref<80x64xf32, #tpu.memory_space<hbm>>
    tpu.wait_dma2 semaphore(%arg25 : memref<!tpu.dma_semaphore, #tpu.memory_space<semaphore_mem>>) src(%dma_wait3A_127 : memref<80x64xf32, #tpu.memory_space<hbm>>) dst(%arg11 : memref<80x64xf32, #tpu.memory_space<vmem>>)
    %run_scoped3A_128 = arith.constant 122 : i32
    "tpu.region"() ({
      %run_scoped3A_154 = tpu.sem_alloc : memref<!tpu.dma_semaphore, #tpu.memory_space<semaphore_mem>>
      %dma_start3A_155 = arith.constant 0 : i32
      %dma_start3A_156 = tpu.memref_slice %arg8[%run_scoped3A_128, %dma_start3A_155] : memref<125x80xi32, #tpu.memory_space<vmem>> -> memref<1x80xi32, #tpu.memory_space<vmem>>
      %dma_start3A_157 = tpu.memref_squeeze %dma_start3A_156 : memref<1x80xi32, #tpu.memory_space<vmem>> -> memref<80xi32, #tpu.memory_space<vmem>>
      %dma_start3A_158 = arith.constant 0 : i32
      %dma_start3A_159 = arith.constant 0 : i32
      %dma_start3A_160 = tpu.memref_slice %arg20[%dma_start3A_158, %dma_start3A_159] : memref<10240x64xf32, #tpu.memory_space<vmem_shared>> -> memref<10240x64xf32, #tpu.memory_space<vmem_shared>>
      tpu.enqueue_indirect_dma source(%arg11 : memref<80x64xf32, #tpu.memory_space<vmem>>) target(%dma_start3A_160 : memref<10240x64xf32, #tpu.memory_space<vmem_shared>>) offsets(%dma_start3A_157 : memref<80xi32, #tpu.memory_space<vmem>>) semaphore(%run_scoped3A_154 : memref<!tpu.dma_semaphore, #tpu.memory_space<semaphore_mem>>) {add = true}
      %dma_wait3A_161 = arith.constant 0 : i32
      %dma_wait3A_162 = tpu.memref_slice %arg8[%run_scoped3A_128, %dma_wait3A_161] : memref<125x80xi32, #tpu.memory_space<vmem>> -> memref<1x80xi32, #tpu.memory_space<vmem>>
      %dma_wait3A_163 = tpu.memref_squeeze %dma_wait3A_162 : memref<1x80xi32, #tpu.memory_space<vmem>> -> memref<80xi32, #tpu.memory_space<vmem>>
      %dma_wait3A_164 = arith.constant 0 : i32
      %dma_wait3A_165 = arith.constant 0 : i32
      %dma_wait3A_166 = tpu.memref_slice %arg20[%dma_wait3A_164, %dma_wait3A_165] : memref<10240x64xf32, #tpu.memory_space<vmem_shared>> -> memref<10240x64xf32, #tpu.memory_space<vmem_shared>>
      tpu.wait_indirect_dma semaphore(%run_scoped3A_154 : memref<!tpu.dma_semaphore, #tpu.memory_space<semaphore_mem>>) src(%arg11 : memref<80x64xf32, #tpu.memory_space<vmem>>) dst(%dma_wait3A_166 : memref<10240x64xf32, #tpu.memory_space<vmem_shared>>)
      tpu.yield
    }) : () -> ()
    %run_scoped3A_129 = arith.constant 123 : i32
    "tpu.region"() ({
      %run_scoped3A_154 = tpu.sem_alloc : memref<!tpu.dma_semaphore, #tpu.memory_space<semaphore_mem>>
      %dma_start3A_155 = arith.constant 0 : i32
      %dma_start3A_156 = tpu.memref_slice %arg8[%run_scoped3A_129, %dma_start3A_155] : memref<125x80xi32, #tpu.memory_space<vmem>> -> memref<1x80xi32, #tpu.memory_space<vmem>>
      %dma_start3A_157 = tpu.memref_squeeze %dma_start3A_156 : memref<1x80xi32, #tpu.memory_space<vmem>> -> memref<80xi32, #tpu.memory_space<vmem>>
      %dma_start3A_158 = arith.constant 0 : i32
      %dma_start3A_159 = arith.constant 0 : i32
      %dma_start3A_160 = tpu.memref_slice %arg21[%dma_start3A_158, %dma_start3A_159] : memref<10240x16xf32, #tpu.memory_space<vmem_shared>> -> memref<10240x16xf32, #tpu.memory_space<vmem_shared>>
      tpu.enqueue_indirect_dma source(%arg17 : memref<80x16xf32, #tpu.memory_space<vmem>>) target(%dma_start3A_160 : memref<10240x16xf32, #tpu.memory_space<vmem_shared>>) offsets(%dma_start3A_157 : memref<80xi32, #tpu.memory_space<vmem>>) semaphore(%run_scoped3A_154 : memref<!tpu.dma_semaphore, #tpu.memory_space<semaphore_mem>>) {add = true}
      %dma_wait3A_161 = arith.constant 0 : i32
      %dma_wait3A_162 = tpu.memref_slice %arg8[%run_scoped3A_129, %dma_wait3A_161] : memref<125x80xi32, #tpu.memory_space<vmem>> -> memref<1x80xi32, #tpu.memory_space<vmem>>
      %dma_wait3A_163 = tpu.memref_squeeze %dma_wait3A_162 : memref<1x80xi32, #tpu.memory_space<vmem>> -> memref<80xi32, #tpu.memory_space<vmem>>
      %dma_wait3A_164 = arith.constant 0 : i32
      %dma_wait3A_165 = arith.constant 0 : i32
      %dma_wait3A_166 = tpu.memref_slice %arg21[%dma_wait3A_164, %dma_wait3A_165] : memref<10240x16xf32, #tpu.memory_space<vmem_shared>> -> memref<10240x16xf32, #tpu.memory_space<vmem_shared>>
      tpu.wait_indirect_dma semaphore(%run_scoped3A_154 : memref<!tpu.dma_semaphore, #tpu.memory_space<semaphore_mem>>) src(%arg17 : memref<80x16xf32, #tpu.memory_space<vmem>>) dst(%dma_wait3A_166 : memref<10240x16xf32, #tpu.memory_space<vmem_shared>>)
      tpu.yield
    }) : () -> ()
    %dma_wait3A_130 = arith.constant 0 : i32
    %dma_wait3A_131 = arith.constant 0 : i32
    %dma_wait3A_132 = tpu.memref_slice %arg2[%dma_wait3A_130, %dma_wait3A_131] : memref<10000x64xf32, #tpu.memory_space<hbm>> -> memref<80x64xf32, #tpu.memory_space<hbm>>
    %dma_wait3A_133 = arith.constant 0 : i32
    %dma_wait3A_134 = arith.constant 0 : i32
    %dma_wait3A_135 = tpu.memref_slice %arg2[%dma_wait3A_133, %dma_wait3A_134] : memref<10000x64xf32, #tpu.memory_space<hbm>> -> memref<80x64xf32, #tpu.memory_space<hbm>>
    tpu.wait_dma2 semaphore(%arg26 : memref<!tpu.dma_semaphore, #tpu.memory_space<semaphore_mem>>) src(%dma_wait3A_135 : memref<80x64xf32, #tpu.memory_space<hbm>>) dst(%arg12 : memref<80x64xf32, #tpu.memory_space<vmem>>)
    %run_scoped3A_136 = arith.constant 123 : i32
    "tpu.region"() ({
      %run_scoped3A_154 = tpu.sem_alloc : memref<!tpu.dma_semaphore, #tpu.memory_space<semaphore_mem>>
      %dma_start3A_155 = arith.constant 0 : i32
      %dma_start3A_156 = tpu.memref_slice %arg8[%run_scoped3A_136, %dma_start3A_155] : memref<125x80xi32, #tpu.memory_space<vmem>> -> memref<1x80xi32, #tpu.memory_space<vmem>>
      %dma_start3A_157 = tpu.memref_squeeze %dma_start3A_156 : memref<1x80xi32, #tpu.memory_space<vmem>> -> memref<80xi32, #tpu.memory_space<vmem>>
      %dma_start3A_158 = arith.constant 0 : i32
      %dma_start3A_159 = arith.constant 0 : i32
      %dma_start3A_160 = tpu.memref_slice %arg20[%dma_start3A_158, %dma_start3A_159] : memref<10240x64xf32, #tpu.memory_space<vmem_shared>> -> memref<10240x64xf32, #tpu.memory_space<vmem_shared>>
      tpu.enqueue_indirect_dma source(%arg12 : memref<80x64xf32, #tpu.memory_space<vmem>>) target(%dma_start3A_160 : memref<10240x64xf32, #tpu.memory_space<vmem_shared>>) offsets(%dma_start3A_157 : memref<80xi32, #tpu.memory_space<vmem>>) semaphore(%run_scoped3A_154 : memref<!tpu.dma_semaphore, #tpu.memory_space<semaphore_mem>>) {add = true}
      %dma_wait3A_161 = arith.constant 0 : i32
      %dma_wait3A_162 = tpu.memref_slice %arg8[%run_scoped3A_136, %dma_wait3A_161] : memref<125x80xi32, #tpu.memory_space<vmem>> -> memref<1x80xi32, #tpu.memory_space<vmem>>
      %dma_wait3A_163 = tpu.memref_squeeze %dma_wait3A_162 : memref<1x80xi32, #tpu.memory_space<vmem>> -> memref<80xi32, #tpu.memory_space<vmem>>
      %dma_wait3A_164 = arith.constant 0 : i32
      %dma_wait3A_165 = arith.constant 0 : i32
      %dma_wait3A_166 = tpu.memref_slice %arg20[%dma_wait3A_164, %dma_wait3A_165] : memref<10240x64xf32, #tpu.memory_space<vmem_shared>> -> memref<10240x64xf32, #tpu.memory_space<vmem_shared>>
      tpu.wait_indirect_dma semaphore(%run_scoped3A_154 : memref<!tpu.dma_semaphore, #tpu.memory_space<semaphore_mem>>) src(%arg12 : memref<80x64xf32, #tpu.memory_space<vmem>>) dst(%dma_wait3A_166 : memref<10240x64xf32, #tpu.memory_space<vmem_shared>>)
      tpu.yield
    }) : () -> ()
    %run_scoped3A_137 = arith.constant 124 : i32
    "tpu.region"() ({
      %run_scoped3A_154 = tpu.sem_alloc : memref<!tpu.dma_semaphore, #tpu.memory_space<semaphore_mem>>
      %dma_start3A_155 = arith.constant 0 : i32
      %dma_start3A_156 = tpu.memref_slice %arg8[%run_scoped3A_137, %dma_start3A_155] : memref<125x80xi32, #tpu.memory_space<vmem>> -> memref<1x80xi32, #tpu.memory_space<vmem>>
      %dma_start3A_157 = tpu.memref_squeeze %dma_start3A_156 : memref<1x80xi32, #tpu.memory_space<vmem>> -> memref<80xi32, #tpu.memory_space<vmem>>
      %dma_start3A_158 = arith.constant 0 : i32
      %dma_start3A_159 = arith.constant 0 : i32
      %dma_start3A_160 = tpu.memref_slice %arg21[%dma_start3A_158, %dma_start3A_159] : memref<10240x16xf32, #tpu.memory_space<vmem_shared>> -> memref<10240x16xf32, #tpu.memory_space<vmem_shared>>
      tpu.enqueue_indirect_dma source(%arg17 : memref<80x16xf32, #tpu.memory_space<vmem>>) target(%dma_start3A_160 : memref<10240x16xf32, #tpu.memory_space<vmem_shared>>) offsets(%dma_start3A_157 : memref<80xi32, #tpu.memory_space<vmem>>) semaphore(%run_scoped3A_154 : memref<!tpu.dma_semaphore, #tpu.memory_space<semaphore_mem>>) {add = true}
      %dma_wait3A_161 = arith.constant 0 : i32
      %dma_wait3A_162 = tpu.memref_slice %arg8[%run_scoped3A_137, %dma_wait3A_161] : memref<125x80xi32, #tpu.memory_space<vmem>> -> memref<1x80xi32, #tpu.memory_space<vmem>>
      %dma_wait3A_163 = tpu.memref_squeeze %dma_wait3A_162 : memref<1x80xi32, #tpu.memory_space<vmem>> -> memref<80xi32, #tpu.memory_space<vmem>>
      %dma_wait3A_164 = arith.constant 0 : i32
      %dma_wait3A_165 = arith.constant 0 : i32
      %dma_wait3A_166 = tpu.memref_slice %arg21[%dma_wait3A_164, %dma_wait3A_165] : memref<10240x16xf32, #tpu.memory_space<vmem_shared>> -> memref<10240x16xf32, #tpu.memory_space<vmem_shared>>
      tpu.wait_indirect_dma semaphore(%run_scoped3A_154 : memref<!tpu.dma_semaphore, #tpu.memory_space<semaphore_mem>>) src(%arg17 : memref<80x16xf32, #tpu.memory_space<vmem>>) dst(%dma_wait3A_166 : memref<10240x16xf32, #tpu.memory_space<vmem_shared>>)
      tpu.yield
    }) : () -> ()
    %dma_wait3A_138 = arith.constant 0 : i32
    %dma_wait3A_139 = arith.constant 0 : i32
    %dma_wait3A_140 = tpu.memref_slice %arg2[%dma_wait3A_138, %dma_wait3A_139] : memref<10000x64xf32, #tpu.memory_space<hbm>> -> memref<80x64xf32, #tpu.memory_space<hbm>>
    %dma_wait3A_141 = arith.constant 0 : i32
    %dma_wait3A_142 = arith.constant 0 : i32
    %dma_wait3A_143 = tpu.memref_slice %arg2[%dma_wait3A_141, %dma_wait3A_142] : memref<10000x64xf32, #tpu.memory_space<hbm>> -> memref<80x64xf32, #tpu.memory_space<hbm>>
    tpu.wait_dma2 semaphore(%arg27 : memref<!tpu.dma_semaphore, #tpu.memory_space<semaphore_mem>>) src(%dma_wait3A_143 : memref<80x64xf32, #tpu.memory_space<hbm>>) dst(%arg13 : memref<80x64xf32, #tpu.memory_space<vmem>>)
    %run_scoped3A_144 = arith.constant 124 : i32
    "tpu.region"() ({
      %run_scoped3A_154 = tpu.sem_alloc : memref<!tpu.dma_semaphore, #tpu.memory_space<semaphore_mem>>
      %dma_start3A_155 = arith.constant 0 : i32
      %dma_start3A_156 = tpu.memref_slice %arg8[%run_scoped3A_144, %dma_start3A_155] : memref<125x80xi32, #tpu.memory_space<vmem>> -> memref<1x80xi32, #tpu.memory_space<vmem>>
      %dma_start3A_157 = tpu.memref_squeeze %dma_start3A_156 : memref<1x80xi32, #tpu.memory_space<vmem>> -> memref<80xi32, #tpu.memory_space<vmem>>
      %dma_start3A_158 = arith.constant 0 : i32
      %dma_start3A_159 = arith.constant 0 : i32
      %dma_start3A_160 = tpu.memref_slice %arg20[%dma_start3A_158, %dma_start3A_159] : memref<10240x64xf32, #tpu.memory_space<vmem_shared>> -> memref<10240x64xf32, #tpu.memory_space<vmem_shared>>
      tpu.enqueue_indirect_dma source(%arg13 : memref<80x64xf32, #tpu.memory_space<vmem>>) target(%dma_start3A_160 : memref<10240x64xf32, #tpu.memory_space<vmem_shared>>) offsets(%dma_start3A_157 : memref<80xi32, #tpu.memory_space<vmem>>) semaphore(%run_scoped3A_154 : memref<!tpu.dma_semaphore, #tpu.memory_space<semaphore_mem>>) {add = true}
      %dma_wait3A_161 = arith.constant 0 : i32
      %dma_wait3A_162 = tpu.memref_slice %arg8[%run_scoped3A_144, %dma_wait3A_161] : memref<125x80xi32, #tpu.memory_space<vmem>> -> memref<1x80xi32, #tpu.memory_space<vmem>>
      %dma_wait3A_163 = tpu.memref_squeeze %dma_wait3A_162 : memref<1x80xi32, #tpu.memory_space<vmem>> -> memref<80xi32, #tpu.memory_space<vmem>>
      %dma_wait3A_164 = arith.constant 0 : i32
      %dma_wait3A_165 = arith.constant 0 : i32
      %dma_wait3A_166 = tpu.memref_slice %arg20[%dma_wait3A_164, %dma_wait3A_165] : memref<10240x64xf32, #tpu.memory_space<vmem_shared>> -> memref<10240x64xf32, #tpu.memory_space<vmem_shared>>
      tpu.wait_indirect_dma semaphore(%run_scoped3A_154 : memref<!tpu.dma_semaphore, #tpu.memory_space<semaphore_mem>>) src(%arg13 : memref<80x64xf32, #tpu.memory_space<vmem>>) dst(%dma_wait3A_166 : memref<10240x64xf32, #tpu.memory_space<vmem_shared>>)
      tpu.yield
    }) : () -> ()
    %barrier3A_145 = arith.constant 0 : index
    tpu.barrier barrier_id(%barrier3A_145)
    %mul3A_146 = arith.constant 640 : i32
    %mul3A_147 = arith.muli %arg1, %mul3A_146 : i32
    %mul3A_148 = arith.constant 640 : i32
    %mul3A_149 = arith.muli %arg1, %mul3A_148 : i32
    "tpu.region"() ({
      %run_scoped3A_154 = tpu.sem_alloc : memref<!tpu.dma_semaphore, #tpu.memory_space<semaphore_mem>>
      %dma_start3A_155 = arith.constant 0 : i32
      %dma_start3A_156 = tpu.memref_slice %arg5[%arg0, %mul3A_149, %dma_start3A_155] : memref<2x10240x64xf32, #tpu.memory_space<hbm>> -> memref<1x640x64xf32, #tpu.memory_space<hbm>>
      %dma_start3A_157 = tpu.memref_squeeze %dma_start3A_156 : memref<1x640x64xf32, #tpu.memory_space<hbm>> -> memref<640x64xf32, #tpu.memory_space<hbm>>
      %dma_start3A_158 = arith.constant 0 : i32
      %dma_start3A_159 = tpu.memref_slice %arg20[%mul3A_147, %dma_start3A_158] : memref<10240x64xf32, #tpu.memory_space<vmem_shared>> -> memref<640x64xf32, #tpu.memory_space<vmem_shared>>
      tpu.enqueue_dma source(%dma_start3A_159 : memref<640x64xf32, #tpu.memory_space<vmem_shared>>) target(%dma_start3A_157 : memref<640x64xf32, #tpu.memory_space<hbm>>) target_semaphore(%run_scoped3A_154 : memref<!tpu.dma_semaphore, #tpu.memory_space<semaphore_mem>>)
      %dma_wait3A_160 = arith.constant 0 : i32
      %dma_wait3A_161 = tpu.memref_slice %arg5[%arg0, %mul3A_149, %dma_wait3A_160] : memref<2x10240x64xf32, #tpu.memory_space<hbm>> -> memref<1x640x64xf32, #tpu.memory_space<hbm>>
      %dma_wait3A_162 = tpu.memref_squeeze %dma_wait3A_161 : memref<1x640x64xf32, #tpu.memory_space<hbm>> -> memref<640x64xf32, #tpu.memory_space<hbm>>
      %dma_wait3A_163 = arith.constant 0 : i32
      %dma_wait3A_164 = tpu.memref_slice %arg20[%mul3A_147, %dma_wait3A_163] : memref<10240x64xf32, #tpu.memory_space<vmem_shared>> -> memref<640x64xf32, #tpu.memory_space<vmem_shared>>
      tpu.wait_dma2 semaphore(%run_scoped3A_154 : memref<!tpu.dma_semaphore, #tpu.memory_space<semaphore_mem>>) src(%dma_wait3A_164 : memref<640x64xf32, #tpu.memory_space<vmem_shared>>) dst(%dma_wait3A_162 : memref<640x64xf32, #tpu.memory_space<hbm>>)
      tpu.yield
    }) : () -> ()
    %mul3A_150 = arith.constant 640 : i32
    %mul3A_151 = arith.muli %arg1, %mul3A_150 : i32
    %mul3A_152 = arith.constant 640 : i32
    %mul3A_153 = arith.muli %arg1, %mul3A_152 : i32
    "tpu.region"() ({
      %run_scoped3A_154 = tpu.sem_alloc : memref<!tpu.dma_semaphore, #tpu.memory_space<semaphore_mem>>
      %dma_start3A_155 = arith.constant 0 : i32
      %dma_start3A_156 = tpu.memref_slice %arg6[%arg0, %mul3A_153, %dma_start3A_155] : memref<2x10240x16xf32, #tpu.memory_space<hbm>> -> memref<1x640x16xf32, #tpu.memory_space<hbm>>
      %dma_start3A_157 = tpu.memref_squeeze %dma_start3A_156 : memref<1x640x16xf32, #tpu.memory_space<hbm>> -> memref<640x16xf32, #tpu.memory_space<hbm>>
      %dma_start3A_158 = arith.constant 0 : i32
      %dma_start3A_159 = tpu.memref_slice %arg21[%mul3A_151, %dma_start3A_158] : memref<10240x16xf32, #tpu.memory_space<vmem_shared>> -> memref<640x16xf32, #tpu.memory_space<vmem_shared>>
      tpu.enqueue_dma source(%dma_start3A_159 : memref<640x16xf32, #tpu.memory_space<vmem_shared>>) target(%dma_start3A_157 : memref<640x16xf32, #tpu.memory_space<hbm>>) target_semaphore(%run_scoped3A_154 : memref<!tpu.dma_semaphore, #tpu.memory_space<semaphore_mem>>)
      %dma_wait3A_160 = arith.constant 0 : i32
      %dma_wait3A_161 = tpu.memref_slice %arg6[%arg0, %mul3A_153, %dma_wait3A_160] : memref<2x10240x16xf32, #tpu.memory_space<hbm>> -> memref<1x640x16xf32, #tpu.memory_space<hbm>>
      %dma_wait3A_162 = tpu.memref_squeeze %dma_wait3A_161 : memref<1x640x16xf32, #tpu.memory_space<hbm>> -> memref<640x16xf32, #tpu.memory_space<hbm>>
      %dma_wait3A_163 = arith.constant 0 : i32
      %dma_wait3A_164 = tpu.memref_slice %arg21[%mul3A_151, %dma_wait3A_163] : memref<10240x16xf32, #tpu.memory_space<vmem_shared>> -> memref<640x16xf32, #tpu.memory_space<vmem_shared>>
      tpu.wait_dma2 semaphore(%run_scoped3A_154 : memref<!tpu.dma_semaphore, #tpu.memory_space<semaphore_mem>>) src(%dma_wait3A_164 : memref<640x16xf32, #tpu.memory_space<vmem_shared>>) dst(%dma_wait3A_162 : memref<640x16xf32, #tpu.memory_space<hbm>>)
      tpu.yield
    }) : () -> ()
    return
  }
}

#map = affine_map<(d0, d1) -> (0, 0)>
#map1 = affine_map<(d0, d1) -> (0, 0, 0)>
module attributes {stable_mosaic.version = 14 : i64} {
  func.func @_sc_agg_body(%arg0: i32, %arg1: i32, %arg2: memref<10000x32xf32, #tpu.memory_space<hbm>>, %arg3: memref<32x125x80xi32, #tpu.memory_space<hbm>>, %arg4: memref<32x125x80xi32, #tpu.memory_space<hbm>>, %arg5: memref<2x10240x32xf32, #tpu.memory_space<hbm>>, %arg6: memref<125x80xi32, #tpu.memory_space<vmem>>, %arg7: memref<125x80xi32, #tpu.memory_space<vmem>>, %arg8: memref<80x32xf32, #tpu.memory_space<vmem>>, %arg9: memref<80x32xf32, #tpu.memory_space<vmem>>, %arg10: memref<80x32xf32, #tpu.memory_space<vmem>>, %arg11: memref<80x32xf32, #tpu.memory_space<vmem>>, %arg12: memref<80x32xf32, #tpu.memory_space<vmem>>, %arg13: memref<80x32xf32, #tpu.memory_space<vmem>>, %arg14: memref<80x32xf32, #tpu.memory_space<vmem>>, %arg15: memref<80x32xf32, #tpu.memory_space<vmem>>, %arg16: memref<128x32xf32, #tpu.memory_space<vmem>>, %arg17: memref<10240x32xf32, #tpu.memory_space<vmem_shared>>, %arg18: memref<!tpu.dma_semaphore, #tpu.memory_space<semaphore_mem>>, %arg19: memref<!tpu.dma_semaphore, #tpu.memory_space<semaphore_mem>>, %arg20: memref<!tpu.dma_semaphore, #tpu.memory_space<semaphore_mem>>, %arg21: memref<!tpu.dma_semaphore, #tpu.memory_space<semaphore_mem>>, %arg22: memref<!tpu.dma_semaphore, #tpu.memory_space<semaphore_mem>>, %arg23: memref<!tpu.dma_semaphore, #tpu.memory_space<semaphore_mem>>, %arg24: memref<!tpu.dma_semaphore, #tpu.memory_space<semaphore_mem>>, %arg25: memref<!tpu.dma_semaphore, #tpu.memory_space<semaphore_mem>>, %arg26: memref<!tpu.dma_semaphore, #tpu.memory_space<semaphore_mem>>) attributes {dimension_semantics = [#tpu.dimension_semantics<core_parallel>, #tpu.dimension_semantics<subcore_parallel>], iteration_bounds = array<i64: 2, 16>, scalar_prefetch = 0 : i64, scratch_operands = 21 : i64, tpu.core_type = #tpu.core_type<sc_vector_subcore>, window_params = [{transform_indices = #map}, {transform_indices = #map1}, {transform_indices = #map1}, {transform_indices = #map1}]} {
    %mul3A = arith.constant 2 : i32
    %mul3A_0 = arith.muli %arg1, %mul3A : i32
    %add3A = arith.addi %mul3A_0, %arg0 : i32
    %scan3A = arith.constant 0 : i32
    %scan3A_1 = arith.constant 128 : i32
    %scan3A_2 = arith.addi %scan3A, %scan3A_1 : i32
    %scan3A_3 = arith.constant 1 : i32
    scf.for %scan3A_140 = %scan3A to %scan3A_2 step %scan3A_3  : i32 {
      %mul3A_141 = arith.constant 1 : i32
      %mul3A_142 = arith.muli %scan3A_140, %mul3A_141 : i32
      %add3A_143 = arith.constant 0 : i32
      %add3A_144 = arith.addi %add3A_143, %mul3A_142 : i32
      %broadcast_in_dim3A = arith.constant 0.000000e+00 : f32
      %broadcast_in_dim3A_145 = vector.broadcast %broadcast_in_dim3A : f32 to vector<16xf32>
      %swap3A = arith.index_cast %add3A_144 : i32 to index
      %swap3A_146 = arith.constant 0 : index
      %swap3A_147 = tpu.vector_load %arg16[%swap3A, %swap3A_146] {strides = array<i32>} : memref<128x32xf32, #tpu.memory_space<vmem>>, vector<1x16xf32>,
      %swap3A_148 = vector.shape_cast %swap3A_147 : vector<1x16xf32> to vector<16xf32>
      %swap3A_149 = vector.shape_cast %broadcast_in_dim3A_145 : vector<16xf32> to vector<1x16xf32>
      tpu.vector_store %arg16[%swap3A, %swap3A_146], %swap3A_149 {strides = array<i32>} : memref<128x32xf32, #tpu.memory_space<vmem>>, vector<1x16xf32>,
      %broadcast_in_dim3A_150 = arith.constant 0.000000e+00 : f32
      %broadcast_in_dim3A_151 = vector.broadcast %broadcast_in_dim3A_150 : f32 to vector<16xf32>
      %swap3A_152 = arith.index_cast %add3A_144 : i32 to index
      %swap3A_153 = arith.constant 16 : index
      %swap3A_154 = tpu.vector_load %arg16[%swap3A_152, %swap3A_153] {strides = array<i32>} : memref<128x32xf32, #tpu.memory_space<vmem>>, vector<1x16xf32>,
      %swap3A_155 = vector.shape_cast %swap3A_154 : vector<1x16xf32> to vector<16xf32>
      %swap3A_156 = vector.shape_cast %broadcast_in_dim3A_151 : vector<16xf32> to vector<1x16xf32>
      tpu.vector_store %arg16[%swap3A_152, %swap3A_153], %swap3A_156 {strides = array<i32>} : memref<128x32xf32, #tpu.memory_space<vmem>>, vector<1x16xf32>,
    }
    %scan3A_4 = arith.constant 128 : i32
    %dma_start3A = arith.constant 0 : i32
    %dma_start3A_5 = arith.constant 0 : i32
    %dma_start3A_6 = tpu.memref_slice %arg3[%add3A, %dma_start3A, %dma_start3A_5] : memref<32x125x80xi32, #tpu.memory_space<hbm>> -> memref<1x125x80xi32, #tpu.memory_space<hbm>>
    %dma_start3A_7 = tpu.memref_squeeze %dma_start3A_6 : memref<1x125x80xi32, #tpu.memory_space<hbm>> -> memref<125x80xi32, #tpu.memory_space<hbm>>
    %dma_start3A_8 = arith.constant 0 : i32
    %dma_start3A_9 = arith.constant 0 : i32
    %dma_start3A_10 = tpu.memref_slice %arg3[%add3A, %dma_start3A_8, %dma_start3A_9] : memref<32x125x80xi32, #tpu.memory_space<hbm>> -> memref<1x125x80xi32, #tpu.memory_space<hbm>>
    %dma_start3A_11 = tpu.memref_squeeze %dma_start3A_10 : memref<1x125x80xi32, #tpu.memory_space<hbm>> -> memref<125x80xi32, #tpu.memory_space<hbm>>
    tpu.enqueue_dma source(%dma_start3A_11 : memref<125x80xi32, #tpu.memory_space<hbm>>) target(%arg6 : memref<125x80xi32, #tpu.memory_space<vmem>>) target_semaphore(%arg18 : memref<!tpu.dma_semaphore, #tpu.memory_space<semaphore_mem>>)
    %dma_start3A_12 = arith.constant 0 : i32
    %dma_start3A_13 = arith.constant 0 : i32
    %dma_start3A_14 = tpu.memref_slice %arg4[%add3A, %dma_start3A_12, %dma_start3A_13] : memref<32x125x80xi32, #tpu.memory_space<hbm>> -> memref<1x125x80xi32, #tpu.memory_space<hbm>>
    %dma_start3A_15 = tpu.memref_squeeze %dma_start3A_14 : memref<1x125x80xi32, #tpu.memory_space<hbm>> -> memref<125x80xi32, #tpu.memory_space<hbm>>
    %dma_start3A_16 = arith.constant 0 : i32
    %dma_start3A_17 = arith.constant 0 : i32
    %dma_start3A_18 = tpu.memref_slice %arg4[%add3A, %dma_start3A_16, %dma_start3A_17] : memref<32x125x80xi32, #tpu.memory_space<hbm>> -> memref<1x125x80xi32, #tpu.memory_space<hbm>>
    %dma_start3A_19 = tpu.memref_squeeze %dma_start3A_18 : memref<1x125x80xi32, #tpu.memory_space<hbm>> -> memref<125x80xi32, #tpu.memory_space<hbm>>
    tpu.enqueue_dma source(%dma_start3A_19 : memref<125x80xi32, #tpu.memory_space<hbm>>) target(%arg7 : memref<125x80xi32, #tpu.memory_space<vmem>>) target_semaphore(%arg18 : memref<!tpu.dma_semaphore, #tpu.memory_space<semaphore_mem>>)
    %scan3A_20 = arith.constant 0 : i32
    %scan3A_21 = arith.constant 5 : i32
    %scan3A_22 = arith.addi %scan3A_20, %scan3A_21 : i32
    %scan3A_23 = arith.constant 1 : i32
    scf.for %scan3A_140 = %scan3A_20 to %scan3A_22 step %scan3A_23  : i32 {
      %mul3A_141 = arith.constant 1 : i32
      %mul3A_142 = arith.muli %scan3A_140, %mul3A_141 : i32
      %add3A_143 = arith.constant 0 : i32
      %add3A_144 = arith.addi %add3A_143, %mul3A_142 : i32
      %mul3A_145 = arith.constant 640 : i32
      %mul3A_146 = arith.muli %arg1, %mul3A_145 : i32
      %mul3A_147 = arith.constant 128 : i32
      %mul3A_148 = arith.muli %add3A_144, %mul3A_147 : i32
      %add3A_149 = arith.addi %mul3A_146, %mul3A_148 : i32
      "tpu.region"() ({
        %run_scoped3A_150 = tpu.sem_alloc : memref<!tpu.dma_semaphore, #tpu.memory_space<semaphore_mem>>
        %dma_start3A_151 = arith.constant 0 : i32
        %dma_start3A_152 = tpu.memref_slice %arg17[%add3A_149, %dma_start3A_151] : memref<10240x32xf32, #tpu.memory_space<vmem_shared>> -> memref<128x32xf32, #tpu.memory_space<vmem_shared>>
        %dma_start3A_153 = arith.constant 0 : i32
        %dma_start3A_154 = tpu.memref_slice %arg17[%add3A_149, %dma_start3A_153] : memref<10240x32xf32, #tpu.memory_space<vmem_shared>> -> memref<128x32xf32, #tpu.memory_space<vmem_shared>>
        tpu.enqueue_dma source(%arg16 : memref<128x32xf32, #tpu.memory_space<vmem>>) target(%dma_start3A_154 : memref<128x32xf32, #tpu.memory_space<vmem_shared>>) target_semaphore(%run_scoped3A_150 : memref<!tpu.dma_semaphore, #tpu.memory_space<semaphore_mem>>)
        %dma_wait3A_155 = arith.constant 0 : i32
        %dma_wait3A_156 = tpu.memref_slice %arg17[%add3A_149, %dma_wait3A_155] : memref<10240x32xf32, #tpu.memory_space<vmem_shared>> -> memref<128x32xf32, #tpu.memory_space<vmem_shared>>
        %dma_wait3A_157 = arith.constant 0 : i32
        %dma_wait3A_158 = tpu.memref_slice %arg17[%add3A_149, %dma_wait3A_157] : memref<10240x32xf32, #tpu.memory_space<vmem_shared>> -> memref<128x32xf32, #tpu.memory_space<vmem_shared>>
        tpu.wait_dma2 semaphore(%run_scoped3A_150 : memref<!tpu.dma_semaphore, #tpu.memory_space<semaphore_mem>>) src(%arg16 : memref<128x32xf32, #tpu.memory_space<vmem>>) dst(%dma_wait3A_158 : memref<128x32xf32, #tpu.memory_space<vmem_shared>>)
        tpu.yield
      }) : () -> ()
    }
    %scan3A_24 = arith.constant 5 : i32
    %dma_wait3A = arith.constant 0 : i32
    %dma_wait3A_25 = arith.constant 0 : i32
    %dma_wait3A_26 = tpu.memref_slice %arg3[%add3A, %dma_wait3A, %dma_wait3A_25] : memref<32x125x80xi32, #tpu.memory_space<hbm>> -> memref<1x125x80xi32, #tpu.memory_space<hbm>>
    %dma_wait3A_27 = tpu.memref_squeeze %dma_wait3A_26 : memref<1x125x80xi32, #tpu.memory_space<hbm>> -> memref<125x80xi32, #tpu.memory_space<hbm>>
    %dma_wait3A_28 = arith.constant 0 : i32
    %dma_wait3A_29 = arith.constant 0 : i32
    %dma_wait3A_30 = tpu.memref_slice %arg3[%add3A, %dma_wait3A_28, %dma_wait3A_29] : memref<32x125x80xi32, #tpu.memory_space<hbm>> -> memref<1x125x80xi32, #tpu.memory_space<hbm>>
    %dma_wait3A_31 = tpu.memref_squeeze %dma_wait3A_30 : memref<1x125x80xi32, #tpu.memory_space<hbm>> -> memref<125x80xi32, #tpu.memory_space<hbm>>
    tpu.wait_dma2 semaphore(%arg18 : memref<!tpu.dma_semaphore, #tpu.memory_space<semaphore_mem>>) src(%dma_wait3A_31 : memref<125x80xi32, #tpu.memory_space<hbm>>) dst(%arg6 : memref<125x80xi32, #tpu.memory_space<vmem>>)
    %dma_wait3A_32 = arith.constant 0 : i32
    %dma_wait3A_33 = arith.constant 0 : i32
    %dma_wait3A_34 = tpu.memref_slice %arg4[%add3A, %dma_wait3A_32, %dma_wait3A_33] : memref<32x125x80xi32, #tpu.memory_space<hbm>> -> memref<1x125x80xi32, #tpu.memory_space<hbm>>
    %dma_wait3A_35 = tpu.memref_squeeze %dma_wait3A_34 : memref<1x125x80xi32, #tpu.memory_space<hbm>> -> memref<125x80xi32, #tpu.memory_space<hbm>>
    %dma_wait3A_36 = arith.constant 0 : i32
    %dma_wait3A_37 = arith.constant 0 : i32
    %dma_wait3A_38 = tpu.memref_slice %arg4[%add3A, %dma_wait3A_36, %dma_wait3A_37] : memref<32x125x80xi32, #tpu.memory_space<hbm>> -> memref<1x125x80xi32, #tpu.memory_space<hbm>>
    %dma_wait3A_39 = tpu.memref_squeeze %dma_wait3A_38 : memref<1x125x80xi32, #tpu.memory_space<hbm>> -> memref<125x80xi32, #tpu.memory_space<hbm>>
    tpu.wait_dma2 semaphore(%arg18 : memref<!tpu.dma_semaphore, #tpu.memory_space<semaphore_mem>>) src(%dma_wait3A_39 : memref<125x80xi32, #tpu.memory_space<hbm>>) dst(%arg7 : memref<125x80xi32, #tpu.memory_space<vmem>>)
    %barrier3A = arith.constant 0 : index
    tpu.barrier barrier_id(%barrier3A)
    %dma_start3A_40 = arith.constant 0 : i32
    %dma_start3A_41 = arith.constant 0 : i32
    %dma_start3A_42 = tpu.memref_slice %arg6[%dma_start3A_40, %dma_start3A_41] : memref<125x80xi32, #tpu.memory_space<vmem>> -> memref<1x80xi32, #tpu.memory_space<vmem>>
    %dma_start3A_43 = tpu.memref_squeeze %dma_start3A_42 : memref<1x80xi32, #tpu.memory_space<vmem>> -> memref<80xi32, #tpu.memory_space<vmem>>
    %dma_start3A_44 = arith.constant 0 : i32
    %dma_start3A_45 = arith.constant 0 : i32
    %dma_start3A_46 = tpu.memref_slice %arg2[%dma_start3A_44, %dma_start3A_45] : memref<10000x32xf32, #tpu.memory_space<hbm>> -> memref<10000x32xf32, #tpu.memory_space<hbm>>
    tpu.enqueue_indirect_dma source(%dma_start3A_46 : memref<10000x32xf32, #tpu.memory_space<hbm>>) target(%arg8 : memref<80x32xf32, #tpu.memory_space<vmem>>) offsets(%dma_start3A_43 : memref<80xi32, #tpu.memory_space<vmem>>) semaphore(%arg19 : memref<!tpu.dma_semaphore, #tpu.memory_space<semaphore_mem>>)
    %dma_start3A_47 = arith.constant 1 : i32
    %dma_start3A_48 = arith.constant 0 : i32
    %dma_start3A_49 = tpu.memref_slice %arg6[%dma_start3A_47, %dma_start3A_48] : memref<125x80xi32, #tpu.memory_space<vmem>> -> memref<1x80xi32, #tpu.memory_space<vmem>>
    %dma_start3A_50 = tpu.memref_squeeze %dma_start3A_49 : memref<1x80xi32, #tpu.memory_space<vmem>> -> memref<80xi32, #tpu.memory_space<vmem>>
    %dma_start3A_51 = arith.constant 0 : i32
    %dma_start3A_52 = arith.constant 0 : i32
    %dma_start3A_53 = tpu.memref_slice %arg2[%dma_start3A_51, %dma_start3A_52] : memref<10000x32xf32, #tpu.memory_space<hbm>> -> memref<10000x32xf32, #tpu.memory_space<hbm>>
    tpu.enqueue_indirect_dma source(%dma_start3A_53 : memref<10000x32xf32, #tpu.memory_space<hbm>>) target(%arg9 : memref<80x32xf32, #tpu.memory_space<vmem>>) offsets(%dma_start3A_50 : memref<80xi32, #tpu.memory_space<vmem>>) semaphore(%arg20 : memref<!tpu.dma_semaphore, #tpu.memory_space<semaphore_mem>>)
    %dma_start3A_54 = arith.constant 2 : i32
    %dma_start3A_55 = arith.constant 0 : i32
    %dma_start3A_56 = tpu.memref_slice %arg6[%dma_start3A_54, %dma_start3A_55] : memref<125x80xi32, #tpu.memory_space<vmem>> -> memref<1x80xi32, #tpu.memory_space<vmem>>
    %dma_start3A_57 = tpu.memref_squeeze %dma_start3A_56 : memref<1x80xi32, #tpu.memory_space<vmem>> -> memref<80xi32, #tpu.memory_space<vmem>>
    %dma_start3A_58 = arith.constant 0 : i32
    %dma_start3A_59 = arith.constant 0 : i32
    %dma_start3A_60 = tpu.memref_slice %arg2[%dma_start3A_58, %dma_start3A_59] : memref<10000x32xf32, #tpu.memory_space<hbm>> -> memref<10000x32xf32, #tpu.memory_space<hbm>>
    tpu.enqueue_indirect_dma source(%dma_start3A_60 : memref<10000x32xf32, #tpu.memory_space<hbm>>) target(%arg10 : memref<80x32xf32, #tpu.memory_space<vmem>>) offsets(%dma_start3A_57 : memref<80xi32, #tpu.memory_space<vmem>>) semaphore(%arg21 : memref<!tpu.dma_semaphore, #tpu.memory_space<semaphore_mem>>)
    %dma_start3A_61 = arith.constant 3 : i32
    %dma_start3A_62 = arith.constant 0 : i32
    %dma_start3A_63 = tpu.memref_slice %arg6[%dma_start3A_61, %dma_start3A_62] : memref<125x80xi32, #tpu.memory_space<vmem>> -> memref<1x80xi32, #tpu.memory_space<vmem>>
    %dma_start3A_64 = tpu.memref_squeeze %dma_start3A_63 : memref<1x80xi32, #tpu.memory_space<vmem>> -> memref<80xi32, #tpu.memory_space<vmem>>
    %dma_start3A_65 = arith.constant 0 : i32
    %dma_start3A_66 = arith.constant 0 : i32
    %dma_start3A_67 = tpu.memref_slice %arg2[%dma_start3A_65, %dma_start3A_66] : memref<10000x32xf32, #tpu.memory_space<hbm>> -> memref<10000x32xf32, #tpu.memory_space<hbm>>
    tpu.enqueue_indirect_dma source(%dma_start3A_67 : memref<10000x32xf32, #tpu.memory_space<hbm>>) target(%arg11 : memref<80x32xf32, #tpu.memory_space<vmem>>) offsets(%dma_start3A_64 : memref<80xi32, #tpu.memory_space<vmem>>) semaphore(%arg22 : memref<!tpu.dma_semaphore, #tpu.memory_space<semaphore_mem>>)
    %dma_start3A_68 = arith.constant 4 : i32
    %dma_start3A_69 = arith.constant 0 : i32
    %dma_start3A_70 = tpu.memref_slice %arg6[%dma_start3A_68, %dma_start3A_69] : memref<125x80xi32, #tpu.memory_space<vmem>> -> memref<1x80xi32, #tpu.memory_space<vmem>>
    %dma_start3A_71 = tpu.memref_squeeze %dma_start3A_70 : memref<1x80xi32, #tpu.memory_space<vmem>> -> memref<80xi32, #tpu.memory_space<vmem>>
    %dma_start3A_72 = arith.constant 0 : i32
    %dma_start3A_73 = arith.constant 0 : i32
    %dma_start3A_74 = tpu.memref_slice %arg2[%dma_start3A_72, %dma_start3A_73] : memref<10000x32xf32, #tpu.memory_space<hbm>> -> memref<10000x32xf32, #tpu.memory_space<hbm>>
    tpu.enqueue_indirect_dma source(%dma_start3A_74 : memref<10000x32xf32, #tpu.memory_space<hbm>>) target(%arg12 : memref<80x32xf32, #tpu.memory_space<vmem>>) offsets(%dma_start3A_71 : memref<80xi32, #tpu.memory_space<vmem>>) semaphore(%arg23 : memref<!tpu.dma_semaphore, #tpu.memory_space<semaphore_mem>>)
    %dma_start3A_75 = arith.constant 5 : i32
    %dma_start3A_76 = arith.constant 0 : i32
    %dma_start3A_77 = tpu.memref_slice %arg6[%dma_start3A_75, %dma_start3A_76] : memref<125x80xi32, #tpu.memory_space<vmem>> -> memref<1x80xi32, #tpu.memory_space<vmem>>
    %dma_start3A_78 = tpu.memref_squeeze %dma_start3A_77 : memref<1x80xi32, #tpu.memory_space<vmem>> -> memref<80xi32, #tpu.memory_space<vmem>>
    %dma_start3A_79 = arith.constant 0 : i32
    %dma_start3A_80 = arith.constant 0 : i32
    %dma_start3A_81 = tpu.memref_slice %arg2[%dma_start3A_79, %dma_start3A_80] : memref<10000x32xf32, #tpu.memory_space<hbm>> -> memref<10000x32xf32, #tpu.memory_space<hbm>>
    tpu.enqueue_indirect_dma source(%dma_start3A_81 : memref<10000x32xf32, #tpu.memory_space<hbm>>) target(%arg13 : memref<80x32xf32, #tpu.memory_space<vmem>>) offsets(%dma_start3A_78 : memref<80xi32, #tpu.memory_space<vmem>>) semaphore(%arg24 : memref<!tpu.dma_semaphore, #tpu.memory_space<semaphore_mem>>)
    %dma_start3A_82 = arith.constant 6 : i32
    %dma_start3A_83 = arith.constant 0 : i32
    %dma_start3A_84 = tpu.memref_slice %arg6[%dma_start3A_82, %dma_start3A_83] : memref<125x80xi32, #tpu.memory_space<vmem>> -> memref<1x80xi32, #tpu.memory_space<vmem>>
    %dma_start3A_85 = tpu.memref_squeeze %dma_start3A_84 : memref<1x80xi32, #tpu.memory_space<vmem>> -> memref<80xi32, #tpu.memory_space<vmem>>
    %dma_start3A_86 = arith.constant 0 : i32
    %dma_start3A_87 = arith.constant 0 : i32
    %dma_start3A_88 = tpu.memref_slice %arg2[%dma_start3A_86, %dma_start3A_87] : memref<10000x32xf32, #tpu.memory_space<hbm>> -> memref<10000x32xf32, #tpu.memory_space<hbm>>
    tpu.enqueue_indirect_dma source(%dma_start3A_88 : memref<10000x32xf32, #tpu.memory_space<hbm>>) target(%arg14 : memref<80x32xf32, #tpu.memory_space<vmem>>) offsets(%dma_start3A_85 : memref<80xi32, #tpu.memory_space<vmem>>) semaphore(%arg25 : memref<!tpu.dma_semaphore, #tpu.memory_space<semaphore_mem>>)
    %dma_start3A_89 = arith.constant 7 : i32
    %dma_start3A_90 = arith.constant 0 : i32
    %dma_start3A_91 = tpu.memref_slice %arg6[%dma_start3A_89, %dma_start3A_90] : memref<125x80xi32, #tpu.memory_space<vmem>> -> memref<1x80xi32, #tpu.memory_space<vmem>>
    %dma_start3A_92 = tpu.memref_squeeze %dma_start3A_91 : memref<1x80xi32, #tpu.memory_space<vmem>> -> memref<80xi32, #tpu.memory_space<vmem>>
    %dma_start3A_93 = arith.constant 0 : i32
    %dma_start3A_94 = arith.constant 0 : i32
    %dma_start3A_95 = tpu.memref_slice %arg2[%dma_start3A_93, %dma_start3A_94] : memref<10000x32xf32, #tpu.memory_space<hbm>> -> memref<10000x32xf32, #tpu.memory_space<hbm>>
    tpu.enqueue_indirect_dma source(%dma_start3A_95 : memref<10000x32xf32, #tpu.memory_space<hbm>>) target(%arg15 : memref<80x32xf32, #tpu.memory_space<vmem>>) offsets(%dma_start3A_92 : memref<80xi32, #tpu.memory_space<vmem>>) semaphore(%arg26 : memref<!tpu.dma_semaphore, #tpu.memory_space<semaphore_mem>>)
    %scan3A_96 = arith.constant 0 : i32
    %scan3A_97 = arith.constant 15 : i32
    %scan3A_98 = arith.addi %scan3A_96, %scan3A_97 : i32
    %scan3A_99 = arith.constant 1 : i32
    scf.for %scan3A_140 = %scan3A_96 to %scan3A_98 step %scan3A_99  : i32 {
      %mul3A_141 = arith.constant 8 : i32
      %mul3A_142 = arith.muli %scan3A_140, %mul3A_141 : i32
      %add3A_143 = arith.constant 0 : i32
      %add3A_144 = arith.addi %add3A_143, %mul3A_142 : i32
      %dma_wait3A_145 = arith.constant 0 : i32
      %dma_wait3A_146 = arith.constant 0 : i32
      %dma_wait3A_147 = tpu.memref_slice %arg2[%dma_wait3A_145, %dma_wait3A_146] : memref<10000x32xf32, #tpu.memory_space<hbm>> -> memref<80x32xf32, #tpu.memory_space<hbm>>
      %dma_wait3A_148 = arith.constant 0 : i32
      %dma_wait3A_149 = arith.constant 0 : i32
      %dma_wait3A_150 = tpu.memref_slice %arg2[%dma_wait3A_148, %dma_wait3A_149] : memref<10000x32xf32, #tpu.memory_space<hbm>> -> memref<80x32xf32, #tpu.memory_space<hbm>>
      tpu.wait_dma2 semaphore(%arg19 : memref<!tpu.dma_semaphore, #tpu.memory_space<semaphore_mem>>) src(%dma_wait3A_150 : memref<80x32xf32, #tpu.memory_space<hbm>>) dst(%arg8 : memref<80x32xf32, #tpu.memory_space<vmem>>)
      %add3A_151 = arith.constant 0 : i32
      %add3A_152 = arith.addi %add3A_144, %add3A_151 : i32
      "tpu.region"() ({
        %run_scoped3A_278 = tpu.sem_alloc : memref<!tpu.dma_semaphore, #tpu.memory_space<semaphore_mem>>
        %dma_start3A_279 = arith.constant 0 : i32
        %dma_start3A_280 = tpu.memref_slice %arg7[%add3A_152, %dma_start3A_279] : memref<125x80xi32, #tpu.memory_space<vmem>> -> memref<1x80xi32, #tpu.memory_space<vmem>>
        %dma_start3A_281 = tpu.memref_squeeze %dma_start3A_280 : memref<1x80xi32, #tpu.memory_space<vmem>> -> memref<80xi32, #tpu.memory_space<vmem>>
        %dma_start3A_282 = arith.constant 0 : i32
        %dma_start3A_283 = arith.constant 0 : i32
        %dma_start3A_284 = tpu.memref_slice %arg17[%dma_start3A_282, %dma_start3A_283] : memref<10240x32xf32, #tpu.memory_space<vmem_shared>> -> memref<10240x32xf32, #tpu.memory_space<vmem_shared>>
        tpu.enqueue_indirect_dma source(%arg8 : memref<80x32xf32, #tpu.memory_space<vmem>>) target(%dma_start3A_284 : memref<10240x32xf32, #tpu.memory_space<vmem_shared>>) offsets(%dma_start3A_281 : memref<80xi32, #tpu.memory_space<vmem>>) semaphore(%run_scoped3A_278 : memref<!tpu.dma_semaphore, #tpu.memory_space<semaphore_mem>>) {add = true}
        %dma_wait3A_285 = arith.constant 0 : i32
        %dma_wait3A_286 = tpu.memref_slice %arg7[%add3A_152, %dma_wait3A_285] : memref<125x80xi32, #tpu.memory_space<vmem>> -> memref<1x80xi32, #tpu.memory_space<vmem>>
        %dma_wait3A_287 = tpu.memref_squeeze %dma_wait3A_286 : memref<1x80xi32, #tpu.memory_space<vmem>> -> memref<80xi32, #tpu.memory_space<vmem>>
        %dma_wait3A_288 = arith.constant 0 : i32
        %dma_wait3A_289 = arith.constant 0 : i32
        %dma_wait3A_290 = tpu.memref_slice %arg17[%dma_wait3A_288, %dma_wait3A_289] : memref<10240x32xf32, #tpu.memory_space<vmem_shared>> -> memref<10240x32xf32, #tpu.memory_space<vmem_shared>>
        tpu.wait_indirect_dma semaphore(%run_scoped3A_278 : memref<!tpu.dma_semaphore, #tpu.memory_space<semaphore_mem>>) src(%arg8 : memref<80x32xf32, #tpu.memory_space<vmem>>) dst(%dma_wait3A_290 : memref<10240x32xf32, #tpu.memory_space<vmem_shared>>)
        tpu.yield
      }) : () -> ()
      %add3A_153 = arith.constant 8 : i32
      %add3A_154 = arith.addi %add3A_144, %add3A_153 : i32
      %add3A_155 = arith.constant 0 : i32
      %add3A_156 = arith.addi %add3A_154, %add3A_155 : i32
      %lt3A = arith.constant 125 : i32
      %lt3A_157 = arith.cmpi slt, %add3A_156, %lt3A : i32
      %convert_element_type3A = arith.extui %lt3A_157 : i1 to i32
      %cond3A = arith.constant 0 : i32
      %cond3A_158 = arith.cmpi ne, %convert_element_type3A, %cond3A : i32
      scf.if %cond3A_158 {
        %add3A_278 = arith.constant 8 : i32
        %add3A_279 = arith.addi %add3A_144, %add3A_278 : i32
        %add3A_280 = arith.constant 0 : i32
        %add3A_281 = arith.addi %add3A_279, %add3A_280 : i32
        %dma_start3A_282 = arith.constant 0 : i32
        %dma_start3A_283 = tpu.memref_slice %arg6[%add3A_281, %dma_start3A_282] : memref<125x80xi32, #tpu.memory_space<vmem>> -> memref<1x80xi32, #tpu.memory_space<vmem>>
        %dma_start3A_284 = tpu.memref_squeeze %dma_start3A_283 : memref<1x80xi32, #tpu.memory_space<vmem>> -> memref<80xi32, #tpu.memory_space<vmem>>
        %dma_start3A_285 = arith.constant 0 : i32
        %dma_start3A_286 = arith.constant 0 : i32
        %dma_start3A_287 = tpu.memref_slice %arg2[%dma_start3A_285, %dma_start3A_286] : memref<10000x32xf32, #tpu.memory_space<hbm>> -> memref<10000x32xf32, #tpu.memory_space<hbm>>
        tpu.enqueue_indirect_dma source(%dma_start3A_287 : memref<10000x32xf32, #tpu.memory_space<hbm>>) target(%arg8 : memref<80x32xf32, #tpu.memory_space<vmem>>) offsets(%dma_start3A_284 : memref<80xi32, #tpu.memory_space<vmem>>) semaphore(%arg19 : memref<!tpu.dma_semaphore, #tpu.memory_space<semaphore_mem>>)
      } else {
      }
      %dma_wait3A_159 = arith.constant 0 : i32
      %dma_wait3A_160 = arith.constant 0 : i32
      %dma_wait3A_161 = tpu.memref_slice %arg2[%dma_wait3A_159, %dma_wait3A_160] : memref<10000x32xf32, #tpu.memory_space<hbm>> -> memref<80x32xf32, #tpu.memory_space<hbm>>
      %dma_wait3A_162 = arith.constant 0 : i32
      %dma_wait3A_163 = arith.constant 0 : i32
      %dma_wait3A_164 = tpu.memref_slice %arg2[%dma_wait3A_162, %dma_wait3A_163] : memref<10000x32xf32, #tpu.memory_space<hbm>> -> memref<80x32xf32, #tpu.memory_space<hbm>>
      tpu.wait_dma2 semaphore(%arg20 : memref<!tpu.dma_semaphore, #tpu.memory_space<semaphore_mem>>) src(%dma_wait3A_164 : memref<80x32xf32, #tpu.memory_space<hbm>>) dst(%arg9 : memref<80x32xf32, #tpu.memory_space<vmem>>)
      %add3A_165 = arith.constant 1 : i32
      %add3A_166 = arith.addi %add3A_144, %add3A_165 : i32
      "tpu.region"() ({
        %run_scoped3A_278 = tpu.sem_alloc : memref<!tpu.dma_semaphore, #tpu.memory_space<semaphore_mem>>
        %dma_start3A_279 = arith.constant 0 : i32
        %dma_start3A_280 = tpu.memref_slice %arg7[%add3A_166, %dma_start3A_279] : memref<125x80xi32, #tpu.memory_space<vmem>> -> memref<1x80xi32, #tpu.memory_space<vmem>>
        %dma_start3A_281 = tpu.memref_squeeze %dma_start3A_280 : memref<1x80xi32, #tpu.memory_space<vmem>> -> memref<80xi32, #tpu.memory_space<vmem>>
        %dma_start3A_282 = arith.constant 0 : i32
        %dma_start3A_283 = arith.constant 0 : i32
        %dma_start3A_284 = tpu.memref_slice %arg17[%dma_start3A_282, %dma_start3A_283] : memref<10240x32xf32, #tpu.memory_space<vmem_shared>> -> memref<10240x32xf32, #tpu.memory_space<vmem_shared>>
        tpu.enqueue_indirect_dma source(%arg9 : memref<80x32xf32, #tpu.memory_space<vmem>>) target(%dma_start3A_284 : memref<10240x32xf32, #tpu.memory_space<vmem_shared>>) offsets(%dma_start3A_281 : memref<80xi32, #tpu.memory_space<vmem>>) semaphore(%run_scoped3A_278 : memref<!tpu.dma_semaphore, #tpu.memory_space<semaphore_mem>>) {add = true}
        %dma_wait3A_285 = arith.constant 0 : i32
        %dma_wait3A_286 = tpu.memref_slice %arg7[%add3A_166, %dma_wait3A_285] : memref<125x80xi32, #tpu.memory_space<vmem>> -> memref<1x80xi32, #tpu.memory_space<vmem>>
        %dma_wait3A_287 = tpu.memref_squeeze %dma_wait3A_286 : memref<1x80xi32, #tpu.memory_space<vmem>> -> memref<80xi32, #tpu.memory_space<vmem>>
        %dma_wait3A_288 = arith.constant 0 : i32
        %dma_wait3A_289 = arith.constant 0 : i32
        %dma_wait3A_290 = tpu.memref_slice %arg17[%dma_wait3A_288, %dma_wait3A_289] : memref<10240x32xf32, #tpu.memory_space<vmem_shared>> -> memref<10240x32xf32, #tpu.memory_space<vmem_shared>>
        tpu.wait_indirect_dma semaphore(%run_scoped3A_278 : memref<!tpu.dma_semaphore, #tpu.memory_space<semaphore_mem>>) src(%arg9 : memref<80x32xf32, #tpu.memory_space<vmem>>) dst(%dma_wait3A_290 : memref<10240x32xf32, #tpu.memory_space<vmem_shared>>)
        tpu.yield
      }) : () -> ()
      %add3A_167 = arith.constant 8 : i32
      %add3A_168 = arith.addi %add3A_144, %add3A_167 : i32
      %add3A_169 = arith.constant 1 : i32
      %add3A_170 = arith.addi %add3A_168, %add3A_169 : i32
      %lt3A_171 = arith.constant 125 : i32
      %lt3A_172 = arith.cmpi slt, %add3A_170, %lt3A_171 : i32
      %convert_element_type3A_173 = arith.extui %lt3A_172 : i1 to i32
      %cond3A_174 = arith.constant 0 : i32
      %cond3A_175 = arith.cmpi ne, %convert_element_type3A_173, %cond3A_174 : i32
      scf.if %cond3A_175 {
        %add3A_278 = arith.constant 8 : i32
        %add3A_279 = arith.addi %add3A_144, %add3A_278 : i32
        %add3A_280 = arith.constant 1 : i32
        %add3A_281 = arith.addi %add3A_279, %add3A_280 : i32
        %dma_start3A_282 = arith.constant 0 : i32
        %dma_start3A_283 = tpu.memref_slice %arg6[%add3A_281, %dma_start3A_282] : memref<125x80xi32, #tpu.memory_space<vmem>> -> memref<1x80xi32, #tpu.memory_space<vmem>>
        %dma_start3A_284 = tpu.memref_squeeze %dma_start3A_283 : memref<1x80xi32, #tpu.memory_space<vmem>> -> memref<80xi32, #tpu.memory_space<vmem>>
        %dma_start3A_285 = arith.constant 0 : i32
        %dma_start3A_286 = arith.constant 0 : i32
        %dma_start3A_287 = tpu.memref_slice %arg2[%dma_start3A_285, %dma_start3A_286] : memref<10000x32xf32, #tpu.memory_space<hbm>> -> memref<10000x32xf32, #tpu.memory_space<hbm>>
        tpu.enqueue_indirect_dma source(%dma_start3A_287 : memref<10000x32xf32, #tpu.memory_space<hbm>>) target(%arg9 : memref<80x32xf32, #tpu.memory_space<vmem>>) offsets(%dma_start3A_284 : memref<80xi32, #tpu.memory_space<vmem>>) semaphore(%arg20 : memref<!tpu.dma_semaphore, #tpu.memory_space<semaphore_mem>>)
      } else {
      }
      %dma_wait3A_176 = arith.constant 0 : i32
      %dma_wait3A_177 = arith.constant 0 : i32
      %dma_wait3A_178 = tpu.memref_slice %arg2[%dma_wait3A_176, %dma_wait3A_177] : memref<10000x32xf32, #tpu.memory_space<hbm>> -> memref<80x32xf32, #tpu.memory_space<hbm>>
      %dma_wait3A_179 = arith.constant 0 : i32
      %dma_wait3A_180 = arith.constant 0 : i32
      %dma_wait3A_181 = tpu.memref_slice %arg2[%dma_wait3A_179, %dma_wait3A_180] : memref<10000x32xf32, #tpu.memory_space<hbm>> -> memref<80x32xf32, #tpu.memory_space<hbm>>
      tpu.wait_dma2 semaphore(%arg21 : memref<!tpu.dma_semaphore, #tpu.memory_space<semaphore_mem>>) src(%dma_wait3A_181 : memref<80x32xf32, #tpu.memory_space<hbm>>) dst(%arg10 : memref<80x32xf32, #tpu.memory_space<vmem>>)
      %add3A_182 = arith.constant 2 : i32
      %add3A_183 = arith.addi %add3A_144, %add3A_182 : i32
      "tpu.region"() ({
        %run_scoped3A_278 = tpu.sem_alloc : memref<!tpu.dma_semaphore, #tpu.memory_space<semaphore_mem>>
        %dma_start3A_279 = arith.constant 0 : i32
        %dma_start3A_280 = tpu.memref_slice %arg7[%add3A_183, %dma_start3A_279] : memref<125x80xi32, #tpu.memory_space<vmem>> -> memref<1x80xi32, #tpu.memory_space<vmem>>
        %dma_start3A_281 = tpu.memref_squeeze %dma_start3A_280 : memref<1x80xi32, #tpu.memory_space<vmem>> -> memref<80xi32, #tpu.memory_space<vmem>>
        %dma_start3A_282 = arith.constant 0 : i32
        %dma_start3A_283 = arith.constant 0 : i32
        %dma_start3A_284 = tpu.memref_slice %arg17[%dma_start3A_282, %dma_start3A_283] : memref<10240x32xf32, #tpu.memory_space<vmem_shared>> -> memref<10240x32xf32, #tpu.memory_space<vmem_shared>>
        tpu.enqueue_indirect_dma source(%arg10 : memref<80x32xf32, #tpu.memory_space<vmem>>) target(%dma_start3A_284 : memref<10240x32xf32, #tpu.memory_space<vmem_shared>>) offsets(%dma_start3A_281 : memref<80xi32, #tpu.memory_space<vmem>>) semaphore(%run_scoped3A_278 : memref<!tpu.dma_semaphore, #tpu.memory_space<semaphore_mem>>) {add = true}
        %dma_wait3A_285 = arith.constant 0 : i32
        %dma_wait3A_286 = tpu.memref_slice %arg7[%add3A_183, %dma_wait3A_285] : memref<125x80xi32, #tpu.memory_space<vmem>> -> memref<1x80xi32, #tpu.memory_space<vmem>>
        %dma_wait3A_287 = tpu.memref_squeeze %dma_wait3A_286 : memref<1x80xi32, #tpu.memory_space<vmem>> -> memref<80xi32, #tpu.memory_space<vmem>>
        %dma_wait3A_288 = arith.constant 0 : i32
        %dma_wait3A_289 = arith.constant 0 : i32
        %dma_wait3A_290 = tpu.memref_slice %arg17[%dma_wait3A_288, %dma_wait3A_289] : memref<10240x32xf32, #tpu.memory_space<vmem_shared>> -> memref<10240x32xf32, #tpu.memory_space<vmem_shared>>
        tpu.wait_indirect_dma semaphore(%run_scoped3A_278 : memref<!tpu.dma_semaphore, #tpu.memory_space<semaphore_mem>>) src(%arg10 : memref<80x32xf32, #tpu.memory_space<vmem>>) dst(%dma_wait3A_290 : memref<10240x32xf32, #tpu.memory_space<vmem_shared>>)
        tpu.yield
      }) : () -> ()
      %add3A_184 = arith.constant 8 : i32
      %add3A_185 = arith.addi %add3A_144, %add3A_184 : i32
      %add3A_186 = arith.constant 2 : i32
      %add3A_187 = arith.addi %add3A_185, %add3A_186 : i32
      %lt3A_188 = arith.constant 125 : i32
      %lt3A_189 = arith.cmpi slt, %add3A_187, %lt3A_188 : i32
      %convert_element_type3A_190 = arith.extui %lt3A_189 : i1 to i32
      %cond3A_191 = arith.constant 0 : i32
      %cond3A_192 = arith.cmpi ne, %convert_element_type3A_190, %cond3A_191 : i32
      scf.if %cond3A_192 {
        %add3A_278 = arith.constant 8 : i32
        %add3A_279 = arith.addi %add3A_144, %add3A_278 : i32
        %add3A_280 = arith.constant 2 : i32
        %add3A_281 = arith.addi %add3A_279, %add3A_280 : i32
        %dma_start3A_282 = arith.constant 0 : i32
        %dma_start3A_283 = tpu.memref_slice %arg6[%add3A_281, %dma_start3A_282] : memref<125x80xi32, #tpu.memory_space<vmem>> -> memref<1x80xi32, #tpu.memory_space<vmem>>
        %dma_start3A_284 = tpu.memref_squeeze %dma_start3A_283 : memref<1x80xi32, #tpu.memory_space<vmem>> -> memref<80xi32, #tpu.memory_space<vmem>>
        %dma_start3A_285 = arith.constant 0 : i32
        %dma_start3A_286 = arith.constant 0 : i32
        %dma_start3A_287 = tpu.memref_slice %arg2[%dma_start3A_285, %dma_start3A_286] : memref<10000x32xf32, #tpu.memory_space<hbm>> -> memref<10000x32xf32, #tpu.memory_space<hbm>>
        tpu.enqueue_indirect_dma source(%dma_start3A_287 : memref<10000x32xf32, #tpu.memory_space<hbm>>) target(%arg10 : memref<80x32xf32, #tpu.memory_space<vmem>>) offsets(%dma_start3A_284 : memref<80xi32, #tpu.memory_space<vmem>>) semaphore(%arg21 : memref<!tpu.dma_semaphore, #tpu.memory_space<semaphore_mem>>)
      } else {
      }
      %dma_wait3A_193 = arith.constant 0 : i32
      %dma_wait3A_194 = arith.constant 0 : i32
      %dma_wait3A_195 = tpu.memref_slice %arg2[%dma_wait3A_193, %dma_wait3A_194] : memref<10000x32xf32, #tpu.memory_space<hbm>> -> memref<80x32xf32, #tpu.memory_space<hbm>>
      %dma_wait3A_196 = arith.constant 0 : i32
      %dma_wait3A_197 = arith.constant 0 : i32
      %dma_wait3A_198 = tpu.memref_slice %arg2[%dma_wait3A_196, %dma_wait3A_197] : memref<10000x32xf32, #tpu.memory_space<hbm>> -> memref<80x32xf32, #tpu.memory_space<hbm>>
      tpu.wait_dma2 semaphore(%arg22 : memref<!tpu.dma_semaphore, #tpu.memory_space<semaphore_mem>>) src(%dma_wait3A_198 : memref<80x32xf32, #tpu.memory_space<hbm>>) dst(%arg11 : memref<80x32xf32, #tpu.memory_space<vmem>>)
      %add3A_199 = arith.constant 3 : i32
      %add3A_200 = arith.addi %add3A_144, %add3A_199 : i32
      "tpu.region"() ({
        %run_scoped3A_278 = tpu.sem_alloc : memref<!tpu.dma_semaphore, #tpu.memory_space<semaphore_mem>>
        %dma_start3A_279 = arith.constant 0 : i32
        %dma_start3A_280 = tpu.memref_slice %arg7[%add3A_200, %dma_start3A_279] : memref<125x80xi32, #tpu.memory_space<vmem>> -> memref<1x80xi32, #tpu.memory_space<vmem>>
        %dma_start3A_281 = tpu.memref_squeeze %dma_start3A_280 : memref<1x80xi32, #tpu.memory_space<vmem>> -> memref<80xi32, #tpu.memory_space<vmem>>
        %dma_start3A_282 = arith.constant 0 : i32
        %dma_start3A_283 = arith.constant 0 : i32
        %dma_start3A_284 = tpu.memref_slice %arg17[%dma_start3A_282, %dma_start3A_283] : memref<10240x32xf32, #tpu.memory_space<vmem_shared>> -> memref<10240x32xf32, #tpu.memory_space<vmem_shared>>
        tpu.enqueue_indirect_dma source(%arg11 : memref<80x32xf32, #tpu.memory_space<vmem>>) target(%dma_start3A_284 : memref<10240x32xf32, #tpu.memory_space<vmem_shared>>) offsets(%dma_start3A_281 : memref<80xi32, #tpu.memory_space<vmem>>) semaphore(%run_scoped3A_278 : memref<!tpu.dma_semaphore, #tpu.memory_space<semaphore_mem>>) {add = true}
        %dma_wait3A_285 = arith.constant 0 : i32
        %dma_wait3A_286 = tpu.memref_slice %arg7[%add3A_200, %dma_wait3A_285] : memref<125x80xi32, #tpu.memory_space<vmem>> -> memref<1x80xi32, #tpu.memory_space<vmem>>
        %dma_wait3A_287 = tpu.memref_squeeze %dma_wait3A_286 : memref<1x80xi32, #tpu.memory_space<vmem>> -> memref<80xi32, #tpu.memory_space<vmem>>
        %dma_wait3A_288 = arith.constant 0 : i32
        %dma_wait3A_289 = arith.constant 0 : i32
        %dma_wait3A_290 = tpu.memref_slice %arg17[%dma_wait3A_288, %dma_wait3A_289] : memref<10240x32xf32, #tpu.memory_space<vmem_shared>> -> memref<10240x32xf32, #tpu.memory_space<vmem_shared>>
        tpu.wait_indirect_dma semaphore(%run_scoped3A_278 : memref<!tpu.dma_semaphore, #tpu.memory_space<semaphore_mem>>) src(%arg11 : memref<80x32xf32, #tpu.memory_space<vmem>>) dst(%dma_wait3A_290 : memref<10240x32xf32, #tpu.memory_space<vmem_shared>>)
        tpu.yield
      }) : () -> ()
      %add3A_201 = arith.constant 8 : i32
      %add3A_202 = arith.addi %add3A_144, %add3A_201 : i32
      %add3A_203 = arith.constant 3 : i32
      %add3A_204 = arith.addi %add3A_202, %add3A_203 : i32
      %lt3A_205 = arith.constant 125 : i32
      %lt3A_206 = arith.cmpi slt, %add3A_204, %lt3A_205 : i32
      %convert_element_type3A_207 = arith.extui %lt3A_206 : i1 to i32
      %cond3A_208 = arith.constant 0 : i32
      %cond3A_209 = arith.cmpi ne, %convert_element_type3A_207, %cond3A_208 : i32
      scf.if %cond3A_209 {
        %add3A_278 = arith.constant 8 : i32
        %add3A_279 = arith.addi %add3A_144, %add3A_278 : i32
        %add3A_280 = arith.constant 3 : i32
        %add3A_281 = arith.addi %add3A_279, %add3A_280 : i32
        %dma_start3A_282 = arith.constant 0 : i32
        %dma_start3A_283 = tpu.memref_slice %arg6[%add3A_281, %dma_start3A_282] : memref<125x80xi32, #tpu.memory_space<vmem>> -> memref<1x80xi32, #tpu.memory_space<vmem>>
        %dma_start3A_284 = tpu.memref_squeeze %dma_start3A_283 : memref<1x80xi32, #tpu.memory_space<vmem>> -> memref<80xi32, #tpu.memory_space<vmem>>
        %dma_start3A_285 = arith.constant 0 : i32
        %dma_start3A_286 = arith.constant 0 : i32
        %dma_start3A_287 = tpu.memref_slice %arg2[%dma_start3A_285, %dma_start3A_286] : memref<10000x32xf32, #tpu.memory_space<hbm>> -> memref<10000x32xf32, #tpu.memory_space<hbm>>
        tpu.enqueue_indirect_dma source(%dma_start3A_287 : memref<10000x32xf32, #tpu.memory_space<hbm>>) target(%arg11 : memref<80x32xf32, #tpu.memory_space<vmem>>) offsets(%dma_start3A_284 : memref<80xi32, #tpu.memory_space<vmem>>) semaphore(%arg22 : memref<!tpu.dma_semaphore, #tpu.memory_space<semaphore_mem>>)
      } else {
      }
      %dma_wait3A_210 = arith.constant 0 : i32
      %dma_wait3A_211 = arith.constant 0 : i32
      %dma_wait3A_212 = tpu.memref_slice %arg2[%dma_wait3A_210, %dma_wait3A_211] : memref<10000x32xf32, #tpu.memory_space<hbm>> -> memref<80x32xf32, #tpu.memory_space<hbm>>
      %dma_wait3A_213 = arith.constant 0 : i32
      %dma_wait3A_214 = arith.constant 0 : i32
      %dma_wait3A_215 = tpu.memref_slice %arg2[%dma_wait3A_213, %dma_wait3A_214] : memref<10000x32xf32, #tpu.memory_space<hbm>> -> memref<80x32xf32, #tpu.memory_space<hbm>>
      tpu.wait_dma2 semaphore(%arg23 : memref<!tpu.dma_semaphore, #tpu.memory_space<semaphore_mem>>) src(%dma_wait3A_215 : memref<80x32xf32, #tpu.memory_space<hbm>>) dst(%arg12 : memref<80x32xf32, #tpu.memory_space<vmem>>)
      %add3A_216 = arith.constant 4 : i32
      %add3A_217 = arith.addi %add3A_144, %add3A_216 : i32
      "tpu.region"() ({
        %run_scoped3A_278 = tpu.sem_alloc : memref<!tpu.dma_semaphore, #tpu.memory_space<semaphore_mem>>
        %dma_start3A_279 = arith.constant 0 : i32
        %dma_start3A_280 = tpu.memref_slice %arg7[%add3A_217, %dma_start3A_279] : memref<125x80xi32, #tpu.memory_space<vmem>> -> memref<1x80xi32, #tpu.memory_space<vmem>>
        %dma_start3A_281 = tpu.memref_squeeze %dma_start3A_280 : memref<1x80xi32, #tpu.memory_space<vmem>> -> memref<80xi32, #tpu.memory_space<vmem>>
        %dma_start3A_282 = arith.constant 0 : i32
        %dma_start3A_283 = arith.constant 0 : i32
        %dma_start3A_284 = tpu.memref_slice %arg17[%dma_start3A_282, %dma_start3A_283] : memref<10240x32xf32, #tpu.memory_space<vmem_shared>> -> memref<10240x32xf32, #tpu.memory_space<vmem_shared>>
        tpu.enqueue_indirect_dma source(%arg12 : memref<80x32xf32, #tpu.memory_space<vmem>>) target(%dma_start3A_284 : memref<10240x32xf32, #tpu.memory_space<vmem_shared>>) offsets(%dma_start3A_281 : memref<80xi32, #tpu.memory_space<vmem>>) semaphore(%run_scoped3A_278 : memref<!tpu.dma_semaphore, #tpu.memory_space<semaphore_mem>>) {add = true}
        %dma_wait3A_285 = arith.constant 0 : i32
        %dma_wait3A_286 = tpu.memref_slice %arg7[%add3A_217, %dma_wait3A_285] : memref<125x80xi32, #tpu.memory_space<vmem>> -> memref<1x80xi32, #tpu.memory_space<vmem>>
        %dma_wait3A_287 = tpu.memref_squeeze %dma_wait3A_286 : memref<1x80xi32, #tpu.memory_space<vmem>> -> memref<80xi32, #tpu.memory_space<vmem>>
        %dma_wait3A_288 = arith.constant 0 : i32
        %dma_wait3A_289 = arith.constant 0 : i32
        %dma_wait3A_290 = tpu.memref_slice %arg17[%dma_wait3A_288, %dma_wait3A_289] : memref<10240x32xf32, #tpu.memory_space<vmem_shared>> -> memref<10240x32xf32, #tpu.memory_space<vmem_shared>>
        tpu.wait_indirect_dma semaphore(%run_scoped3A_278 : memref<!tpu.dma_semaphore, #tpu.memory_space<semaphore_mem>>) src(%arg12 : memref<80x32xf32, #tpu.memory_space<vmem>>) dst(%dma_wait3A_290 : memref<10240x32xf32, #tpu.memory_space<vmem_shared>>)
        tpu.yield
      }) : () -> ()
      %add3A_218 = arith.constant 8 : i32
      %add3A_219 = arith.addi %add3A_144, %add3A_218 : i32
      %add3A_220 = arith.constant 4 : i32
      %add3A_221 = arith.addi %add3A_219, %add3A_220 : i32
      %lt3A_222 = arith.constant 125 : i32
      %lt3A_223 = arith.cmpi slt, %add3A_221, %lt3A_222 : i32
      %convert_element_type3A_224 = arith.extui %lt3A_223 : i1 to i32
      %cond3A_225 = arith.constant 0 : i32
      %cond3A_226 = arith.cmpi ne, %convert_element_type3A_224, %cond3A_225 : i32
      scf.if %cond3A_226 {
        %add3A_278 = arith.constant 8 : i32
        %add3A_279 = arith.addi %add3A_144, %add3A_278 : i32
        %add3A_280 = arith.constant 4 : i32
        %add3A_281 = arith.addi %add3A_279, %add3A_280 : i32
        %dma_start3A_282 = arith.constant 0 : i32
        %dma_start3A_283 = tpu.memref_slice %arg6[%add3A_281, %dma_start3A_282] : memref<125x80xi32, #tpu.memory_space<vmem>> -> memref<1x80xi32, #tpu.memory_space<vmem>>
        %dma_start3A_284 = tpu.memref_squeeze %dma_start3A_283 : memref<1x80xi32, #tpu.memory_space<vmem>> -> memref<80xi32, #tpu.memory_space<vmem>>
        %dma_start3A_285 = arith.constant 0 : i32
        %dma_start3A_286 = arith.constant 0 : i32
        %dma_start3A_287 = tpu.memref_slice %arg2[%dma_start3A_285, %dma_start3A_286] : memref<10000x32xf32, #tpu.memory_space<hbm>> -> memref<10000x32xf32, #tpu.memory_space<hbm>>
        tpu.enqueue_indirect_dma source(%dma_start3A_287 : memref<10000x32xf32, #tpu.memory_space<hbm>>) target(%arg12 : memref<80x32xf32, #tpu.memory_space<vmem>>) offsets(%dma_start3A_284 : memref<80xi32, #tpu.memory_space<vmem>>) semaphore(%arg23 : memref<!tpu.dma_semaphore, #tpu.memory_space<semaphore_mem>>)
      } else {
      }
      %dma_wait3A_227 = arith.constant 0 : i32
      %dma_wait3A_228 = arith.constant 0 : i32
      %dma_wait3A_229 = tpu.memref_slice %arg2[%dma_wait3A_227, %dma_wait3A_228] : memref<10000x32xf32, #tpu.memory_space<hbm>> -> memref<80x32xf32, #tpu.memory_space<hbm>>
      %dma_wait3A_230 = arith.constant 0 : i32
      %dma_wait3A_231 = arith.constant 0 : i32
      %dma_wait3A_232 = tpu.memref_slice %arg2[%dma_wait3A_230, %dma_wait3A_231] : memref<10000x32xf32, #tpu.memory_space<hbm>> -> memref<80x32xf32, #tpu.memory_space<hbm>>
      tpu.wait_dma2 semaphore(%arg24 : memref<!tpu.dma_semaphore, #tpu.memory_space<semaphore_mem>>) src(%dma_wait3A_232 : memref<80x32xf32, #tpu.memory_space<hbm>>) dst(%arg13 : memref<80x32xf32, #tpu.memory_space<vmem>>)
      %add3A_233 = arith.constant 5 : i32
      %add3A_234 = arith.addi %add3A_144, %add3A_233 : i32
      "tpu.region"() ({
        %run_scoped3A_278 = tpu.sem_alloc : memref<!tpu.dma_semaphore, #tpu.memory_space<semaphore_mem>>
        %dma_start3A_279 = arith.constant 0 : i32
        %dma_start3A_280 = tpu.memref_slice %arg7[%add3A_234, %dma_start3A_279] : memref<125x80xi32, #tpu.memory_space<vmem>> -> memref<1x80xi32, #tpu.memory_space<vmem>>
        %dma_start3A_281 = tpu.memref_squeeze %dma_start3A_280 : memref<1x80xi32, #tpu.memory_space<vmem>> -> memref<80xi32, #tpu.memory_space<vmem>>
        %dma_start3A_282 = arith.constant 0 : i32
        %dma_start3A_283 = arith.constant 0 : i32
        %dma_start3A_284 = tpu.memref_slice %arg17[%dma_start3A_282, %dma_start3A_283] : memref<10240x32xf32, #tpu.memory_space<vmem_shared>> -> memref<10240x32xf32, #tpu.memory_space<vmem_shared>>
        tpu.enqueue_indirect_dma source(%arg13 : memref<80x32xf32, #tpu.memory_space<vmem>>) target(%dma_start3A_284 : memref<10240x32xf32, #tpu.memory_space<vmem_shared>>) offsets(%dma_start3A_281 : memref<80xi32, #tpu.memory_space<vmem>>) semaphore(%run_scoped3A_278 : memref<!tpu.dma_semaphore, #tpu.memory_space<semaphore_mem>>) {add = true}
        %dma_wait3A_285 = arith.constant 0 : i32
        %dma_wait3A_286 = tpu.memref_slice %arg7[%add3A_234, %dma_wait3A_285] : memref<125x80xi32, #tpu.memory_space<vmem>> -> memref<1x80xi32, #tpu.memory_space<vmem>>
        %dma_wait3A_287 = tpu.memref_squeeze %dma_wait3A_286 : memref<1x80xi32, #tpu.memory_space<vmem>> -> memref<80xi32, #tpu.memory_space<vmem>>
        %dma_wait3A_288 = arith.constant 0 : i32
        %dma_wait3A_289 = arith.constant 0 : i32
        %dma_wait3A_290 = tpu.memref_slice %arg17[%dma_wait3A_288, %dma_wait3A_289] : memref<10240x32xf32, #tpu.memory_space<vmem_shared>> -> memref<10240x32xf32, #tpu.memory_space<vmem_shared>>
        tpu.wait_indirect_dma semaphore(%run_scoped3A_278 : memref<!tpu.dma_semaphore, #tpu.memory_space<semaphore_mem>>) src(%arg13 : memref<80x32xf32, #tpu.memory_space<vmem>>) dst(%dma_wait3A_290 : memref<10240x32xf32, #tpu.memory_space<vmem_shared>>)
        tpu.yield
      }) : () -> ()
      %add3A_235 = arith.constant 8 : i32
      %add3A_236 = arith.addi %add3A_144, %add3A_235 : i32
      %add3A_237 = arith.constant 5 : i32
      %add3A_238 = arith.addi %add3A_236, %add3A_237 : i32
      %lt3A_239 = arith.constant 125 : i32
      %lt3A_240 = arith.cmpi slt, %add3A_238, %lt3A_239 : i32
      %convert_element_type3A_241 = arith.extui %lt3A_240 : i1 to i32
      %cond3A_242 = arith.constant 0 : i32
      %cond3A_243 = arith.cmpi ne, %convert_element_type3A_241, %cond3A_242 : i32
      scf.if %cond3A_243 {
        %add3A_278 = arith.constant 8 : i32
        %add3A_279 = arith.addi %add3A_144, %add3A_278 : i32
        %add3A_280 = arith.constant 5 : i32
        %add3A_281 = arith.addi %add3A_279, %add3A_280 : i32
        %dma_start3A_282 = arith.constant 0 : i32
        %dma_start3A_283 = tpu.memref_slice %arg6[%add3A_281, %dma_start3A_282] : memref<125x80xi32, #tpu.memory_space<vmem>> -> memref<1x80xi32, #tpu.memory_space<vmem>>
        %dma_start3A_284 = tpu.memref_squeeze %dma_start3A_283 : memref<1x80xi32, #tpu.memory_space<vmem>> -> memref<80xi32, #tpu.memory_space<vmem>>
        %dma_start3A_285 = arith.constant 0 : i32
        %dma_start3A_286 = arith.constant 0 : i32
        %dma_start3A_287 = tpu.memref_slice %arg2[%dma_start3A_285, %dma_start3A_286] : memref<10000x32xf32, #tpu.memory_space<hbm>> -> memref<10000x32xf32, #tpu.memory_space<hbm>>
        tpu.enqueue_indirect_dma source(%dma_start3A_287 : memref<10000x32xf32, #tpu.memory_space<hbm>>) target(%arg13 : memref<80x32xf32, #tpu.memory_space<vmem>>) offsets(%dma_start3A_284 : memref<80xi32, #tpu.memory_space<vmem>>) semaphore(%arg24 : memref<!tpu.dma_semaphore, #tpu.memory_space<semaphore_mem>>)
      } else {
      }
      %dma_wait3A_244 = arith.constant 0 : i32
      %dma_wait3A_245 = arith.constant 0 : i32
      %dma_wait3A_246 = tpu.memref_slice %arg2[%dma_wait3A_244, %dma_wait3A_245] : memref<10000x32xf32, #tpu.memory_space<hbm>> -> memref<80x32xf32, #tpu.memory_space<hbm>>
      %dma_wait3A_247 = arith.constant 0 : i32
      %dma_wait3A_248 = arith.constant 0 : i32
      %dma_wait3A_249 = tpu.memref_slice %arg2[%dma_wait3A_247, %dma_wait3A_248] : memref<10000x32xf32, #tpu.memory_space<hbm>> -> memref<80x32xf32, #tpu.memory_space<hbm>>
      tpu.wait_dma2 semaphore(%arg25 : memref<!tpu.dma_semaphore, #tpu.memory_space<semaphore_mem>>) src(%dma_wait3A_249 : memref<80x32xf32, #tpu.memory_space<hbm>>) dst(%arg14 : memref<80x32xf32, #tpu.memory_space<vmem>>)
      %add3A_250 = arith.constant 6 : i32
      %add3A_251 = arith.addi %add3A_144, %add3A_250 : i32
      "tpu.region"() ({
        %run_scoped3A_278 = tpu.sem_alloc : memref<!tpu.dma_semaphore, #tpu.memory_space<semaphore_mem>>
        %dma_start3A_279 = arith.constant 0 : i32
        %dma_start3A_280 = tpu.memref_slice %arg7[%add3A_251, %dma_start3A_279] : memref<125x80xi32, #tpu.memory_space<vmem>> -> memref<1x80xi32, #tpu.memory_space<vmem>>
        %dma_start3A_281 = tpu.memref_squeeze %dma_start3A_280 : memref<1x80xi32, #tpu.memory_space<vmem>> -> memref<80xi32, #tpu.memory_space<vmem>>
        %dma_start3A_282 = arith.constant 0 : i32
        %dma_start3A_283 = arith.constant 0 : i32
        %dma_start3A_284 = tpu.memref_slice %arg17[%dma_start3A_282, %dma_start3A_283] : memref<10240x32xf32, #tpu.memory_space<vmem_shared>> -> memref<10240x32xf32, #tpu.memory_space<vmem_shared>>
        tpu.enqueue_indirect_dma source(%arg14 : memref<80x32xf32, #tpu.memory_space<vmem>>) target(%dma_start3A_284 : memref<10240x32xf32, #tpu.memory_space<vmem_shared>>) offsets(%dma_start3A_281 : memref<80xi32, #tpu.memory_space<vmem>>) semaphore(%run_scoped3A_278 : memref<!tpu.dma_semaphore, #tpu.memory_space<semaphore_mem>>) {add = true}
        %dma_wait3A_285 = arith.constant 0 : i32
        %dma_wait3A_286 = tpu.memref_slice %arg7[%add3A_251, %dma_wait3A_285] : memref<125x80xi32, #tpu.memory_space<vmem>> -> memref<1x80xi32, #tpu.memory_space<vmem>>
        %dma_wait3A_287 = tpu.memref_squeeze %dma_wait3A_286 : memref<1x80xi32, #tpu.memory_space<vmem>> -> memref<80xi32, #tpu.memory_space<vmem>>
        %dma_wait3A_288 = arith.constant 0 : i32
        %dma_wait3A_289 = arith.constant 0 : i32
        %dma_wait3A_290 = tpu.memref_slice %arg17[%dma_wait3A_288, %dma_wait3A_289] : memref<10240x32xf32, #tpu.memory_space<vmem_shared>> -> memref<10240x32xf32, #tpu.memory_space<vmem_shared>>
        tpu.wait_indirect_dma semaphore(%run_scoped3A_278 : memref<!tpu.dma_semaphore, #tpu.memory_space<semaphore_mem>>) src(%arg14 : memref<80x32xf32, #tpu.memory_space<vmem>>) dst(%dma_wait3A_290 : memref<10240x32xf32, #tpu.memory_space<vmem_shared>>)
        tpu.yield
      }) : () -> ()
      %add3A_252 = arith.constant 8 : i32
      %add3A_253 = arith.addi %add3A_144, %add3A_252 : i32
      %add3A_254 = arith.constant 6 : i32
      %add3A_255 = arith.addi %add3A_253, %add3A_254 : i32
      %lt3A_256 = arith.constant 125 : i32
      %lt3A_257 = arith.cmpi slt, %add3A_255, %lt3A_256 : i32
      %convert_element_type3A_258 = arith.extui %lt3A_257 : i1 to i32
      %cond3A_259 = arith.constant 0 : i32
      %cond3A_260 = arith.cmpi ne, %convert_element_type3A_258, %cond3A_259 : i32
      scf.if %cond3A_260 {
        %add3A_278 = arith.constant 8 : i32
        %add3A_279 = arith.addi %add3A_144, %add3A_278 : i32
        %add3A_280 = arith.constant 6 : i32
        %add3A_281 = arith.addi %add3A_279, %add3A_280 : i32
        %dma_start3A_282 = arith.constant 0 : i32
        %dma_start3A_283 = tpu.memref_slice %arg6[%add3A_281, %dma_start3A_282] : memref<125x80xi32, #tpu.memory_space<vmem>> -> memref<1x80xi32, #tpu.memory_space<vmem>>
        %dma_start3A_284 = tpu.memref_squeeze %dma_start3A_283 : memref<1x80xi32, #tpu.memory_space<vmem>> -> memref<80xi32, #tpu.memory_space<vmem>>
        %dma_start3A_285 = arith.constant 0 : i32
        %dma_start3A_286 = arith.constant 0 : i32
        %dma_start3A_287 = tpu.memref_slice %arg2[%dma_start3A_285, %dma_start3A_286] : memref<10000x32xf32, #tpu.memory_space<hbm>> -> memref<10000x32xf32, #tpu.memory_space<hbm>>
        tpu.enqueue_indirect_dma source(%dma_start3A_287 : memref<10000x32xf32, #tpu.memory_space<hbm>>) target(%arg14 : memref<80x32xf32, #tpu.memory_space<vmem>>) offsets(%dma_start3A_284 : memref<80xi32, #tpu.memory_space<vmem>>) semaphore(%arg25 : memref<!tpu.dma_semaphore, #tpu.memory_space<semaphore_mem>>)
      } else {
      }
      %dma_wait3A_261 = arith.constant 0 : i32
      %dma_wait3A_262 = arith.constant 0 : i32
      %dma_wait3A_263 = tpu.memref_slice %arg2[%dma_wait3A_261, %dma_wait3A_262] : memref<10000x32xf32, #tpu.memory_space<hbm>> -> memref<80x32xf32, #tpu.memory_space<hbm>>
      %dma_wait3A_264 = arith.constant 0 : i32
      %dma_wait3A_265 = arith.constant 0 : i32
      %dma_wait3A_266 = tpu.memref_slice %arg2[%dma_wait3A_264, %dma_wait3A_265] : memref<10000x32xf32, #tpu.memory_space<hbm>> -> memref<80x32xf32, #tpu.memory_space<hbm>>
      tpu.wait_dma2 semaphore(%arg26 : memref<!tpu.dma_semaphore, #tpu.memory_space<semaphore_mem>>) src(%dma_wait3A_266 : memref<80x32xf32, #tpu.memory_space<hbm>>) dst(%arg15 : memref<80x32xf32, #tpu.memory_space<vmem>>)
      %add3A_267 = arith.constant 7 : i32
      %add3A_268 = arith.addi %add3A_144, %add3A_267 : i32
      "tpu.region"() ({
        %run_scoped3A_278 = tpu.sem_alloc : memref<!tpu.dma_semaphore, #tpu.memory_space<semaphore_mem>>
        %dma_start3A_279 = arith.constant 0 : i32
        %dma_start3A_280 = tpu.memref_slice %arg7[%add3A_268, %dma_start3A_279] : memref<125x80xi32, #tpu.memory_space<vmem>> -> memref<1x80xi32, #tpu.memory_space<vmem>>
        %dma_start3A_281 = tpu.memref_squeeze %dma_start3A_280 : memref<1x80xi32, #tpu.memory_space<vmem>> -> memref<80xi32, #tpu.memory_space<vmem>>
        %dma_start3A_282 = arith.constant 0 : i32
        %dma_start3A_283 = arith.constant 0 : i32
        %dma_start3A_284 = tpu.memref_slice %arg17[%dma_start3A_282, %dma_start3A_283] : memref<10240x32xf32, #tpu.memory_space<vmem_shared>> -> memref<10240x32xf32, #tpu.memory_space<vmem_shared>>
        tpu.enqueue_indirect_dma source(%arg15 : memref<80x32xf32, #tpu.memory_space<vmem>>) target(%dma_start3A_284 : memref<10240x32xf32, #tpu.memory_space<vmem_shared>>) offsets(%dma_start3A_281 : memref<80xi32, #tpu.memory_space<vmem>>) semaphore(%run_scoped3A_278 : memref<!tpu.dma_semaphore, #tpu.memory_space<semaphore_mem>>) {add = true}
        %dma_wait3A_285 = arith.constant 0 : i32
        %dma_wait3A_286 = tpu.memref_slice %arg7[%add3A_268, %dma_wait3A_285] : memref<125x80xi32, #tpu.memory_space<vmem>> -> memref<1x80xi32, #tpu.memory_space<vmem>>
        %dma_wait3A_287 = tpu.memref_squeeze %dma_wait3A_286 : memref<1x80xi32, #tpu.memory_space<vmem>> -> memref<80xi32, #tpu.memory_space<vmem>>
        %dma_wait3A_288 = arith.constant 0 : i32
        %dma_wait3A_289 = arith.constant 0 : i32
        %dma_wait3A_290 = tpu.memref_slice %arg17[%dma_wait3A_288, %dma_wait3A_289] : memref<10240x32xf32, #tpu.memory_space<vmem_shared>> -> memref<10240x32xf32, #tpu.memory_space<vmem_shared>>
        tpu.wait_indirect_dma semaphore(%run_scoped3A_278 : memref<!tpu.dma_semaphore, #tpu.memory_space<semaphore_mem>>) src(%arg15 : memref<80x32xf32, #tpu.memory_space<vmem>>) dst(%dma_wait3A_290 : memref<10240x32xf32, #tpu.memory_space<vmem_shared>>)
        tpu.yield
      }) : () -> ()
      %add3A_269 = arith.constant 8 : i32
      %add3A_270 = arith.addi %add3A_144, %add3A_269 : i32
      %add3A_271 = arith.constant 7 : i32
      %add3A_272 = arith.addi %add3A_270, %add3A_271 : i32
      %lt3A_273 = arith.constant 125 : i32
      %lt3A_274 = arith.cmpi slt, %add3A_272, %lt3A_273 : i32
      %convert_element_type3A_275 = arith.extui %lt3A_274 : i1 to i32
      %cond3A_276 = arith.constant 0 : i32
      %cond3A_277 = arith.cmpi ne, %convert_element_type3A_275, %cond3A_276 : i32
      scf.if %cond3A_277 {
        %add3A_278 = arith.constant 8 : i32
        %add3A_279 = arith.addi %add3A_144, %add3A_278 : i32
        %add3A_280 = arith.constant 7 : i32
        %add3A_281 = arith.addi %add3A_279, %add3A_280 : i32
        %dma_start3A_282 = arith.constant 0 : i32
        %dma_start3A_283 = tpu.memref_slice %arg6[%add3A_281, %dma_start3A_282] : memref<125x80xi32, #tpu.memory_space<vmem>> -> memref<1x80xi32, #tpu.memory_space<vmem>>
        %dma_start3A_284 = tpu.memref_squeeze %dma_start3A_283 : memref<1x80xi32, #tpu.memory_space<vmem>> -> memref<80xi32, #tpu.memory_space<vmem>>
        %dma_start3A_285 = arith.constant 0 : i32
        %dma_start3A_286 = arith.constant 0 : i32
        %dma_start3A_287 = tpu.memref_slice %arg2[%dma_start3A_285, %dma_start3A_286] : memref<10000x32xf32, #tpu.memory_space<hbm>> -> memref<10000x32xf32, #tpu.memory_space<hbm>>
        tpu.enqueue_indirect_dma source(%dma_start3A_287 : memref<10000x32xf32, #tpu.memory_space<hbm>>) target(%arg15 : memref<80x32xf32, #tpu.memory_space<vmem>>) offsets(%dma_start3A_284 : memref<80xi32, #tpu.memory_space<vmem>>) semaphore(%arg26 : memref<!tpu.dma_semaphore, #tpu.memory_space<semaphore_mem>>)
      } else {
      }
    }
    %scan3A_100 = arith.constant 15 : i32
    %dma_wait3A_101 = arith.constant 0 : i32
    %dma_wait3A_102 = arith.constant 0 : i32
    %dma_wait3A_103 = tpu.memref_slice %arg2[%dma_wait3A_101, %dma_wait3A_102] : memref<10000x32xf32, #tpu.memory_space<hbm>> -> memref<80x32xf32, #tpu.memory_space<hbm>>
    %dma_wait3A_104 = arith.constant 0 : i32
    %dma_wait3A_105 = arith.constant 0 : i32
    %dma_wait3A_106 = tpu.memref_slice %arg2[%dma_wait3A_104, %dma_wait3A_105] : memref<10000x32xf32, #tpu.memory_space<hbm>> -> memref<80x32xf32, #tpu.memory_space<hbm>>
    tpu.wait_dma2 semaphore(%arg19 : memref<!tpu.dma_semaphore, #tpu.memory_space<semaphore_mem>>) src(%dma_wait3A_106 : memref<80x32xf32, #tpu.memory_space<hbm>>) dst(%arg8 : memref<80x32xf32, #tpu.memory_space<vmem>>)
    %run_scoped3A = arith.constant 120 : i32
    "tpu.region"() ({
      %run_scoped3A_140 = tpu.sem_alloc : memref<!tpu.dma_semaphore, #tpu.memory_space<semaphore_mem>>
      %dma_start3A_141 = arith.constant 0 : i32
      %dma_start3A_142 = tpu.memref_slice %arg7[%run_scoped3A, %dma_start3A_141] : memref<125x80xi32, #tpu.memory_space<vmem>> -> memref<1x80xi32, #tpu.memory_space<vmem>>
      %dma_start3A_143 = tpu.memref_squeeze %dma_start3A_142 : memref<1x80xi32, #tpu.memory_space<vmem>> -> memref<80xi32, #tpu.memory_space<vmem>>
      %dma_start3A_144 = arith.constant 0 : i32
      %dma_start3A_145 = arith.constant 0 : i32
      %dma_start3A_146 = tpu.memref_slice %arg17[%dma_start3A_144, %dma_start3A_145] : memref<10240x32xf32, #tpu.memory_space<vmem_shared>> -> memref<10240x32xf32, #tpu.memory_space<vmem_shared>>
      tpu.enqueue_indirect_dma source(%arg8 : memref<80x32xf32, #tpu.memory_space<vmem>>) target(%dma_start3A_146 : memref<10240x32xf32, #tpu.memory_space<vmem_shared>>) offsets(%dma_start3A_143 : memref<80xi32, #tpu.memory_space<vmem>>) semaphore(%run_scoped3A_140 : memref<!tpu.dma_semaphore, #tpu.memory_space<semaphore_mem>>) {add = true}
      %dma_wait3A_147 = arith.constant 0 : i32
      %dma_wait3A_148 = tpu.memref_slice %arg7[%run_scoped3A, %dma_wait3A_147] : memref<125x80xi32, #tpu.memory_space<vmem>> -> memref<1x80xi32, #tpu.memory_space<vmem>>
      %dma_wait3A_149 = tpu.memref_squeeze %dma_wait3A_148 : memref<1x80xi32, #tpu.memory_space<vmem>> -> memref<80xi32, #tpu.memory_space<vmem>>
      %dma_wait3A_150 = arith.constant 0 : i32
      %dma_wait3A_151 = arith.constant 0 : i32
      %dma_wait3A_152 = tpu.memref_slice %arg17[%dma_wait3A_150, %dma_wait3A_151] : memref<10240x32xf32, #tpu.memory_space<vmem_shared>> -> memref<10240x32xf32, #tpu.memory_space<vmem_shared>>
      tpu.wait_indirect_dma semaphore(%run_scoped3A_140 : memref<!tpu.dma_semaphore, #tpu.memory_space<semaphore_mem>>) src(%arg8 : memref<80x32xf32, #tpu.memory_space<vmem>>) dst(%dma_wait3A_152 : memref<10240x32xf32, #tpu.memory_space<vmem_shared>>)
      tpu.yield
    }) : () -> ()
    %dma_wait3A_107 = arith.constant 0 : i32
    %dma_wait3A_108 = arith.constant 0 : i32
    %dma_wait3A_109 = tpu.memref_slice %arg2[%dma_wait3A_107, %dma_wait3A_108] : memref<10000x32xf32, #tpu.memory_space<hbm>> -> memref<80x32xf32, #tpu.memory_space<hbm>>
    %dma_wait3A_110 = arith.constant 0 : i32
    %dma_wait3A_111 = arith.constant 0 : i32
    %dma_wait3A_112 = tpu.memref_slice %arg2[%dma_wait3A_110, %dma_wait3A_111] : memref<10000x32xf32, #tpu.memory_space<hbm>> -> memref<80x32xf32, #tpu.memory_space<hbm>>
    tpu.wait_dma2 semaphore(%arg20 : memref<!tpu.dma_semaphore, #tpu.memory_space<semaphore_mem>>) src(%dma_wait3A_112 : memref<80x32xf32, #tpu.memory_space<hbm>>) dst(%arg9 : memref<80x32xf32, #tpu.memory_space<vmem>>)
    %run_scoped3A_113 = arith.constant 121 : i32
    "tpu.region"() ({
      %run_scoped3A_140 = tpu.sem_alloc : memref<!tpu.dma_semaphore, #tpu.memory_space<semaphore_mem>>
      %dma_start3A_141 = arith.constant 0 : i32
      %dma_start3A_142 = tpu.memref_slice %arg7[%run_scoped3A_113, %dma_start3A_141] : memref<125x80xi32, #tpu.memory_space<vmem>> -> memref<1x80xi32, #tpu.memory_space<vmem>>
      %dma_start3A_143 = tpu.memref_squeeze %dma_start3A_142 : memref<1x80xi32, #tpu.memory_space<vmem>> -> memref<80xi32, #tpu.memory_space<vmem>>
      %dma_start3A_144 = arith.constant 0 : i32
      %dma_start3A_145 = arith.constant 0 : i32
      %dma_start3A_146 = tpu.memref_slice %arg17[%dma_start3A_144, %dma_start3A_145] : memref<10240x32xf32, #tpu.memory_space<vmem_shared>> -> memref<10240x32xf32, #tpu.memory_space<vmem_shared>>
      tpu.enqueue_indirect_dma source(%arg9 : memref<80x32xf32, #tpu.memory_space<vmem>>) target(%dma_start3A_146 : memref<10240x32xf32, #tpu.memory_space<vmem_shared>>) offsets(%dma_start3A_143 : memref<80xi32, #tpu.memory_space<vmem>>) semaphore(%run_scoped3A_140 : memref<!tpu.dma_semaphore, #tpu.memory_space<semaphore_mem>>) {add = true}
      %dma_wait3A_147 = arith.constant 0 : i32
      %dma_wait3A_148 = tpu.memref_slice %arg7[%run_scoped3A_113, %dma_wait3A_147] : memref<125x80xi32, #tpu.memory_space<vmem>> -> memref<1x80xi32, #tpu.memory_space<vmem>>
      %dma_wait3A_149 = tpu.memref_squeeze %dma_wait3A_148 : memref<1x80xi32, #tpu.memory_space<vmem>> -> memref<80xi32, #tpu.memory_space<vmem>>
      %dma_wait3A_150 = arith.constant 0 : i32
      %dma_wait3A_151 = arith.constant 0 : i32
      %dma_wait3A_152 = tpu.memref_slice %arg17[%dma_wait3A_150, %dma_wait3A_151] : memref<10240x32xf32, #tpu.memory_space<vmem_shared>> -> memref<10240x32xf32, #tpu.memory_space<vmem_shared>>
      tpu.wait_indirect_dma semaphore(%run_scoped3A_140 : memref<!tpu.dma_semaphore, #tpu.memory_space<semaphore_mem>>) src(%arg9 : memref<80x32xf32, #tpu.memory_space<vmem>>) dst(%dma_wait3A_152 : memref<10240x32xf32, #tpu.memory_space<vmem_shared>>)
      tpu.yield
    }) : () -> ()
    %dma_wait3A_114 = arith.constant 0 : i32
    %dma_wait3A_115 = arith.constant 0 : i32
    %dma_wait3A_116 = tpu.memref_slice %arg2[%dma_wait3A_114, %dma_wait3A_115] : memref<10000x32xf32, #tpu.memory_space<hbm>> -> memref<80x32xf32, #tpu.memory_space<hbm>>
    %dma_wait3A_117 = arith.constant 0 : i32
    %dma_wait3A_118 = arith.constant 0 : i32
    %dma_wait3A_119 = tpu.memref_slice %arg2[%dma_wait3A_117, %dma_wait3A_118] : memref<10000x32xf32, #tpu.memory_space<hbm>> -> memref<80x32xf32, #tpu.memory_space<hbm>>
    tpu.wait_dma2 semaphore(%arg21 : memref<!tpu.dma_semaphore, #tpu.memory_space<semaphore_mem>>) src(%dma_wait3A_119 : memref<80x32xf32, #tpu.memory_space<hbm>>) dst(%arg10 : memref<80x32xf32, #tpu.memory_space<vmem>>)
    %run_scoped3A_120 = arith.constant 122 : i32
    "tpu.region"() ({
      %run_scoped3A_140 = tpu.sem_alloc : memref<!tpu.dma_semaphore, #tpu.memory_space<semaphore_mem>>
      %dma_start3A_141 = arith.constant 0 : i32
      %dma_start3A_142 = tpu.memref_slice %arg7[%run_scoped3A_120, %dma_start3A_141] : memref<125x80xi32, #tpu.memory_space<vmem>> -> memref<1x80xi32, #tpu.memory_space<vmem>>
      %dma_start3A_143 = tpu.memref_squeeze %dma_start3A_142 : memref<1x80xi32, #tpu.memory_space<vmem>> -> memref<80xi32, #tpu.memory_space<vmem>>
      %dma_start3A_144 = arith.constant 0 : i32
      %dma_start3A_145 = arith.constant 0 : i32
      %dma_start3A_146 = tpu.memref_slice %arg17[%dma_start3A_144, %dma_start3A_145] : memref<10240x32xf32, #tpu.memory_space<vmem_shared>> -> memref<10240x32xf32, #tpu.memory_space<vmem_shared>>
      tpu.enqueue_indirect_dma source(%arg10 : memref<80x32xf32, #tpu.memory_space<vmem>>) target(%dma_start3A_146 : memref<10240x32xf32, #tpu.memory_space<vmem_shared>>) offsets(%dma_start3A_143 : memref<80xi32, #tpu.memory_space<vmem>>) semaphore(%run_scoped3A_140 : memref<!tpu.dma_semaphore, #tpu.memory_space<semaphore_mem>>) {add = true}
      %dma_wait3A_147 = arith.constant 0 : i32
      %dma_wait3A_148 = tpu.memref_slice %arg7[%run_scoped3A_120, %dma_wait3A_147] : memref<125x80xi32, #tpu.memory_space<vmem>> -> memref<1x80xi32, #tpu.memory_space<vmem>>
      %dma_wait3A_149 = tpu.memref_squeeze %dma_wait3A_148 : memref<1x80xi32, #tpu.memory_space<vmem>> -> memref<80xi32, #tpu.memory_space<vmem>>
      %dma_wait3A_150 = arith.constant 0 : i32
      %dma_wait3A_151 = arith.constant 0 : i32
      %dma_wait3A_152 = tpu.memref_slice %arg17[%dma_wait3A_150, %dma_wait3A_151] : memref<10240x32xf32, #tpu.memory_space<vmem_shared>> -> memref<10240x32xf32, #tpu.memory_space<vmem_shared>>
      tpu.wait_indirect_dma semaphore(%run_scoped3A_140 : memref<!tpu.dma_semaphore, #tpu.memory_space<semaphore_mem>>) src(%arg10 : memref<80x32xf32, #tpu.memory_space<vmem>>) dst(%dma_wait3A_152 : memref<10240x32xf32, #tpu.memory_space<vmem_shared>>)
      tpu.yield
    }) : () -> ()
    %dma_wait3A_121 = arith.constant 0 : i32
    %dma_wait3A_122 = arith.constant 0 : i32
    %dma_wait3A_123 = tpu.memref_slice %arg2[%dma_wait3A_121, %dma_wait3A_122] : memref<10000x32xf32, #tpu.memory_space<hbm>> -> memref<80x32xf32, #tpu.memory_space<hbm>>
    %dma_wait3A_124 = arith.constant 0 : i32
    %dma_wait3A_125 = arith.constant 0 : i32
    %dma_wait3A_126 = tpu.memref_slice %arg2[%dma_wait3A_124, %dma_wait3A_125] : memref<10000x32xf32, #tpu.memory_space<hbm>> -> memref<80x32xf32, #tpu.memory_space<hbm>>
    tpu.wait_dma2 semaphore(%arg22 : memref<!tpu.dma_semaphore, #tpu.memory_space<semaphore_mem>>) src(%dma_wait3A_126 : memref<80x32xf32, #tpu.memory_space<hbm>>) dst(%arg11 : memref<80x32xf32, #tpu.memory_space<vmem>>)
    %run_scoped3A_127 = arith.constant 123 : i32
    "tpu.region"() ({
      %run_scoped3A_140 = tpu.sem_alloc : memref<!tpu.dma_semaphore, #tpu.memory_space<semaphore_mem>>
      %dma_start3A_141 = arith.constant 0 : i32
      %dma_start3A_142 = tpu.memref_slice %arg7[%run_scoped3A_127, %dma_start3A_141] : memref<125x80xi32, #tpu.memory_space<vmem>> -> memref<1x80xi32, #tpu.memory_space<vmem>>
      %dma_start3A_143 = tpu.memref_squeeze %dma_start3A_142 : memref<1x80xi32, #tpu.memory_space<vmem>> -> memref<80xi32, #tpu.memory_space<vmem>>
      %dma_start3A_144 = arith.constant 0 : i32
      %dma_start3A_145 = arith.constant 0 : i32
      %dma_start3A_146 = tpu.memref_slice %arg17[%dma_start3A_144, %dma_start3A_145] : memref<10240x32xf32, #tpu.memory_space<vmem_shared>> -> memref<10240x32xf32, #tpu.memory_space<vmem_shared>>
      tpu.enqueue_indirect_dma source(%arg11 : memref<80x32xf32, #tpu.memory_space<vmem>>) target(%dma_start3A_146 : memref<10240x32xf32, #tpu.memory_space<vmem_shared>>) offsets(%dma_start3A_143 : memref<80xi32, #tpu.memory_space<vmem>>) semaphore(%run_scoped3A_140 : memref<!tpu.dma_semaphore, #tpu.memory_space<semaphore_mem>>) {add = true}
      %dma_wait3A_147 = arith.constant 0 : i32
      %dma_wait3A_148 = tpu.memref_slice %arg7[%run_scoped3A_127, %dma_wait3A_147] : memref<125x80xi32, #tpu.memory_space<vmem>> -> memref<1x80xi32, #tpu.memory_space<vmem>>
      %dma_wait3A_149 = tpu.memref_squeeze %dma_wait3A_148 : memref<1x80xi32, #tpu.memory_space<vmem>> -> memref<80xi32, #tpu.memory_space<vmem>>
      %dma_wait3A_150 = arith.constant 0 : i32
      %dma_wait3A_151 = arith.constant 0 : i32
      %dma_wait3A_152 = tpu.memref_slice %arg17[%dma_wait3A_150, %dma_wait3A_151] : memref<10240x32xf32, #tpu.memory_space<vmem_shared>> -> memref<10240x32xf32, #tpu.memory_space<vmem_shared>>
      tpu.wait_indirect_dma semaphore(%run_scoped3A_140 : memref<!tpu.dma_semaphore, #tpu.memory_space<semaphore_mem>>) src(%arg11 : memref<80x32xf32, #tpu.memory_space<vmem>>) dst(%dma_wait3A_152 : memref<10240x32xf32, #tpu.memory_space<vmem_shared>>)
      tpu.yield
    }) : () -> ()
    %dma_wait3A_128 = arith.constant 0 : i32
    %dma_wait3A_129 = arith.constant 0 : i32
    %dma_wait3A_130 = tpu.memref_slice %arg2[%dma_wait3A_128, %dma_wait3A_129] : memref<10000x32xf32, #tpu.memory_space<hbm>> -> memref<80x32xf32, #tpu.memory_space<hbm>>
    %dma_wait3A_131 = arith.constant 0 : i32
    %dma_wait3A_132 = arith.constant 0 : i32
    %dma_wait3A_133 = tpu.memref_slice %arg2[%dma_wait3A_131, %dma_wait3A_132] : memref<10000x32xf32, #tpu.memory_space<hbm>> -> memref<80x32xf32, #tpu.memory_space<hbm>>
    tpu.wait_dma2 semaphore(%arg23 : memref<!tpu.dma_semaphore, #tpu.memory_space<semaphore_mem>>) src(%dma_wait3A_133 : memref<80x32xf32, #tpu.memory_space<hbm>>) dst(%arg12 : memref<80x32xf32, #tpu.memory_space<vmem>>)
    %run_scoped3A_134 = arith.constant 124 : i32
    "tpu.region"() ({
      %run_scoped3A_140 = tpu.sem_alloc : memref<!tpu.dma_semaphore, #tpu.memory_space<semaphore_mem>>
      %dma_start3A_141 = arith.constant 0 : i32
      %dma_start3A_142 = tpu.memref_slice %arg7[%run_scoped3A_134, %dma_start3A_141] : memref<125x80xi32, #tpu.memory_space<vmem>> -> memref<1x80xi32, #tpu.memory_space<vmem>>
      %dma_start3A_143 = tpu.memref_squeeze %dma_start3A_142 : memref<1x80xi32, #tpu.memory_space<vmem>> -> memref<80xi32, #tpu.memory_space<vmem>>
      %dma_start3A_144 = arith.constant 0 : i32
      %dma_start3A_145 = arith.constant 0 : i32
      %dma_start3A_146 = tpu.memref_slice %arg17[%dma_start3A_144, %dma_start3A_145] : memref<10240x32xf32, #tpu.memory_space<vmem_shared>> -> memref<10240x32xf32, #tpu.memory_space<vmem_shared>>
      tpu.enqueue_indirect_dma source(%arg12 : memref<80x32xf32, #tpu.memory_space<vmem>>) target(%dma_start3A_146 : memref<10240x32xf32, #tpu.memory_space<vmem_shared>>) offsets(%dma_start3A_143 : memref<80xi32, #tpu.memory_space<vmem>>) semaphore(%run_scoped3A_140 : memref<!tpu.dma_semaphore, #tpu.memory_space<semaphore_mem>>) {add = true}
      %dma_wait3A_147 = arith.constant 0 : i32
      %dma_wait3A_148 = tpu.memref_slice %arg7[%run_scoped3A_134, %dma_wait3A_147] : memref<125x80xi32, #tpu.memory_space<vmem>> -> memref<1x80xi32, #tpu.memory_space<vmem>>
      %dma_wait3A_149 = tpu.memref_squeeze %dma_wait3A_148 : memref<1x80xi32, #tpu.memory_space<vmem>> -> memref<80xi32, #tpu.memory_space<vmem>>
      %dma_wait3A_150 = arith.constant 0 : i32
      %dma_wait3A_151 = arith.constant 0 : i32
      %dma_wait3A_152 = tpu.memref_slice %arg17[%dma_wait3A_150, %dma_wait3A_151] : memref<10240x32xf32, #tpu.memory_space<vmem_shared>> -> memref<10240x32xf32, #tpu.memory_space<vmem_shared>>
      tpu.wait_indirect_dma semaphore(%run_scoped3A_140 : memref<!tpu.dma_semaphore, #tpu.memory_space<semaphore_mem>>) src(%arg12 : memref<80x32xf32, #tpu.memory_space<vmem>>) dst(%dma_wait3A_152 : memref<10240x32xf32, #tpu.memory_space<vmem_shared>>)
      tpu.yield
    }) : () -> ()
    %barrier3A_135 = arith.constant 0 : index
    tpu.barrier barrier_id(%barrier3A_135)
    %mul3A_136 = arith.constant 640 : i32
    %mul3A_137 = arith.muli %arg1, %mul3A_136 : i32
    %mul3A_138 = arith.constant 640 : i32
    %mul3A_139 = arith.muli %arg1, %mul3A_138 : i32
    "tpu.region"() ({
      %run_scoped3A_140 = tpu.sem_alloc : memref<!tpu.dma_semaphore, #tpu.memory_space<semaphore_mem>>
      %dma_start3A_141 = arith.constant 0 : i32
      %dma_start3A_142 = tpu.memref_slice %arg5[%arg0, %mul3A_139, %dma_start3A_141] : memref<2x10240x32xf32, #tpu.memory_space<hbm>> -> memref<1x640x32xf32, #tpu.memory_space<hbm>>
      %dma_start3A_143 = tpu.memref_squeeze %dma_start3A_142 : memref<1x640x32xf32, #tpu.memory_space<hbm>> -> memref<640x32xf32, #tpu.memory_space<hbm>>
      %dma_start3A_144 = arith.constant 0 : i32
      %dma_start3A_145 = tpu.memref_slice %arg17[%mul3A_137, %dma_start3A_144] : memref<10240x32xf32, #tpu.memory_space<vmem_shared>> -> memref<640x32xf32, #tpu.memory_space<vmem_shared>>
      tpu.enqueue_dma source(%dma_start3A_145 : memref<640x32xf32, #tpu.memory_space<vmem_shared>>) target(%dma_start3A_143 : memref<640x32xf32, #tpu.memory_space<hbm>>) target_semaphore(%run_scoped3A_140 : memref<!tpu.dma_semaphore, #tpu.memory_space<semaphore_mem>>)
      %dma_wait3A_146 = arith.constant 0 : i32
      %dma_wait3A_147 = tpu.memref_slice %arg5[%arg0, %mul3A_139, %dma_wait3A_146] : memref<2x10240x32xf32, #tpu.memory_space<hbm>> -> memref<1x640x32xf32, #tpu.memory_space<hbm>>
      %dma_wait3A_148 = tpu.memref_squeeze %dma_wait3A_147 : memref<1x640x32xf32, #tpu.memory_space<hbm>> -> memref<640x32xf32, #tpu.memory_space<hbm>>
      %dma_wait3A_149 = arith.constant 0 : i32
      %dma_wait3A_150 = tpu.memref_slice %arg17[%mul3A_137, %dma_wait3A_149] : memref<10240x32xf32, #tpu.memory_space<vmem_shared>> -> memref<640x32xf32, #tpu.memory_space<vmem_shared>>
      tpu.wait_dma2 semaphore(%run_scoped3A_140 : memref<!tpu.dma_semaphore, #tpu.memory_space<semaphore_mem>>) src(%dma_wait3A_150 : memref<640x32xf32, #tpu.memory_space<vmem_shared>>) dst(%dma_wait3A_148 : memref<640x32xf32, #tpu.memory_space<hbm>>)
      tpu.yield
    }) : () -> ()
    return
  }
}

module attributes {stable_mosaic.version = 14 : i64} {
  func.func @_proj_body(%arg0: memref<10000x128xf32, #tpu.memory_space<vmem>>, %arg1: memref<64x128xf32, #tpu.memory_space<vmem>>, %arg2: memref<64x128xf32, #tpu.memory_space<vmem>>, %arg3: memref<10000x64xf32, #tpu.memory_space<vmem>>, %arg4: memref<10000x64xf32, #tpu.memory_space<vmem>>) attributes {dimension_semantics = [], scalar_prefetch = 0 : i64, scratch_operands = 0 : i64, tpu.core_type = #tpu.core_type<tc>} {
    %get3A = arith.constant 0 : index
    %get3A_0 = arith.constant 0 : index
    %get3A_1 = vector.load %arg0[%get3A, %get3A_0] : memref<10000x128xf32, #tpu.memory_space<vmem>>, vector<10000x128xf32>
    %get3A_2 = arith.constant 0 : index
    %get3A_3 = arith.constant 0 : index
    %get3A_4 = vector.load %arg1[%get3A_2, %get3A_3] : memref<64x128xf32, #tpu.memory_space<vmem>>, vector<64x128xf32>
    %dot_general3A = arith.constant dense<0.000000e+00> : vector<10000x64xf32>
    %dot_general3A_5 = tpu.matmul %get3A_1, %get3A_4, %dot_general3A {dimension_numbers = #tpu.dot_dimension_numbers<[1], [1], [0], [0], [0, 0, 1, 0], [], []>, precision = #tpu.contract_precision<fp32>, transpose_lhs_hint = false} : vector<10000x128xf32>, vector<64x128xf32>, vector<10000x64xf32> -> vector<10000x64xf32>
    %swap3A = arith.constant 0 : index
    %swap3A_6 = arith.constant 0 : index
    %swap3A_7 = vector.load %arg3[%swap3A, %swap3A_6] : memref<10000x64xf32, #tpu.memory_space<vmem>>, vector<10000x64xf32>
    tpu.vector_store %arg3[%swap3A, %swap3A_6], %dot_general3A_5 {strides = array<i32>} : memref<10000x64xf32, #tpu.memory_space<vmem>>, vector<10000x64xf32>,
    %get3A_8 = arith.constant 0 : index
    %get3A_9 = arith.constant 0 : index
    %get3A_10 = vector.load %arg2[%get3A_8, %get3A_9] : memref<64x128xf32, #tpu.memory_space<vmem>>, vector<64x128xf32>
    %dot_general3A_11 = arith.constant dense<0.000000e+00> : vector<10000x64xf32>
    %dot_general3A_12 = tpu.matmul %get3A_1, %get3A_10, %dot_general3A_11 {dimension_numbers = #tpu.dot_dimension_numbers<[1], [1], [0], [0], [0, 0, 1, 0], [], []>, precision = #tpu.contract_precision<fp32>, transpose_lhs_hint = false} : vector<10000x128xf32>, vector<64x128xf32>, vector<10000x64xf32> -> vector<10000x64xf32>
    %swap3A_13 = arith.constant 0 : index
    %swap3A_14 = arith.constant 0 : index
    %swap3A_15 = vector.load %arg4[%swap3A_13, %swap3A_14] : memref<10000x64xf32, #tpu.memory_space<vmem>>, vector<10000x64xf32>
    tpu.vector_store %arg4[%swap3A_13, %swap3A_14], %dot_general3A_12 {strides = array<i32>} : memref<10000x64xf32, #tpu.memory_space<vmem>>, vector<10000x64xf32>,
    return
  }
}

module attributes {stable_mosaic.version = 14 : i64} {
  func.func @_mid_body(%arg0: memref<2x10240x64xf32, #tpu.memory_space<vmem>>, %arg1: memref<2x10240x16xf32, #tpu.memory_space<vmem>>, %arg2: memref<10000x64xf32, #tpu.memory_space<vmem>>, %arg3: memref<1x64xf32, #tpu.memory_space<vmem>>, %arg4: memref<1x64xf32, #tpu.memory_space<vmem>>, %arg5: memref<1x64xf32, #tpu.memory_space<vmem>>, %arg6: memref<32x64xf32, #tpu.memory_space<vmem>>, %arg7: memref<32x64xf32, #tpu.memory_space<vmem>>, %arg8: memref<10000x32xf32, #tpu.memory_space<vmem>>, %arg9: memref<10000x32xf32, #tpu.memory_space<vmem>>) attributes {dimension_semantics = [], scalar_prefetch = 0 : i64, scratch_operands = 0 : i64, tpu.core_type = #tpu.core_type<tc>} {
    %get3A = arith.constant 0 : index
    %get3A_0 = arith.constant 0 : index
    %get3A_1 = arith.constant 0 : index
    %get3A_2 = vector.load %arg1[%get3A, %get3A_0, %get3A_1] : memref<2x10240x16xf32, #tpu.memory_space<vmem>>, vector<1x10000x1xf32>
    %get3A_3 = vector.shape_cast %get3A_2 : vector<1x10000x1xf32> to vector<10000x1xf32>
    %get3A_4 = arith.constant 1 : index
    %get3A_5 = arith.constant 0 : index
    %get3A_6 = arith.constant 0 : index
    %get3A_7 = vector.load %arg1[%get3A_4, %get3A_5, %get3A_6] : memref<2x10240x16xf32, #tpu.memory_space<vmem>>, vector<1x10000x1xf32>
    %get3A_8 = vector.shape_cast %get3A_7 : vector<1x10000x1xf32> to vector<10000x1xf32>
    %add3A = arith.addf %get3A_3, %get3A_8 : vector<10000x1xf32>
    %get3A_9 = arith.constant 0 : index
    %get3A_10 = arith.constant 0 : index
    %get3A_11 = arith.constant 0 : index
    %get3A_12 = vector.load %arg0[%get3A_9, %get3A_10, %get3A_11] : memref<2x10240x64xf32, #tpu.memory_space<vmem>>, vector<1x10000x64xf32>
    %get3A_13 = vector.shape_cast %get3A_12 : vector<1x10000x64xf32> to vector<10000x64xf32>
    %get3A_14 = arith.constant 1 : index
    %get3A_15 = arith.constant 0 : index
    %get3A_16 = arith.constant 0 : index
    %get3A_17 = vector.load %arg0[%get3A_14, %get3A_15, %get3A_16] : memref<2x10240x64xf32, #tpu.memory_space<vmem>>, vector<1x10000x64xf32>
    %get3A_18 = vector.shape_cast %get3A_17 : vector<1x10000x64xf32> to vector<10000x64xf32>
    %add3A_19 = arith.addf %get3A_13, %get3A_18 : vector<10000x64xf32>
    %max3A = arith.constant 1.000000e+00 : f32
    %max3A_20 = vector.broadcast %max3A : f32 to vector<10000x1xf32>
    %max3A_21 = arith.maximumf %add3A, %max3A_20 : vector<10000x1xf32>
    %div3A = vector.broadcast %max3A_21 : vector<10000x1xf32> to vector<10000x64xf32>
    %div3A_22 = arith.divf %add3A_19, %div3A : vector<10000x64xf32>
    %get3A_23 = arith.constant 0 : index
    %get3A_24 = arith.constant 0 : index
    %get3A_25 = vector.load %arg3[%get3A_23, %get3A_24] : memref<1x64xf32, #tpu.memory_space<vmem>>, vector<1x64xf32>
    %add3A_26 = vector.broadcast %get3A_25 : vector<1x64xf32> to vector<10000x64xf32>
    %add3A_27 = arith.addf %div3A_22, %add3A_26 : vector<10000x64xf32>
    %get3A_28 = arith.constant 0 : index
    %get3A_29 = arith.constant 0 : index
    %get3A_30 = vector.load %arg2[%get3A_28, %get3A_29] : memref<10000x64xf32, #tpu.memory_space<vmem>>, vector<10000x64xf32>
    %add3A_31 = arith.addf %add3A_27, %get3A_30 : vector<10000x64xf32>
    %reduce_sum3A = arith.constant dense<0.000000e+00> : vector<64xf32>
    %reduce_sum3A_32 = vector.multi_reduction <add>, %add3A_31, %reduce_sum3A [0] : vector<10000x64xf32> to vector<64xf32>
    %broadcast_in_dim3A = vector.shape_cast %reduce_sum3A_32 : vector<64xf32> to vector<1x64xf32>
    %div3A_33 = arith.constant 1.000000e+04 : f32
    %div3A_34 = vector.broadcast %div3A_33 : f32 to vector<1x64xf32>
    %div3A_35 = arith.divf %broadcast_in_dim3A, %div3A_34 : vector<1x64xf32>
    %sub3A = vector.broadcast %div3A_35 : vector<1x64xf32> to vector<10000x64xf32>
    %sub3A_36 = arith.subf %add3A_31, %sub3A : vector<10000x64xf32>
    %sub3A_37 = vector.broadcast %div3A_35 : vector<1x64xf32> to vector<10000x64xf32>
    %sub3A_38 = arith.subf %add3A_31, %sub3A_37 : vector<10000x64xf32>
    %mul3A = arith.mulf %sub3A_36, %sub3A_38 : vector<10000x64xf32>
    %reduce_sum3A_39 = arith.constant dense<0.000000e+00> : vector<64xf32>
    %reduce_sum3A_40 = vector.multi_reduction <add>, %mul3A, %reduce_sum3A_39 [0] : vector<10000x64xf32> to vector<64xf32>
    %broadcast_in_dim3A_41 = vector.shape_cast %reduce_sum3A_40 : vector<64xf32> to vector<1x64xf32>
    %div3A_42 = arith.constant 1.000000e+04 : f32
    %div3A_43 = vector.broadcast %div3A_42 : f32 to vector<1x64xf32>
    %div3A_44 = arith.divf %broadcast_in_dim3A_41, %div3A_43 : vector<1x64xf32>
    %sub3A_45 = vector.broadcast %div3A_35 : vector<1x64xf32> to vector<10000x64xf32>
    %sub3A_46 = arith.subf %add3A_31, %sub3A_45 : vector<10000x64xf32>
    %add3A_47 = arith.constant 9.99999974E-6 : f32
    %add3A_48 = vector.broadcast %add3A_47 : f32 to vector<1x64xf32>
    %add3A_49 = arith.addf %div3A_44, %add3A_48 : vector<1x64xf32>
    %rsqrt3A = math.rsqrt %add3A_49 : vector<1x64xf32>
    %mul3A_50 = vector.broadcast %rsqrt3A : vector<1x64xf32> to vector<10000x64xf32>
    %mul3A_51 = arith.mulf %sub3A_46, %mul3A_50 : vector<10000x64xf32>
    %get3A_52 = arith.constant 0 : index
    %get3A_53 = arith.constant 0 : index
    %get3A_54 = vector.load %arg4[%get3A_52, %get3A_53] : memref<1x64xf32, #tpu.memory_space<vmem>>, vector<1x64xf32>
    %mul3A_55 = vector.broadcast %get3A_54 : vector<1x64xf32> to vector<10000x64xf32>
    %mul3A_56 = arith.mulf %mul3A_51, %mul3A_55 : vector<10000x64xf32>
    %get3A_57 = arith.constant 0 : index
    %get3A_58 = arith.constant 0 : index
    %get3A_59 = vector.load %arg5[%get3A_57, %get3A_58] : memref<1x64xf32, #tpu.memory_space<vmem>>, vector<1x64xf32>
    %add3A_60 = vector.broadcast %get3A_59 : vector<1x64xf32> to vector<10000x64xf32>
    %add3A_61 = arith.addf %mul3A_56, %add3A_60 : vector<10000x64xf32>
    %max3A_62 = arith.constant 0.000000e+00 : f32
    %max3A_63 = vector.broadcast %max3A_62 : f32 to vector<10000x64xf32>
    %max3A_64 = arith.maximumf %add3A_61, %max3A_63 : vector<10000x64xf32>
    %get3A_65 = arith.constant 0 : index
    %get3A_66 = arith.constant 0 : index
    %get3A_67 = vector.load %arg6[%get3A_65, %get3A_66] : memref<32x64xf32, #tpu.memory_space<vmem>>, vector<32x64xf32>
    %dot_general3A = arith.constant dense<0.000000e+00> : vector<10000x32xf32>
    %dot_general3A_68 = tpu.matmul %max3A_64, %get3A_67, %dot_general3A {dimension_numbers = #tpu.dot_dimension_numbers<[1], [1], [0], [0], [0, 0, 1, 0], [], []>, precision = #tpu.contract_precision<fp32>, transpose_lhs_hint = false} : vector<10000x64xf32>, vector<32x64xf32>, vector<10000x32xf32> -> vector<10000x32xf32>
    %swap3A = arith.constant 0 : index
    %swap3A_69 = arith.constant 0 : index
    %swap3A_70 = vector.load %arg8[%swap3A, %swap3A_69] : memref<10000x32xf32, #tpu.memory_space<vmem>>, vector<10000x32xf32>
    tpu.vector_store %arg8[%swap3A, %swap3A_69], %dot_general3A_68 {strides = array<i32>} : memref<10000x32xf32, #tpu.memory_space<vmem>>, vector<10000x32xf32>,
    %get3A_71 = arith.constant 0 : index
    %get3A_72 = arith.constant 0 : index
    %get3A_73 = vector.load %arg7[%get3A_71, %get3A_72] : memref<32x64xf32, #tpu.memory_space<vmem>>, vector<32x64xf32>
    %dot_general3A_74 = arith.constant dense<0.000000e+00> : vector<10000x32xf32>
    %dot_general3A_75 = tpu.matmul %max3A_64, %get3A_73, %dot_general3A_74 {dimension_numbers = #tpu.dot_dimension_numbers<[1], [1], [0], [0], [0, 0, 1, 0], [], []>, precision = #tpu.contract_precision<fp32>, transpose_lhs_hint = false} : vector<10000x64xf32>, vector<32x64xf32>, vector<10000x32xf32> -> vector<10000x32xf32>
    %swap3A_76 = arith.constant 0 : index
    %swap3A_77 = arith.constant 0 : index
    %swap3A_78 = vector.load %arg9[%swap3A_76, %swap3A_77] : memref<10000x32xf32, #tpu.memory_space<vmem>>, vector<10000x32xf32>
    tpu.vector_store %arg9[%swap3A_76, %swap3A_77], %dot_general3A_75 {strides = array<i32>} : memref<10000x32xf32, #tpu.memory_space<vmem>>, vector<10000x32xf32>,
    return
  }
}

module attributes {stable_mosaic.version = 14 : i64} {
  func.func @_fin_body(%arg0: memref<2x10240x32xf32, #tpu.memory_space<vmem>>, %arg1: memref<2x10240x16xf32, #tpu.memory_space<vmem>>, %arg2: memref<10000x32xf32, #tpu.memory_space<vmem>>, %arg3: memref<1x32xf32, #tpu.memory_space<vmem>>, %arg4: memref<1x32xf32, #tpu.memory_space<vmem>>, %arg5: memref<1x32xf32, #tpu.memory_space<vmem>>, %arg6: memref<10000x32xf32, #tpu.memory_space<vmem>>) attributes {dimension_semantics = [], scalar_prefetch = 0 : i64, scratch_operands = 0 : i64, tpu.core_type = #tpu.core_type<tc>} {
    %get3A = arith.constant 0 : index
    %get3A_0 = arith.constant 0 : index
    %get3A_1 = arith.constant 0 : index
    %get3A_2 = vector.load %arg1[%get3A, %get3A_0, %get3A_1] : memref<2x10240x16xf32, #tpu.memory_space<vmem>>, vector<1x10000x1xf32>
    %get3A_3 = vector.shape_cast %get3A_2 : vector<1x10000x1xf32> to vector<10000x1xf32>
    %get3A_4 = arith.constant 1 : index
    %get3A_5 = arith.constant 0 : index
    %get3A_6 = arith.constant 0 : index
    %get3A_7 = vector.load %arg1[%get3A_4, %get3A_5, %get3A_6] : memref<2x10240x16xf32, #tpu.memory_space<vmem>>, vector<1x10000x1xf32>
    %get3A_8 = vector.shape_cast %get3A_7 : vector<1x10000x1xf32> to vector<10000x1xf32>
    %add3A = arith.addf %get3A_3, %get3A_8 : vector<10000x1xf32>
    %get3A_9 = arith.constant 0 : index
    %get3A_10 = arith.constant 0 : index
    %get3A_11 = arith.constant 0 : index
    %get3A_12 = vector.load %arg0[%get3A_9, %get3A_10, %get3A_11] : memref<2x10240x32xf32, #tpu.memory_space<vmem>>, vector<1x10000x32xf32>
    %get3A_13 = vector.shape_cast %get3A_12 : vector<1x10000x32xf32> to vector<10000x32xf32>
    %get3A_14 = arith.constant 1 : index
    %get3A_15 = arith.constant 0 : index
    %get3A_16 = arith.constant 0 : index
    %get3A_17 = vector.load %arg0[%get3A_14, %get3A_15, %get3A_16] : memref<2x10240x32xf32, #tpu.memory_space<vmem>>, vector<1x10000x32xf32>
    %get3A_18 = vector.shape_cast %get3A_17 : vector<1x10000x32xf32> to vector<10000x32xf32>
    %add3A_19 = arith.addf %get3A_13, %get3A_18 : vector<10000x32xf32>
    %max3A = arith.constant 1.000000e+00 : f32
    %max3A_20 = vector.broadcast %max3A : f32 to vector<10000x1xf32>
    %max3A_21 = arith.maximumf %add3A, %max3A_20 : vector<10000x1xf32>
    %div3A = vector.broadcast %max3A_21 : vector<10000x1xf32> to vector<10000x32xf32>
    %div3A_22 = arith.divf %add3A_19, %div3A : vector<10000x32xf32>
    %get3A_23 = arith.constant 0 : index
    %get3A_24 = arith.constant 0 : index
    %get3A_25 = vector.load %arg3[%get3A_23, %get3A_24] : memref<1x32xf32, #tpu.memory_space<vmem>>, vector<1x32xf32>
    %add3A_26 = vector.broadcast %get3A_25 : vector<1x32xf32> to vector<10000x32xf32>
    %add3A_27 = arith.addf %div3A_22, %add3A_26 : vector<10000x32xf32>
    %get3A_28 = arith.constant 0 : index
    %get3A_29 = arith.constant 0 : index
    %get3A_30 = vector.load %arg2[%get3A_28, %get3A_29] : memref<10000x32xf32, #tpu.memory_space<vmem>>, vector<10000x32xf32>
    %add3A_31 = arith.addf %add3A_27, %get3A_30 : vector<10000x32xf32>
    %reduce_sum3A = arith.constant dense<0.000000e+00> : vector<32xf32>
    %reduce_sum3A_32 = vector.multi_reduction <add>, %add3A_31, %reduce_sum3A [0] : vector<10000x32xf32> to vector<32xf32>
    %broadcast_in_dim3A = vector.shape_cast %reduce_sum3A_32 : vector<32xf32> to vector<1x32xf32>
    %div3A_33 = arith.constant 1.000000e+04 : f32
    %div3A_34 = vector.broadcast %div3A_33 : f32 to vector<1x32xf32>
    %div3A_35 = arith.divf %broadcast_in_dim3A, %div3A_34 : vector<1x32xf32>
    %sub3A = vector.broadcast %div3A_35 : vector<1x32xf32> to vector<10000x32xf32>
    %sub3A_36 = arith.subf %add3A_31, %sub3A : vector<10000x32xf32>
    %sub3A_37 = vector.broadcast %div3A_35 : vector<1x32xf32> to vector<10000x32xf32>
    %sub3A_38 = arith.subf %add3A_31, %sub3A_37 : vector<10000x32xf32>
    %mul3A = arith.mulf %sub3A_36, %sub3A_38 : vector<10000x32xf32>
    %reduce_sum3A_39 = arith.constant dense<0.000000e+00> : vector<32xf32>
    %reduce_sum3A_40 = vector.multi_reduction <add>, %mul3A, %reduce_sum3A_39 [0] : vector<10000x32xf32> to vector<32xf32>
    %broadcast_in_dim3A_41 = vector.shape_cast %reduce_sum3A_40 : vector<32xf32> to vector<1x32xf32>
    %div3A_42 = arith.constant 1.000000e+04 : f32
    %div3A_43 = vector.broadcast %div3A_42 : f32 to vector<1x32xf32>
    %div3A_44 = arith.divf %broadcast_in_dim3A_41, %div3A_43 : vector<1x32xf32>
    %sub3A_45 = vector.broadcast %div3A_35 : vector<1x32xf32> to vector<10000x32xf32>
    %sub3A_46 = arith.subf %add3A_31, %sub3A_45 : vector<10000x32xf32>
    %add3A_47 = arith.constant 9.99999974E-6 : f32
    %add3A_48 = vector.broadcast %add3A_47 : f32 to vector<1x32xf32>
    %add3A_49 = arith.addf %div3A_44, %add3A_48 : vector<1x32xf32>
    %rsqrt3A = math.rsqrt %add3A_49 : vector<1x32xf32>
    %mul3A_50 = vector.broadcast %rsqrt3A : vector<1x32xf32> to vector<10000x32xf32>
    %mul3A_51 = arith.mulf %sub3A_46, %mul3A_50 : vector<10000x32xf32>
    %get3A_52 = arith.constant 0 : index
    %get3A_53 = arith.constant 0 : index
    %get3A_54 = vector.load %arg4[%get3A_52, %get3A_53] : memref<1x32xf32, #tpu.memory_space<vmem>>, vector<1x32xf32>
    %mul3A_55 = vector.broadcast %get3A_54 : vector<1x32xf32> to vector<10000x32xf32>
    %mul3A_56 = arith.mulf %mul3A_51, %mul3A_55 : vector<10000x32xf32>
    %get3A_57 = arith.constant 0 : index
    %get3A_58 = arith.constant 0 : index
    %get3A_59 = vector.load %arg5[%get3A_57, %get3A_58] : memref<1x32xf32, #tpu.memory_space<vmem>>, vector<1x32xf32>
    %add3A_60 = vector.broadcast %get3A_59 : vector<1x32xf32> to vector<10000x32xf32>
    %add3A_61 = arith.addf %mul3A_56, %add3A_60 : vector<10000x32xf32>
    %max3A_62 = arith.constant 0.000000e+00 : f32
    %max3A_63 = vector.broadcast %max3A_62 : f32 to vector<10000x32xf32>
    %max3A_64 = arith.maximumf %add3A_61, %max3A_63 : vector<10000x32xf32>
    %swap3A = arith.constant 0 : index
    %swap3A_65 = arith.constant 0 : index
    %swap3A_66 = vector.load %arg6[%swap3A, %swap3A_65] : memref<10000x32xf32, #tpu.memory_space<vmem>>, vector<10000x32xf32>
    tpu.vector_store %arg6[%swap3A, %swap3A_65], %max3A_64 {strides = array<i32>} : memref<10000x32xf32, #tpu.memory_space<vmem>>, vector<10000x32xf32>,
    return
  }
}

</mosaic_0001>

<sc_bundles>
// kernel: kernel.10.cloned.1.call-start
scs
__scs_entry_jumppad:
0x0: {  	(pc) =	sbr.rel $0x88, $3  }
0x1: {  	(tag) =	ssettag $0x0;
	lr =	simm.s32 $0x1  }
0x2: {  	[smem:$0x3F95] =	sst lr;
	_ =	strace $0xD0000000  }
0x3: {  	_ = 	snop  }
0x4: {  	_ = 	snop  }
0x5: {  	_ = 	snop  }
0x6: {  	_ = 	snop  }
0x7: {  	_ = 	snop  }
__scs_overlays_trampoline_lowered:
0x8: {  	[smem:$0x3FA4] =	sst s0  }
0x9: {  	[smem:$0x3FA5] =	sst s1  }
0xa: {  	[smem:$0x3FA6] =	sst s2  }
0xb: {  	[smem:$0x3FA7] =	sst s3  }
0xc: {  	[smem:$0x3FA8] =	sst s4  }
0xd: {  	[smem:$0x3FA9] =	sst s5  }
0xe: {  	[smem:$0x3FAA] =	sst s6  }
0xf: {  	[smem:$0x3FAB] =	sst s7  }
0x10: {  	[smem:$0x3FAC] =	sst s8  }
0x11: {  	[smem:$0x3FAD] =	sst s9;
	s0 =	simm.s32 @!p0 $0x0  }
0x12: {  	s1 =	sld [smem:$0x3F93];
	s0 =	simm.s32 @p0 $0x1  }
0x13: {  	[smem:$0x3FAE] =	sst s0;
	s0 =	simm.s32 @!p1 $0x0  }
0x14: {  	s2 =	sld [smem:$0x3F92];
	s0 =	simm.s32 @p1 $0x1  }
0x15: {  	[smem:$0x3FAF] =	sst s0;
	s0 =	simm.s32 @!p2 $0x0  }
0x16: {  	s3 =	sld [smem:$0x3FDB];
	s0 =	simm.s32 @p2 $0x1  }
0x17: {  	s4 =	simm.s32 $0x1BF5;
	[smem:$0x3FB1] =	sst s0  }
0x18: {  	s0 =	sld [smem:$0x3F94];
	_ =	swait.ge [sflag:s4], $0x0  }
0x19: {  	s7 =	sld [smem:$0x3F95]  }
0x1a: {  	s8 =	sadd.s32 $0xFFFFE003, lr  }
0x1b: {  	s9 =	sadd.s32 $0xFFFFFEF7, lr;
	s5 =	simm.s32 $0xFFFFFFFF;
	p2 =	slt.u32 s8, $0xFFFFF086  }
0x1c: {  	p1 =	slt.u32 s9, $0xF7A;
	s5 =	simm.s32 @!p2 $0x0  }
0x1d: {  	s5 =	simm.s32 @p1 $0x1;
	p0 =	seq.s32 s7, s2  }
0x1e: {  	s7 =	smul.u32 @!p0 $0xF7A, s2;
	p2 =	seq.s32 @!p0 s5, $0x0  }
0x1f: {  	s9 =	smul.u32 $0xF7A, s1;
	s8 =	simm.s32 @!p0 $0x1BF5;
	p2 =	por !p2, p0  }
0x20: {  	[sflag:s8] =	ssyncset.s32 @!p0 $0xFFFFF086;
	s6 =	sadd.s32 @!p0 s3, s7;
	s7 =	simm.s32 @!p0 $0x108  }
0x21: {  	s3 =	sadd.s32 s3, s9;
	s6 =	sadd.s32 @!p0 $0x88, s6;
	s7 =	simm.s32 @p2 $0x1082  }
0x22: {  	[simem:s7], [sflag:s8] =	dma.local @!p0 [hbm:s6], $0xF7A  }
0x23: {  	s9 =	sor.u32 $0xD0000000, s2;
	s6 =	simm.s32 $0x108;
	_ =	swait.ge @!p0 [sflag:s8], $0x0  }
0x24: {  	s3 =	sadd.s32 $0x88, s3;
	s6 =	simm.s32 @!p1 $0x1082;
	[sflag:s4] =	ssyncset.s32 $0xFFFFF086  }
0x25: {  	[simem:s6], [sflag:s4] =	dma.local [hbm:s3], $0xF7A  }
0x26: {  	[smem:$0x3F95] =	sst s1;
	(tag) =	ssettag s2;
	_ =	strace s9  }
0x27: {  	s1 =	sld [smem:$0x3FA5]  }
0x28: {  	s2 =	sld [smem:$0x3FA6]  }
0x29: {  	s4 =	sld [smem:$0x3FA8]  }
0x2a: {  	p0 =	seq.s32 s5, $0x0;
	s5 =	sld [smem:$0x3FA9]  }
0x2b: {  	s6 =	sld [smem:$0x3FAA]  }
0x2c: {  	s7 =	sld [smem:$0x3FAB]  }
0x2d: {  	s3 =	simm.s32 $0x108;
	s8 =	sld [smem:$0x3FAC]  }
0x2e: {  	s3 =	simm.s32 @!p0 $0x1082;
	s9 =	sld [smem:$0x3FAD]  }
0x2f: {  	lr =	sadd.s32 s0, s3;
	s0 =	sld [smem:$0x3FA4]  }
0x30: {  	s3 =	sld [smem:$0x3FA7]  }
0x31: {  	[smem:$0x3FB0] =	sst s10  }
0x32: {  	s10 =	sld [smem:$0x3FAE];
	_ =	sdelay $0x3  }
0x33: {  	p0 =	seq.s32 s10, $0x1;
	s10 =	sld [smem:$0x3FB0];
	_ =	sdelay $0x3  }
0x34: {  	[smem:$0x3FB0] =	sst s10  }
0x35: {  	s10 =	sld [smem:$0x3FAF];
	_ =	sdelay $0x3  }
0x36: {  	p1 =	seq.s32 s10, $0x1;
	s10 =	sld [smem:$0x3FB0];
	_ =	sdelay $0x3  }
0x37: {  	[smem:$0x3FB0] =	sst s10  }
0x38: {  	s10 =	sld [smem:$0x3FB1]  }
0x39: {  	_ = 	snop;
	(pc) =	sbr.ind lr, $3  }
0x3a: {  	_ = 	snop  }
0x3b: {  	_ = 	snop  }
0x3c: {  	p2 =	seq.s32 s10, $0x1;
	s10 =	sld [smem:$0x3FB0]  }
0x3d: {  	_ =	shalt  }
0x3e: {  	_ =	shalt  }
0x3f: {  	_ =	shalt  }
0x40: {  	_ =	shalt  }
0x41: {  	_ =	shalt  }
0x42: {  	_ =	shalt  }
0x43: {  	_ =	shalt  }
0x44: {  	_ =	shalt  }
0x45: {  	_ =	shalt  }
0x46: {  	_ =	shalt  }
0x47: {  	_ =	shalt  }
0x48: {  	_ =	shalt  }
0x49: {  	_ =	shalt  }
0x4a: {  	_ =	shalt  }
0x4b: {  	_ =	shalt  }
0x4c: {  	_ =	shalt  }
0x4d: {  	_ =	shalt  }
0x4e: {  	_ =	shalt  }
0x4f: {  	_ =	shalt  }
0x50: {  	_ =	shalt  }
0x51: {  	_ =	shalt  }
0x52: {  	_ =	shalt  }
0x53: {  	_ =	shalt  }
0x54: {  	_ =	shalt  }
0x55: {  	_ =	shalt  }
0x56: {  	_ =	shalt  }
0x57: {  	_ =	shalt  }
0x58: {  	_ =	shalt  }
0x59: {  	_ =	shalt  }
0x5a: {  	_ =	shalt  }
0x5b: {  	_ =	shalt  }
0x5c: {  	_ =	shalt  }
0x5d: {  	_ =	shalt  }
0x5e: {  	_ =	shalt  }
0x5f: {  	_ =	shalt  }
0x60: {  	_ =	shalt  }
0x61: {  	_ =	shalt  }
0x62: {  	_ =	shalt  }
0x63: {  	_ =	shalt  }
0x64: {  	_ =	shalt  }
0x65: {  	_ =	shalt  }
0x66: {  	_ =	shalt  }
0x67: {  	_ =	shalt  }
0x68: {  	_ =	shalt  }
0x69: {  	_ =	shalt  }
0x6a: {  	_ =	shalt  }
0x6b: {  	_ =	shalt  }
0x6c: {  	_ =	shalt  }
0x6d: {  	_ =	shalt  }
0x6e: {  	_ =	shalt  }
0x6f: {  	_ =	shalt  }
0x70: {  	_ =	shalt  }
0x71: {  	_ =	shalt  }
0x72: {  	_ =	shalt  }
0x73: {  	_ =	shalt  }
0x74: {  	_ =	shalt  }
0x75: {  	_ =	shalt  }
0x76: {  	_ =	shalt  }
0x77: {  	_ =	shalt  }
0x78: {  	_ =	shalt  }
0x79: {  	_ =	shalt  }
0x7a: {  	_ =	shalt  }
0x7b: {  	_ =	shalt  }
0x7c: {  	_ =	shalt  }
0x7d: {  	_ =	shalt  }
0x7e: {  	_ =	shalt  }
0x7f: {  	_ =	shalt  }
0x80: {  	_ =	shalt  }
0x81: {  	_ =	shalt  }
0x82: {  	_ =	shalt  }
0x83: {  	_ =	shalt  }
0x84: {  	_ =	shalt  }
0x85: {  	_ =	shalt  }
0x86: {  	_ =	shalt  }
0x87: {  	_ =	shalt  }
.Lfunc_end0:
.L_simem_size_0:
called_computation.1_lowered:
.L_overlay_start_0:
0x88: {  	s2 =	sld [smem:$0x3FD9]  }
0x89: {  	s3 =	sld [smem:$0x3FFE];
	_ =	sdelay $0x1  }
0x8a: {  	s1 =	srdreg.scid  }
0x8b: {  	s0 =	sand.u32 $0x1, s1  }
0x8c: {  	s17 =	sshll.u32 s0, $0xA;
	s2 =	sadd.s32 s3, s2  }
0x8d: {  	s2 =	sadd.s32 s2, s17  }
0x8e: {  	[smem:$0x3FBC] =	sst s2  }
0x8f: {  	_ = 	snop  }
0x90: {  	s2 =	sld [smem:$0x3FD0];
	(tm) =	ssettm $0x1  }
0x91: {  	s18 =	sld [smem:$0x3FFB];
	_ =	sdelay $0x3  }
0x92: {  	_ =	strace s18  }
0x93: {  	s3 =	sld [smem:$0x3FFC];
	_ =	sdelay $0x3  }
0x94: {  	_ =	strace s3  }
0x95: {  	s3 =	sld [smem:$0x3FFD];
	_ =	sdelay $0x3  }
0x96: {  	_ =	strace s3  }
0x97: {  	_ =	strace $0x8FFFFFFF  }
0x98: {  	s19 =	sld [smem:$0x3FDB];
	_ =	sdelay $0x1  }
0x99: {  	s4 =	simm.s32 $_scs_section_size  }
0x9a: {  	s5 =	simm.s32 $_size__tile_overlayer_lowered;
	s6 =	simm.s32 $_tile_overlayer_lowered  }
0x9b: {  	s22 =	simm.s32 $0x1BFF;
	s21 =	sshll.u32 s6, $0x1;
	s3 =	sadd.s32 s4, s19  }
0x9c: {  	s7 =	simm.s32 $0x0;
	s20 =	sshll.u32 s5, $0x1;
	s5 =	sadd.s32 s21, s3  }
0x9d: {  	[timem:s7], [sflag:s22] =	dma.local [hbm:s5], s20  }
0x9e: {  	_ =	swait.ge [sflag:s22], s20  }
0x9f: {  	s4 =	ssub.s32 $0x0, s20;
	[sflag:s22] =	ssyncset.done $0x0  }
0xa0: {  	[sflag:s22] =	ssyncadd.s32 s4;
	_ =	sdelay $0x1  }
0xa1: {  	s23 =	simm.s32 $0x1B8B  }
0xa2: {  	_ =	swait.ge [sflag:s23], $0x1  }
0xa3: {  	[sflag:s23] =	ssyncset.done $0x0  }
0xa4: {  	s25 =	simm.s32 $0x1B8E;
	s24 =	sld [smem:$0x3FFE];
	[sflag:s23] =	ssyncadd.s32 $0xFFFFFFFF  }
0xa5: {  	s26 =	simm.s32 $execute0_lowered;
	[smem:$0x3FD2] =	sst s25  }
0xa6: {  	s5 =	sshll.u32 s26, $0x1;
	_ =	strace $0x80000049;
	[dreg:$0x1] =	wrdreg $0xFFFFFFFF  }
0xa7: {  	s28 =	simm.s32 $_size_execute0_lowered;
	s3 =	sadd.s32 s3, s5;
	[dreg:$0x0] =	wrdreg $0x0  }
0xa8: {  	s5 =	sshll.u32 s28, $0x1;
	[dreg:$0x2] =	wrdreg s3  }
0xa9: {  	[dreg:$0x3] =	wrdreg s5  }
0xaa: {  	[dreg:$0x4] =	wrdreg $0xC0  }
0xab: {  	_ =	task [dreg:s7], $0x5FFFF  }
0xac: {  	[dreg:$0x1] =	wrdreg $0xFFFFFFFF  }
0xad: {  	[dreg:$0x0] =	wrdreg $0x60  }
0xae: {  	[dreg:$0x2] =	wrdreg s24  }
0xaf: {  	[dreg:$0x3] =	wrdreg s2  }
0xb0: {  	[dreg:$0x4] =	wrdreg $0xAE200  }
0xb1: {  	[dreg:$0x5] =	wrdreg $0x9  }
0xb2: {  	_ =	task.clear_ibuf [dreg:s7], $0x6FFFF;
	_ =	strace $0x90000049  }
0xb3: {  	s29 =	simm.s32 $0x9;
	_ =	strace $0x8000004B  }
0xb4: {  	_ =	swait.ge [sflag:s29], $0x1  }
0xb5: {  	[sflag:s29] =	ssyncadd.s32 $0xFFFFFFFF  }
0xb6: {  	_ =	strace $0x9000004B  }
0xb7: {  	_ =	sfence  }
0xb8: {  	s30 =	sld [smem:$0x0];
	_ =	sdelay $0x2  }
0xb9: {  	s31 =	sshll.u32 s1, $0xD;
	s1 =	sshrl.u32 s1, $0x2  }
0xba: {  	s3 =	sand.u32 $0x4000, s31;
	s1 =	sadd.s32 s1, s30  }
0xbb: {  	s0 =	sor.u32 s3, s0;
	s1 =	sshll.u32 s1, $0x11  }
0xbc: {  	s0 =	sor.u32 s1, s0  }
0xbd: {  	s0 =	sadd.s32 $0x8F2B, s0  }
0xbe: {  	[sflag:s0] =	ssyncadd.remote.s32 $0x1  }
0xbf: {  	_ =	sfence.sel $0xFFFF  }
0xc0: {  	[dreg:$0x0] =	wrdreg $0xFFFFFFFF;
	(pc) =	sbr.abs _section_cstart, $3  }
0xc1: {  	[dreg:$0x1] =	wrdreg $0xFFFFFFFF  }
0xc2: {  	_ =	task.clear_ibuf [dreg:s7], $0x2FFFF;
	_ =	strace $0x9FFFFFFF  }
0xc3: {  	(tm) =	ssettm $0x7FFFFFFF  }
tec
execute0_lowered:
.L_overlay_start_1:
0x0: {  	(tag) =	ssettag $0x1  }
0x1: {  	s0 =	rddreg [dreg:$0x0]  }
0x2: {  	s1 =	rddreg [dreg:$0x1]  }
0x3: {  	s2 =	rddreg [dreg:$0x2]  }
0x4: {  	s3 =	srdreg.scid;
	s8 =	stileid.u32;
	s15 =	simm.s32 $0x9E20  }
0x5: {  	s16 =	simm.s32 $0xA;
	s17 =	simm.s32 $0x1;
	s18 =	simm.s32 $0x50  }
0x6: {  	s19 =	simm.s32 $0x4E20;
	s20 =	simm.s32 $0x5820;
	s28 =	simm.s32 $0x7620  }
0x7: {  	s30 =	simm.s32 $0x8020;
	s14 =	simm.s32 $0x9420;
	s29 =	simm.s32 $0x5  }
0x8: {  	s31 =	simm.s32 $0x6;
	s5 =	sand.u32 $0x1, s3;
	s9 =	smul.u32 $0x5000, s8  }
0x9: {  	s3 =	simm.s32 $0x0;
	s4 =	sshll.u32 s8, $0x1;
	s8 =	smul.u32 $0x14000, s8  }
0xa: {  	s6 =	smul.u32 $0x50000, s5;
	[smem:$0x7FF] =	sst s3;
	s7 =	sor.u32 s5, s4  }
0xb: {  	s4 =	sadd.s32 $0xBE00, s0;
	s5 =	ssub.s32 $0x2, s5;
	_ =	strace $0x8000004A  }
0xc: {  	s7 =	smul.u32 $0x4E2, s7;
	s11 =	sshrl.u32 s5, $0x1;
	s21 =	sshrl.u32 s8, $0x2  }
0xd: {  	s23 =	sadd.s32 s9, s2;
	s6 =	sadd.s32 s9, s6;
	s5 =	ssub.s32 s5, s11  }
0xe: {  	s10 =	sadd.s32 s7, s0;
	s6 =	sshrl.u32 s6, $0x3;
	s1 =	sadd.s32 s1, s7  }
0xf: {  	s7 =	sadd.s32 s21, s2;
	s24 =	smax.u32 s5, $0x1;
	s21 =	simm.s32 $0x2  }
0x10: {  	s0 =	sadd.s32 s6, s0;
	s22 =	sadd.s32 $0x2000, s10;
	[dreg:$0x5] =	wrdreg s1  }
0x11: {  	[dreg:$0x7] =	wrdreg s24;
	s25 =	sadd.s32 $0x1000, s7;
	s26 =	sadd.s32 $0x2000, s7  }
.Ltmp0:
0x12: {  	s12 =	sadd.s32 $0x3000, s7;
	[dreg:$0x4] =	wrdreg s22;
	(pc) =	sbr.rel .LBB2_1-.Ltmp0, $4  }
0x13: {  	s13 =	sadd.s32 $0x4000, s7;
	s24 =	simm.s32 $0x6C20;
	[dreg:$0x8] =	wrdreg s25  }
0x14: {  	s1 =	simm.s32 $0x9;
	s0 =	sadd.s32 $0x15C00, s0;
	[dreg:$0x9] =	wrdreg s26  }
0x15: {  	s22 =	simm.s32 $0x6220;
	s25 =	sshrl.u32 s23, $0x3;
	s23 =	simm.s32 $0x3  }
0x16: {  	v0 =	vimm.f32 $0.0e+00;
	s26 =	simm.s32 $0x4;
	[dreg:$0x6] =	wrdreg s0;
	s0 =	simm.s32 $0x7  }
.LBB2_6:
0x17: {  	_ =	swait.ge [sflag:s21], $0xA00  }
0x18: {  	[sflag:s21] =	ssyncset.done $0x0  }
0x19: {  	s5 =	simm.s32 $0x4C90;
	[sflag:s21] =	ssyncadd.s32 $0xFFFFF600  }
0x1a: {  	[spmem:s2] =	stream.indirect.scatter.add.f32 [tilespmem:s19], [sflag:$0xA], $0x20, s5, s18, $0xb8;
	[tilespmem:$0xFE20] =	vst v63  }
0x1b: {  	_ =	swait.ge [sflag:s16], $0xA00  }
0x1c: {  	[sflag:s16] =	ssyncset.done $0x0  }
0x1d: {  	[sflag:s16] =	ssyncadd.s32 $0xFFFFF600  }
0x1e: {  	_ =	swait.ge [sflag:s23], $0xA00  }
0x1f: {  	[sflag:s23] =	ssyncset.done $0x0  }
0x20: {  	s11 =	simm.s32 $0x4CE0;
	[sflag:s23] =	ssyncadd.s32 $0xFFFFF600  }
0x21: {  	[spmem:s2] =	stream.indirect.scatter.add.f32 [tilespmem:s20], [sflag:$0xA], $0x20, s11, s18, $0xb8;
	[tilespmem:$0xFE20] =	vst v63  }
0x22: {  	_ =	swait.ge [sflag:s16], $0xA00  }
0x23: {  	[sflag:s16] =	ssyncset.done $0x0  }
0x24: {  	[sflag:s16] =	ssyncadd.s32 $0xFFFFF600  }
0x25: {  	_ =	swait.ge [sflag:s26], $0xA00  }
0x26: {  	[sflag:s26] =	ssyncset.done $0x0  }
0x27: {  	s6 =	simm.s32 $0x4D30;
	[sflag:s26] =	ssyncadd.s32 $0xFFFFF600  }
0x28: {  	[spmem:s2] =	stream.indirect.scatter.add.f32 [tilespmem:s22], [sflag:$0xA], $0x20, s6, s18, $0xb8;
	[tilespmem:$0xFE20] =	vst v63  }
0x29: {  	_ =	swait.ge [sflag:s16], $0xA00  }
0x2a: {  	[sflag:s16] =	ssyncset.done $0x0  }
0x2b: {  	[sflag:s16] =	ssyncadd.s32 $0xFFFFF600  }
0x2c: {  	_ =	swait.ge [sflag:s29], $0xA00  }
0x2d: {  	[sflag:s29] =	ssyncset.done $0x0  }
0x2e: {  	s8 =	simm.s32 $0x4D80;
	[sflag:s29] =	ssyncadd.s32 $0xFFFFF600  }
0x2f: {  	[spmem:s2] =	stream.indirect.scatter.add.f32 [tilespmem:s24], [sflag:$0xA], $0x20, s8, s18, $0xb8;
	[tilespmem:$0xFE20] =	vst v63  }
0x30: {  	_ =	swait.ge [sflag:s16], $0xA00  }
0x31: {  	[sflag:s16] =	ssyncset.done $0x0  }
0x32: {  	[sflag:s16] =	ssyncadd.s32 $0xFFFFF600  }
0x33: {  	_ =	swait.ge [sflag:s31], $0xA00  }
0x34: {  	[sflag:s31] =	ssyncset.done $0x0  }
0x35: {  	s9 =	simm.s32 $0x4DD0;
	[sflag:s31] =	ssyncadd.s32 $0xFFFFF600  }
0x36: {  	[spmem:s2] =	stream.indirect.scatter.add.f32 [tilespmem:s28], [sflag:$0xA], $0x20, s9, s18, $0xb8;
	[tilespmem:$0xFE20] =	vst v63  }
0x37: {  	_ =	swait.ge [sflag:s16], $0xA00  }
0x38: {  	[sflag:s16] =	ssyncset.done $0x0  }
0x39: {  	s10 =	stileid.u32;
	[sflag:s16] =	ssyncadd.s32 $0xFFFFF600  }
0x3a: {  	s5 =	sshll.u32 s10, $0x6;
	[bflag:$0x0] =	sbarrier.arrive $0xFFFF  }
0x3b: {  	s5 =	sor.u32 $0x1C0A, s5;
	s6 =	rddreg [dreg:$0x6]  }
0x3c: {  	[hbm:s6], [sflag:s5] =	dma.local [spmem:s25], $0xA00  }
0x3d: {  	_ =	swait.ge [sflag:s16], $0xA00  }
0x3e: {  	s3 =	sadd.s32 $0x1, s3;
	s11 =	rddreg [dreg:$0x7]  }
0x3f: {  	p0 =	sne.s32 s3, s11  }
.Ltmp1:
0x40: {  	_ = 	snop;
	(pc) =	sbr.rel @!p0 .LBB2_7-.Ltmp1, $3  }
0x41: {  	_ =	sdelay $0x1  }
0x42: {  	[sflag:s16] =	ssyncset.done $0x0  }
0x43: {  	[sflag:s16] =	ssyncadd.s32 $0xFFFFF600  }
.LBB2_1:
0x44: {  	s5 =	simm.s32 $0x80;
	s6 =	simm.s32 $0x0  }
.LBB2_2:
0x45: {  	p0 =	sne.s32 s5, $0x3F80;
	[tilespmem:s6+$0x9E20] =	vst v0;
	s8 =	smov.u32 s5;
	s5 =	sadd.s32 $0x80, s5  }
.Ltmp2:
0x46: {  	[tilespmem:s6+$0x9E30] =	vst v0;
	(pc) =	sbr.rel @p0 .LBB2_2-.Ltmp2, $2  }
0x47: {  	_ =	sdelay $0x2  }
0x48: {  	s6 =	sshra.s32 s8, $0x2  }
0x49: {  	[tilespmem:s6+$0x9E20] =	vst v0  }
0x4a: {  	[tilespmem:s6+$0x9E30] =	vst v0;
	s5 =	simm.s32 $0x0;
	s9 =	rddreg [dreg:$0x4]  }
0x4b: {  	[tilespmem:s5], [sflag:$0x1] =	stream.linear.gather [hbm4b:s9+s5], $0x2710, $0x38;
	[tilespmem:$0xFE20] =	vst v63  }
0x4c: {  	s10 =	rddreg [dreg:$0x5];
	s8 =	simm.s32 $0x2710  }
0x4d: {  	[tilespmem:s8], [sflag:$0x1] =	stream.linear.gather [hbm4b:s10+s5], $0x2710, $0x38;
	[tilespmem:$0xFE20] =	vst v63  }
0x4e: {  	_ = 	snop  }
0x4f: {  	[spmem:s7] =	stream.linear.scatter [tilespmem:s15], [sflag:$0xA], $0x1000, $0x38;
	[tilespmem:$0xFE20] =	vst v63  }
0x50: {  	_ =	swait.ge [sflag:s16], $0x1000  }
0x51: {  	[sflag:s16] =	ssyncset.done $0x0  }
0x52: {  	s11 =	rddreg [dreg:$0x8];
	[sflag:s16] =	ssyncadd.s32 $0xFFFFF000  }
0x53: {  	[spmem:s11] =	stream.linear.scatter [tilespmem:s15], [sflag:$0xA], $0x1000, $0x38;
	[tilespmem:$0xFE20] =	vst v63  }
0x54: {  	_ =	swait.ge [sflag:s16], $0x1000  }
0x55: {  	[sflag:s16] =	ssyncset.done $0x0  }
0x56: {  	s8 =	rddreg [dreg:$0x9];
	[sflag:s16] =	ssyncadd.s32 $0xFFFFF000  }
0x57: {  	[spmem:s8] =	stream.linear.scatter [tilespmem:s15], [sflag:$0xA], $0x1000, $0x38;
	[tilespmem:$0xFE20] =	vst v63  }
0x58: {  	_ =	swait.ge [sflag:s16], $0x1000  }
0x59: {  	[sflag:s16] =	ssyncset.done $0x0  }
0x5a: {  	[sflag:s16] =	ssyncadd.s32 $0xFFFFF000  }
0x5b: {  	[spmem:s12] =	stream.linear.scatter [tilespmem:s15], [sflag:$0xA], $0x1000, $0x38;
	[tilespmem:$0xFE20] =	vst v63  }
0x5c: {  	_ =	swait.ge [sflag:s16], $0x1000  }
0x5d: {  	[sflag:s16] =	ssyncset.done $0x0  }
0x5e: {  	[sflag:s16] =	ssyncadd.s32 $0xFFFFF000  }
0x5f: {  	[spmem:s13] =	stream.linear.scatter [tilespmem:s15], [sflag:$0xA], $0x1000, $0x38;
	[tilespmem:$0xFE20] =	vst v63  }
0x60: {  	_ =	swait.ge [sflag:s16], $0x1000  }
0x61: {  	[sflag:s16] =	ssyncset.done $0x0  }
0x62: {  	[sflag:s16] =	ssyncadd.s32 $0xFFFFF000  }
0x63: {  	_ =	swait.ge [sflag:s17], $0x2710  }
0x64: {  	[sflag:s17] =	ssyncset.done $0x0  }
0x65: {  	[sflag:s17] =	ssyncadd.s32 $0xFFFFD8F0  }
0x66: {  	_ =	swait.ge [sflag:s17], $0x2710  }
0x67: {  	[sflag:s17] =	ssyncset.done $0x0  }
0x68: {  	[sflag:s17] =	ssyncadd.s32 $0xFFFFD8F0  }
0x69: {  	[bflag:$0x0] =	sbarrier.arrive $0xFFFF  }
0x6a: {  	[tilespmem:s19], [sflag:$0x2] =	stream.indirect.gather [hbm4b:s4+s18], $0x20, s5, s18, $0xb8;
	[tilespmem:$0xFE20] =	vst v63  }
0x6b: {  	_ = 	snop  }
0x6c: {  	[tilespmem:s20], [sflag:$0x3] =	stream.indirect.gather [hbm4b:s4+s18], $0x20, s18, s18, $0xb8;
	[tilespmem:$0xFE20] =	vst v63  }
0x6d: {  	s9 =	simm.s32 $0xA0  }
0x6e: {  	[tilespmem:s22], [sflag:$0x4] =	stream.indirect.gather [hbm4b:s4+s18], $0x20, s9, s18, $0xb8;
	[tilespmem:$0xFE20] =	vst v63  }
0x6f: {  	s10 =	simm.s32 $0xF0  }
0x70: {  	[tilespmem:s24], [sflag:$0x5] =	stream.indirect.gather [hbm4b:s4+s18], $0x20, s10, s18, $0xb8;
	[tilespmem:$0xFE20] =	vst v63  }
0x71: {  	s11 =	simm.s32 $0x140  }
0x72: {  	[tilespmem:s28], [sflag:$0x6] =	stream.indirect.gather [hbm4b:s4+s18], $0x20, s11, s18, $0xb8;
	[tilespmem:$0xFE20] =	vst v63  }
0x73: {  	s8 =	simm.s32 $0x190  }
0x74: {  	[tilespmem:s30], [sflag:$0x7] =	stream.indirect.gather [hbm4b:s4+s18], $0x20, s8, s18, $0xb8;
	[tilespmem:$0xFE20] =	vst v63  }
0x75: {  	s9 =	simm.s32 $0x1E0;
	s10 =	simm.s32 $0x8A20  }
0x76: {  	[tilespmem:s10], [sflag:$0x8] =	stream.indirect.gather [hbm4b:s4+s18], $0x20, s9, s18, $0xb8;
	[tilespmem:$0xFE20] =	vst v63  }
0x77: {  	s11 =	simm.s32 $0x230  }
0x78: {  	[tilespmem:s14], [sflag:$0x9] =	stream.indirect.gather [hbm4b:s4+s18], $0x20, s11, s18, $0xb8;
	[tilespmem:$0xFE20] =	vst v63  }
.LBB2_4:
0x79: {  	_ =	swait.ge [sflag:s21], $0xA00  }
0x7a: {  	s6 =	sshra.s32 s5, $0x2;
	[sflag:s21] =	ssyncset.done $0x0  }
0x7b: {  	s8 =	sadd.s32 $0x2710, s6;
	[sflag:s21] =	ssyncadd.s32 $0xFFFFF600  }
0x7c: {  	[spmem:s2] =	stream.indirect.scatter.add.f32 [tilespmem:s19], [sflag:$0xA], $0x20, s8, s18, $0xb8;
	[tilespmem:$0xFE20] =	vst v63  }
0x7d: {  	_ =	swait.ge [sflag:s16], $0xA00  }
0x7e: {  	[sflag:s16] =	ssyncset.done $0x0  }
0x7f: {  	s10 =	sadd.s32 $0x280, s6;
	[sflag:s16] =	ssyncadd.s32 $0xFFFFF600  }
0x80: {  	[tilespmem:s19], [sflag:$0x2] =	stream.indirect.gather [hbm4b:s4+s18], $0x20, s10, s18, $0xb8;
	[tilespmem:$0xFE20] =	vst v63  }
0x81: {  	_ =	swait.ge [sflag:s23], $0xA00  }
0x82: {  	[sflag:s23] =	ssyncset.done $0x0  }
0x83: {  	s11 =	sadd.s32 $0x2760, s6;
	[sflag:s23] =	ssyncadd.s32 $0xFFFFF600  }
0x84: {  	[spmem:s2] =	stream.indirect.scatter.add.f32 [tilespmem:s20], [sflag:$0xA], $0x20, s11, s18, $0xb8;
	[tilespmem:$0xFE20] =	vst v63  }
0x85: {  	_ =	swait.ge [sflag:s16], $0xA00  }
0x86: {  	[sflag:s16] =	ssyncset.done $0x0  }
0x87: {  	s9 =	sadd.s32 $0x2D0, s6;
	[sflag:s16] =	ssyncadd.s32 $0xFFFFF600  }
0x88: {  	[tilespmem:s20], [sflag:$0x3] =	stream.indirect.gather [hbm4b:s4+s18], $0x20, s9, s18, $0xb8;
	[tilespmem:$0xFE20] =	vst v63  }
0x89: {  	_ =	swait.ge [sflag:s26], $0xA00  }
0x8a: {  	[sflag:s26] =	ssyncset.done $0x0  }
0x8b: {  	s10 =	sadd.s32 $0x27B0, s6;
	[sflag:s26] =	ssyncadd.s32 $0xFFFFF600  }
0x8c: {  	[spmem:s2] =	stream.indirect.scatter.add.f32 [tilespmem:s22], [sflag:$0xA], $0x20, s10, s18, $0xb8;
	[tilespmem:$0xFE20] =	vst v63  }
0x8d: {  	_ =	swait.ge [sflag:s16], $0xA00  }
0x8e: {  	[sflag:s16] =	ssyncset.done $0x0  }
0x8f: {  	s11 =	sadd.s32 $0x320, s6;
	[sflag:s16] =	ssyncadd.s32 $0xFFFFF600  }
0x90: {  	[tilespmem:s22], [sflag:$0x4] =	stream.indirect.gather [hbm4b:s4+s18], $0x20, s11, s18, $0xb8;
	[tilespmem:$0xFE20] =	vst v63  }
0x91: {  	_ =	swait.ge [sflag:s29], $0xA00  }
0x92: {  	[sflag:s29] =	ssyncset.done $0x0  }
0x93: {  	s9 =	sadd.s32 $0x2800, s6;
	[sflag:s29] =	ssyncadd.s32 $0xFFFFF600  }
0x94: {  	[spmem:s2] =	stream.indirect.scatter.add.f32 [tilespmem:s24], [sflag:$0xA], $0x20, s9, s18, $0xb8;
	[tilespmem:$0xFE20] =	vst v63  }
0x95: {  	_ =	swait.ge [sflag:s16], $0xA00  }
0x96: {  	[sflag:s16] =	ssyncset.done $0x0  }
0x97: {  	s10 =	sadd.s32 $0x370, s6;
	[sflag:s16] =	ssyncadd.s32 $0xFFFFF600  }
0x98: {  	[tilespmem:s24], [sflag:$0x5] =	stream.indirect.gather [hbm4b:s4+s18], $0x20, s10, s18, $0xb8;
	[tilespmem:$0xFE20] =	vst v63  }
0x99: {  	_ =	swait.ge [sflag:s31], $0xA00  }
0x9a: {  	[sflag:s31] =	ssyncset.done $0x0  }
0x9b: {  	s11 =	sadd.s32 $0x2850, s6;
	[sflag:s31] =	ssyncadd.s32 $0xFFFFF600  }
0x9c: {  	[spmem:s2] =	stream.indirect.scatter.add.f32 [tilespmem:s28], [sflag:$0xA], $0x20, s11, s18, $0xb8;
	[tilespmem:$0xFE20] =	vst v63  }
0x9d: {  	_ =	swait.ge [sflag:s16], $0xA00  }
0x9e: {  	[sflag:s16] =	ssyncset.done $0x0  }
0x9f: {  	s9 =	sadd.s32 $0x3C0, s6;
	[sflag:s16] =	ssyncadd.s32 $0xFFFFF600  }
0xa0: {  	[tilespmem:s28], [sflag:$0x6] =	stream.indirect.gather [hbm4b:s4+s18], $0x20, s9, s18, $0xb8;
	[tilespmem:$0xFE20] =	vst v63  }
0xa1: {  	_ =	swait.ge [sflag:s0], $0xA00  }
0xa2: {  	[sflag:s0] =	ssyncset.done $0x0  }
0xa3: {  	s10 =	sadd.s32 $0x28A0, s6;
	[sflag:s0] =	ssyncadd.s32 $0xFFFFF600  }
0xa4: {  	[spmem:s2] =	stream.indirect.scatter.add.f32 [tilespmem:s30], [sflag:$0xA], $0x20, s10, s18, $0xb8;
	[tilespmem:$0xFE20] =	vst v63  }
0xa5: {  	_ =	swait.ge [sflag:s16], $0xA00  }
0xa6: {  	p0 =	seq.s32 s5, $0x8C00;
	[sflag:s16] =	ssyncset.done $0x0  }
0xa7: {  	s8 =	simm.s32 @p0 $0x8;
	[sflag:s16] =	ssyncadd.s32 $0xFFFFF600  }
0xa8: {  	_ =	swait.ge @p0 [sflag:s8], $0xA00  }
0xa9: {  	[sflag:s8] =	ssyncset.done @p0 $0x0  }
0xaa: {  	[sflag:s8] =	ssyncadd.s32 @p0 $0xFFFFF600;
	s8 =	sshra.s32 @p0 s5, $0x2  }
0xab: {  	s9 =	simm.s32 @p0 $0x50;
	s10 =	simm.s32 @p0 $0x8A20;
	s8 =	sadd.s32 @p0 $0x28F0, s8  }
0xac: {  	[spmem:s2] =	stream.indirect.scatter.add.f32 @p0 [tilespmem:s10], [sflag:$0xA], $0x20, s8, s9, $0xb8;
	[tilespmem:$0xFE20] =	vst v63  }
0xad: {  	s8 =	simm.s32 @p0 $0xA  }
0xae: {  	_ =	swait.ge @p0 [sflag:s8], $0xA00  }
0xaf: {  	[sflag:s8] =	ssyncset.done @p0 $0x0  }
0xb0: {  	[sflag:s8] =	ssyncadd.s32 @p0 $0xFFFFF600;
	s8 =	sshra.s32 @!p0 s5, $0x2  }
0xb1: {  	s11 =	simm.s32 @!p0 $0x8020;
	s10 =	simm.s32 @!p0 $0x50;
	s9 =	sadd.s32 @!p0 $0x410, s8  }
0xb2: {  	[tilespmem:s11], [sflag:$0x7] =	stream.indirect.gather @!p0 [hbm4b:s4+s10], $0x20, s9, s10, $0xb8;
	[tilespmem:$0xFE20] =	vst v63  }
0xb3: {  	s9 =	simm.s32 @!p0 $0x8  }
0xb4: {  	_ =	swait.ge @!p0 [sflag:s9], $0xA00  }
0xb5: {  	[sflag:s9] =	ssyncset.done @!p0 $0x0  }
0xb6: {  	s11 =	simm.s32 @!p0 $0x8A20;
	[sflag:s9] =	ssyncadd.s32 @!p0 $0xFFFFF600;
	s9 =	sadd.s32 @!p0 $0x28F0, s8  }
0xb7: {  	[spmem:s2] =	stream.indirect.scatter.add.f32 @!p0 [tilespmem:s11], [sflag:$0xA], $0x20, s9, s10, $0xb8;
	[tilespmem:$0xFE20] =	vst v63  }
0xb8: {  	s9 =	simm.s32 @!p0 $0xA  }
0xb9: {  	_ =	swait.ge @!p0 [sflag:s9], $0xA00  }
0xba: {  	[sflag:s9] =	ssyncset.done @!p0 $0x0  }
0xbb: {  	s8 =	sadd.s32 @!p0 $0x460, s8;
	[sflag:s9] =	ssyncadd.s32 @!p0 $0xFFFFF600  }
0xbc: {  	[tilespmem:s11], [sflag:$0x8] =	stream.indirect.gather @!p0 [hbm4b:s4+s10], $0x20, s8, s10, $0xb8;
	[tilespmem:$0xFE20] =	vst v63  }
0xbd: {  	_ =	swait.ge [sflag:s1], $0xA00  }
0xbe: {  	[sflag:s1] =	ssyncset.done $0x0  }
.Ltmp3:
0xbf: {  	s11 =	sadd.s32 $0x2940, s6;
	[sflag:s1] =	ssyncadd.s32 $0xFFFFF600;
	(pc) =	sbr.rel @p0 .LBB2_6-.Ltmp3, $4  }
0xc0: {  	[spmem:s2] =	stream.indirect.scatter.add.f32 [tilespmem:s14], [sflag:$0xA], $0x20, s11, s18, $0xb8;
	[tilespmem:$0xFE20] =	vst v63  }
0xc1: {  	_ =	swait.ge [sflag:s16], $0xA00  }
0xc2: {  	[sflag:s16] =	ssyncset.done $0x0  }
0xc3: {  	[sflag:s16] =	ssyncadd.s32 $0xFFFFF600  }
.Ltmp4:
0xc4: {  	(pc) =	sbr.rel .LBB2_4-.Ltmp4, $3  }
0xc5: {  	_ =	sdelay $0x1  }
0xc6: {  	s6 =	sadd.s32 $0x4B0, s6;
	s5 =	sadd.s32 $0xA00, s5  }
0xc7: {  	[tilespmem:s14], [sflag:$0x9] =	stream.indirect.gather [hbm4b:s4+s18], $0x20, s6, s18, $0xb8;
	[tilespmem:$0xFE20] =	vst v63  }
.LBB2_7:
0xc8: {  	_ =	sfence.sel $0x180000  }
0xc9: {  	[bflag:$0x0] =	sbarrier.arrive $0xFFFF  }
0xca: {  	_ =	strace $0x9000004A  }
0xcb: {  	s0 =	stileid.u32;
	[bflag:$0x2] =	sbarrier.arrive $0xFFFF  }
0xcc: {  	p0 =	sne.s32 s0, $0x0;
	s0 =	rddreg [dreg:$0x3]  }
0xcd: {  	s0 =	sadd.s32 @!p0 $0x100000, s0  }
0xce: {  	[sflag:s0] =	ssyncadd.tile.s32 @!p0 $0x1;
	_ =	shalt  }
.Lfunc_end2:
_tile_overlayer_lowered:
.L_overlay_start_2:
0xcf: {  	(tag) =	ssettag $0x2  }
0xd0: {  	s0 =	rddreg [dreg:$0x0];
	s2 =	stileid.u32  }
0xd1: {  	s1 =	rddreg [dreg:$0x1];
	p0 =	sne.s32 s2, $0x0  }
0xd2: {  	s3 =	rddreg [dreg:$0x2];
	[bflag:$0x3] =	sbarrier.arrive $0xFFFF;
	s2 =	simm.s32 @!p0 $0x1C0A  }
0xd3: {  	[timem:s3], [sflag:s2] =	dma.local @!p0 [hbm:s0], s1  }
0xd4: {  	s0 =	simm.s32 @!p0 $0xA  }
0xd5: {  	_ =	swait.ge @!p0 [sflag:s0], s1  }
0xd6: {  	s1 =	ssub.s32 @!p0 $0x0, s1;
	[sflag:s0] =	ssyncset.done @!p0 $0x0  }
0xd7: {  	[sflag:s0] =	ssyncadd.s32 @!p0 s1  }
0xd8: {  	[bflag:$0x3] =	sbarrier.arrive $0xFFFF  }
0xd9: {  	_ =	shalt  }

// kernel: kernel.7.cloned.1.call-start
scs
__scs_entry_jumppad:
0x0: {  	(pc) =	sbr.rel $0x88, $3  }
0x1: {  	(tag) =	ssettag $0x0;
	lr =	simm.s32 $0x1  }
0x2: {  	[smem:$0x3F95] =	sst lr;
	_ =	strace $0xD0000000  }
0x3: {  	_ = 	snop  }
0x4: {  	_ = 	snop  }
0x5: {  	_ = 	snop  }
0x6: {  	_ = 	snop  }
0x7: {  	_ = 	snop  }
__scs_overlays_trampoline_lowered:
0x8: {  	[smem:$0x3FA4] =	sst s0  }
0x9: {  	[smem:$0x3FA5] =	sst s1  }
0xa: {  	[smem:$0x3FA6] =	sst s2  }
0xb: {  	[smem:$0x3FA7] =	sst s3  }
0xc: {  	[smem:$0x3FA8] =	sst s4  }
0xd: {  	[smem:$0x3FA9] =	sst s5  }
0xe: {  	[smem:$0x3FAA] =	sst s6  }
0xf: {  	[smem:$0x3FAB] =	sst s7  }
0x10: {  	[smem:$0x3FAC] =	sst s8  }
0x11: {  	[smem:$0x3FAD] =	sst s9;
	s0 =	simm.s32 @!p0 $0x0  }
0x12: {  	s1 =	sld [smem:$0x3F93];
	s0 =	simm.s32 @p0 $0x1  }
0x13: {  	[smem:$0x3FAE] =	sst s0;
	s0 =	simm.s32 @!p1 $0x0  }
0x14: {  	s2 =	sld [smem:$0x3F92];
	s0 =	simm.s32 @p1 $0x1  }
0x15: {  	[smem:$0x3FAF] =	sst s0;
	s0 =	simm.s32 @!p2 $0x0  }
0x16: {  	s3 =	sld [smem:$0x3FDB];
	s0 =	simm.s32 @p2 $0x1  }
0x17: {  	s4 =	simm.s32 $0x1BF5;
	[smem:$0x3FB1] =	sst s0  }
0x18: {  	s0 =	sld [smem:$0x3F94];
	_ =	swait.ge [sflag:s4], $0x0  }
0x19: {  	s7 =	sld [smem:$0x3F95]  }
0x1a: {  	s8 =	sadd.s32 $0xFFFFE003, lr  }
0x1b: {  	s9 =	sadd.s32 $0xFFFFFEF7, lr;
	s5 =	simm.s32 $0xFFFFFFFF;
	p2 =	slt.u32 s8, $0xFFFFF086  }
0x1c: {  	p1 =	slt.u32 s9, $0xF7A;
	s5 =	simm.s32 @!p2 $0x0  }
0x1d: {  	s5 =	simm.s32 @p1 $0x1;
	p0 =	seq.s32 s7, s2  }
0x1e: {  	s7 =	smul.u32 @!p0 $0xF7A, s2;
	p2 =	seq.s32 @!p0 s5, $0x0  }
0x1f: {  	s9 =	smul.u32 $0xF7A, s1;
	s8 =	simm.s32 @!p0 $0x1BF5;
	p2 =	por !p2, p0  }
0x20: {  	[sflag:s8] =	ssyncset.s32 @!p0 $0xFFFFF086;
	s6 =	sadd.s32 @!p0 s3, s7;
	s7 =	simm.s32 @!p0 $0x108  }
0x21: {  	s3 =	sadd.s32 s3, s9;
	s6 =	sadd.s32 @!p0 $0x88, s6;
	s7 =	simm.s32 @p2 $0x1082  }
0x22: {  	[simem:s7], [sflag:s8] =	dma.local @!p0 [hbm:s6], $0xF7A  }
0x23: {  	s9 =	sor.u32 $0xD0000000, s2;
	s6 =	simm.s32 $0x108;
	_ =	swait.ge @!p0 [sflag:s8], $0x0  }
0x24: {  	s3 =	sadd.s32 $0x88, s3;
	s6 =	simm.s32 @!p1 $0x1082;
	[sflag:s4] =	ssyncset.s32 $0xFFFFF086  }
0x25: {  	[simem:s6], [sflag:s4] =	dma.local [hbm:s3], $0xF7A  }
0x26: {  	[smem:$0x3F95] =	sst s1;
	(tag) =	ssettag s2;
	_ =	strace s9  }
0x27: {  	s1 =	sld [smem:$0x3FA5]  }
0x28: {  	s2 =	sld [smem:$0x3FA6]  }
0x29: {  	s4 =	sld [smem:$0x3FA8]  }
0x2a: {  	p0 =	seq.s32 s5, $0x0;
	s5 =	sld [smem:$0x3FA9]  }
0x2b: {  	s6 =	sld [smem:$0x3FAA]  }
0x2c: {  	s7 =	sld [smem:$0x3FAB]  }
0x2d: {  	s3 =	simm.s32 $0x108;
	s8 =	sld [smem:$0x3FAC]  }
0x2e: {  	s3 =	simm.s32 @!p0 $0x1082;
	s9 =	sld [smem:$0x3FAD]  }
0x2f: {  	lr =	sadd.s32 s0, s3;
	s0 =	sld [smem:$0x3FA4]  }
0x30: {  	s3 =	sld [smem:$0x3FA7]  }
0x31: {  	[smem:$0x3FB0] =	sst s10  }
0x32: {  	s10 =	sld [smem:$0x3FAE];
	_ =	sdelay $0x3  }
0x33: {  	p0 =	seq.s32 s10, $0x1;
	s10 =	sld [smem:$0x3FB0];
	_ =	sdelay $0x3  }
0x34: {  	[smem:$0x3FB0] =	sst s10  }
0x35: {  	s10 =	sld [smem:$0x3FAF];
	_ =	sdelay $0x3  }
0x36: {  	p1 =	seq.s32 s10, $0x1;
	s10 =	sld [smem:$0x3FB0];
	_ =	sdelay $0x3  }
0x37: {  	[smem:$0x3FB0] =	sst s10  }
0x38: {  	s10 =	sld [smem:$0x3FB1]  }
0x39: {  	_ = 	snop;
	(pc) =	sbr.ind lr, $3  }
0x3a: {  	_ = 	snop  }
0x3b: {  	_ = 	snop  }
0x3c: {  	p2 =	seq.s32 s10, $0x1;
	s10 =	sld [smem:$0x3FB0]  }
0x3d: {  	_ =	shalt  }
0x3e: {  	_ =	shalt  }
0x3f: {  	_ =	shalt  }
0x40: {  	_ =	shalt  }
0x41: {  	_ =	shalt  }
0x42: {  	_ =	shalt  }
0x43: {  	_ =	shalt  }
0x44: {  	_ =	shalt  }
0x45: {  	_ =	shalt  }
0x46: {  	_ =	shalt  }
0x47: {  	_ =	shalt  }
0x48: {  	_ =	shalt  }
0x49: {  	_ =	shalt  }
0x4a: {  	_ =	shalt  }
0x4b: {  	_ =	shalt  }
0x4c: {  	_ =	shalt  }
0x4d: {  	_ =	shalt  }
0x4e: {  	_ =	shalt  }
0x4f: {  	_ =	shalt  }
0x50: {  	_ =	shalt  }
0x51: {  	_ =	shalt  }
0x52: {  	_ =	shalt  }
0x53: {  	_ =	shalt  }
0x54: {  	_ =	shalt  }
0x55: {  	_ =	shalt  }
0x56: {  	_ =	shalt  }
0x57: {  	_ =	shalt  }
0x58: {  	_ =	shalt  }
0x59: {  	_ =	shalt  }
0x5a: {  	_ =	shalt  }
0x5b: {  	_ =	shalt  }
0x5c: {  	_ =	shalt  }
0x5d: {  	_ =	shalt  }
0x5e: {  	_ =	shalt  }
0x5f: {  	_ =	shalt  }
0x60: {  	_ =	shalt  }
0x61: {  	_ =	shalt  }
0x62: {  	_ =	shalt  }
0x63: {  	_ =	shalt  }
0x64: {  	_ =	shalt  }
0x65: {  	_ =	shalt  }
0x66: {  	_ =	shalt  }
0x67: {  	_ =	shalt  }
0x68: {  	_ =	shalt  }
0x69: {  	_ =	shalt  }
0x6a: {  	_ =	shalt  }
0x6b: {  	_ =	shalt  }
0x6c: {  	_ =	shalt  }
0x6d: {  	_ =	shalt  }
0x6e: {  	_ =	shalt  }
0x6f: {  	_ =	shalt  }
0x70: {  	_ =	shalt  }
0x71: {  	_ =	shalt  }
0x72: {  	_ =	shalt  }
0x73: {  	_ =	shalt  }
0x74: {  	_ =	shalt  }
0x75: {  	_ =	shalt  }
0x76: {  	_ =	shalt  }
0x77: {  	_ =	shalt  }
0x78: {  	_ =	shalt  }
0x79: {  	_ =	shalt  }
0x7a: {  	_ =	shalt  }
0x7b: {  	_ =	shalt  }
0x7c: {  	_ =	shalt  }
0x7d: {  	_ =	shalt  }
0x7e: {  	_ =	shalt  }
0x7f: {  	_ =	shalt  }
0x80: {  	_ =	shalt  }
0x81: {  	_ =	shalt  }
0x82: {  	_ =	shalt  }
0x83: {  	_ =	shalt  }
0x84: {  	_ =	shalt  }
0x85: {  	_ =	shalt  }
0x86: {  	_ =	shalt  }
0x87: {  	_ =	shalt  }
.Lfunc_end0:
.L_simem_size_0:
called_computation_lowered:
.L_overlay_start_0:
0x88: {  	s2 =	sld [smem:$0x3FD9]  }
0x89: {  	s3 =	sld [smem:$0x3FFE];
	_ =	sdelay $0x1  }
0x8a: {  	s1 =	srdreg.scid  }
0x8b: {  	s0 =	sand.u32 $0x1, s1  }
0x8c: {  	s17 =	sshll.u32 s0, $0xA;
	s2 =	sadd.s32 s3, s2  }
0x8d: {  	s2 =	sadd.s32 s2, s17  }
0x8e: {  	[smem:$0x3FBC] =	sst s2  }
0x8f: {  	_ = 	snop  }
0x90: {  	s2 =	sld [smem:$0x3FD0];
	(tm) =	ssettm $0x1  }
0x91: {  	s18 =	sld [smem:$0x3FFB];
	_ =	sdelay $0x3  }
0x92: {  	_ =	strace s18  }
0x93: {  	s3 =	sld [smem:$0x3FFC];
	_ =	sdelay $0x3  }
0x94: {  	_ =	strace s3  }
0x95: {  	s3 =	sld [smem:$0x3FFD];
	_ =	sdelay $0x3  }
0x96: {  	_ =	strace s3  }
0x97: {  	_ =	strace $0x8FFFFFFF  }
0x98: {  	s19 =	sld [smem:$0x3FDB];
	_ =	sdelay $0x1  }
0x99: {  	s4 =	simm.s32 $_scs_section_size  }
0x9a: {  	s5 =	simm.s32 $_size__tile_overlayer_lowered;
	s6 =	simm.s32 $_tile_overlayer_lowered  }
0x9b: {  	s22 =	simm.s32 $0x1BFF;
	s21 =	sshll.u32 s6, $0x1;
	s3 =	sadd.s32 s4, s19  }
0x9c: {  	s7 =	simm.s32 $0x0;
	s20 =	sshll.u32 s5, $0x1;
	s5 =	sadd.s32 s21, s3  }
0x9d: {  	[timem:s7], [sflag:s22] =	dma.local [hbm:s5], s20  }
0x9e: {  	_ =	swait.ge [sflag:s22], s20  }
0x9f: {  	s4 =	ssub.s32 $0x0, s20;
	[sflag:s22] =	ssyncset.done $0x0  }
0xa0: {  	[sflag:s22] =	ssyncadd.s32 s4;
	_ =	sdelay $0x1  }
0xa1: {  	s23 =	simm.s32 $0x1B8B  }
0xa2: {  	_ =	swait.ge [sflag:s23], $0x1  }
0xa3: {  	[sflag:s23] =	ssyncset.done $0x0  }
0xa4: {  	s25 =	simm.s32 $0x1B8E;
	s24 =	sld [smem:$0x3FFE];
	[sflag:s23] =	ssyncadd.s32 $0xFFFFFFFF  }
0xa5: {  	s26 =	simm.s32 $execute0_lowered;
	[smem:$0x3FD2] =	sst s25  }
0xa6: {  	s5 =	sshll.u32 s26, $0x1;
	_ =	strace $0x80000046;
	[dreg:$0x1] =	wrdreg $0xFFFFFFFF  }
0xa7: {  	s28 =	simm.s32 $_size_execute0_lowered;
	s3 =	sadd.s32 s3, s5;
	[dreg:$0x0] =	wrdreg $0x0  }
0xa8: {  	s5 =	sshll.u32 s28, $0x1;
	[dreg:$0x2] =	wrdreg s3  }
0xa9: {  	[dreg:$0x3] =	wrdreg s5  }
0xaa: {  	[dreg:$0x4] =	wrdreg $0xC0  }
0xab: {  	_ =	task [dreg:s7], $0x5FFFF  }
0xac: {  	[dreg:$0x1] =	wrdreg $0xFFFFFFFF  }
0xad: {  	[dreg:$0x0] =	wrdreg $0x60  }
0xae: {  	[dreg:$0x2] =	wrdreg s24  }
0xaf: {  	[dreg:$0x3] =	wrdreg s2  }
0xb0: {  	[dreg:$0x4] =	wrdreg $0x11B200  }
0xb1: {  	[dreg:$0x5] =	wrdreg $0x1BB200  }
0xb2: {  	[dreg:$0x6] =	wrdreg $0x9  }
0xb3: {  	_ =	task.clear_ibuf [dreg:s7], $0x7FFFF;
	_ =	strace $0x90000046  }
0xb4: {  	s29 =	simm.s32 $0x9;
	_ =	strace $0x80000048  }
0xb5: {  	_ =	swait.ge [sflag:s29], $0x1  }
0xb6: {  	[sflag:s29] =	ssyncadd.s32 $0xFFFFFFFF  }
0xb7: {  	_ =	strace $0x90000048  }
0xb8: {  	_ =	sfence  }
0xb9: {  	s30 =	sld [smem:$0x0];
	_ =	sdelay $0x2  }
0xba: {  	s31 =	sshll.u32 s1, $0xD;
	s1 =	sshrl.u32 s1, $0x2  }
0xbb: {  	s3 =	sand.u32 $0x4000, s31;
	s1 =	sadd.s32 s1, s30  }
0xbc: {  	s0 =	sor.u32 s3, s0;
	s1 =	sshll.u32 s1, $0x11  }
0xbd: {  	s0 =	sor.u32 s1, s0  }
0xbe: {  	s0 =	sadd.s32 $0x8F2B, s0  }
0xbf: {  	[sflag:s0] =	ssyncadd.remote.s32 $0x1  }
0xc0: {  	_ =	sfence.sel $0xFFFF  }
0xc1: {  	[dreg:$0x0] =	wrdreg $0xFFFFFFFF;
	(pc) =	sbr.abs _section_cstart, $3  }
0xc2: {  	[dreg:$0x1] =	wrdreg $0xFFFFFFFF  }
0xc3: {  	_ =	task.clear_ibuf [dreg:s7], $0x2FFFF;
	_ =	strace $0x9FFFFFFF  }
0xc4: {  	(tm) =	ssettm $0x7FFFFFFF  }
0xc5: {  	_ =	shalt  }
tec
execute0_lowered:
.L_overlay_start_1:
0x0: {  	(tag) =	ssettag $0x1  }
0x1: {  	s6 =	rddreg [dreg:$0x0]  }
0x2: {  	s7 =	rddreg [dreg:$0x1]  }
0x3: {  	s0 =	srdreg.scid;
	s2 =	rddreg [dreg:$0x2]  }
0x4: {  	s14 =	stileid.u32;
	s3 =	rddreg [dreg:$0x3]  }
0x5: {  	s4 =	simm.s32 $0x0;
	s28 =	simm.s32 $0x1;
	s9 =	smul.u32 $0xA000, s14  }
0x6: {  	s29 =	simm.s32 $0x50;
	s30 =	simm.s32 $0x4E20;
	s11 =	smul.u32 $0x2800, s14  }
0x7: {  	s31 =	simm.s32 $0x6220;
	s0 =	sand.u32 $0x1, s0;
	s23 =	smul.u32 $0x280, s14  }
0x8: {  	s1 =	sshll.u32 s14, $0x1;
	[smem:$0x7FF] =	sst s4;
	s25 =	smul.u32 $0x28000, s14  }
0x9: {  	s5 =	sadd.s32 $0x33000, s6;
	s1 =	sor.u32 s0, s1;
	s8 =	smul.u32 $0xA0000, s0  }
0xa: {  	s10 =	smul.u32 $0x28000, s0;
	_ =	strace $0x80000047;
	s0 =	ssub.s32 $0x2, s0  }
0xb: {  	s1 =	smul.u32 $0x4E2, s1;
	s13 =	sshrl.u32 s0, $0x1;
	s26 =	sadd.s32 s11, s3  }
0xc: {  	s15 =	sadd.s32 $0x100, s23;
	s17 =	sadd.s32 $0x180, s23;
	s21 =	sadd.s32 $0x200, s23  }
0xd: {  	s8 =	sadd.s32 s9, s8;
	s10 =	sadd.s32 s11, s10;
	s0 =	ssub.s32 s0, s13  }
0xe: {  	s11 =	sadd.s32 $0x80, s23;
	s16 =	sshll.u32 s15, $0x6;
	s18 =	sshll.u32 s15, $0x4  }
0xf: {  	s19 =	sshll.u32 s17, $0x6;
	s23 =	sshll.u32 s21, $0x6;
	s26 =	sshrl.u32 s26, $0x3  }
0x10: {  	s15 =	simm.s32 $0x7;
	s12 =	sadd.s32 s1, s6;
	s8 =	sshrl.u32 s8, $0x3  }
0x11: {  	s10 =	sshrl.u32 s10, $0x3;
	s1 =	sadd.s32 s7, s1;
	s7 =	sadd.s32 s9, s2  }
0x12: {  	s0 =	smax.u32 s0, $0x1;
	s13 =	sshll.u32 s11, $0x6;
	s14 =	sshll.u32 s11, $0x4  }
0x13: {  	s20 =	sadd.s32 s19, s2;
	[dreg:$0x15] =	wrdreg s26;
	s26 =	simm.s32 $0x11320  }
0x14: {  	s11 =	simm.s32 $0x3;
	s8 =	sadd.s32 s8, s6;
	[dreg:$0x6] =	wrdreg s1  }
0x15: {  	s6 =	sadd.s32 s10, s6;
	s22 =	sadd.s32 $0x2000, s12;
	[dreg:$0x9] =	wrdreg s0  }
0x16: {  	s10 =	sshrl.u32 s9, $0x2;
	[dreg:$0x10] =	wrdreg s20;
	s9 =	simm.s32 $0xEE20  }
0x17: {  	[dreg:$0x5] =	wrdreg s22;
	s24 =	sadd.s32 $0x46A00, s8;
	s6 =	sadd.s32 $0x6EA00, s6  }
0x18: {  	s8 =	sshrl.u32 s25, $0x2;
	s12 =	sadd.s32 s10, s3;
	[dreg:$0x7] =	wrdreg s24  }
0x19: {  	s22 =	sshll.u32 s17, $0x4;
	s25 =	sshrl.u32 s7, $0x3;
	[dreg:$0x8] =	wrdreg s6  }
0x1a: {  	s7 =	simm.s32 $0xC620;
	s10 =	simm.s32 $0x2;
	[dreg:$0xb] =	wrdreg s12  }
0x1b: {  	s17 =	simm.s32 $0x9;
	s0 =	sadd.s32 s8, s2;
	[dreg:$0x14] =	wrdreg s25  }
0x1c: {  	s1 =	sadd.s32 s22, s3;
	s24 =	sadd.s32 s23, s2;
	[dreg:$0xa] =	wrdreg s0  }
0x1d: {  	s23 =	simm.s32 $0xA;
	s6 =	simm.s32 $0xB220;
	[dreg:$0x11] =	wrdreg s1  }
0x1e: {  	s8 =	simm.s32 $0xDA20;
	s0 =	sadd.s32 s13, s2;
	[dreg:$0x12] =	wrdreg s24  }
0x1f: {  	s12 =	simm.s32 $0x4;
	[dreg:$0xc] =	wrdreg s0;
	s0 =	sadd.s32 s14, s3  }
.Ltmp0:
0x20: {  	[dreg:$0xd] =	wrdreg s0;
	s0 =	sadd.s32 s16, s2;
	(pc) =	sbr.rel .LBB2_1-.Ltmp0, $4  }
0x21: {  	s1 =	simm.s32 $0x8A20;
	[dreg:$0xe] =	wrdreg s0;
	s0 =	sadd.s32 s18, s3  }
0x22: {  	s13 =	simm.s32 $0x5;
	[dreg:$0xf] =	wrdreg s0;
	s0 =	sshll.u32 s21, $0x4  }
0x23: {  	s14 =	simm.s32 $0x6;
	s16 =	simm.s32 $0x8;
	s0 =	sadd.s32 s0, s3  }
0x24: {  	v0 =	vimm.f32 $0.0e+00;
	v1 =	vimm.f32 $1.000000000e+00;
	s21 =	simm.s32 $0x9E20;
	[dreg:$0x13] =	wrdreg s0;
	s0 =	simm.s32 $0x7620  }
.LBB2_8:
0x25: {  	s18 =	simm.s32 $0x4C90  }
0x26: {  	[spmem:s3] =	stream.indirect.scatter.add.f32 [tilespmem:s9], [sflag:$0xA], $0x10, s18, s29, $0xb8;
	[tilespmem:$0x1E320] =	vst v63  }
0x27: {  	_ =	swait.ge [sflag:s23], $0x500  }
0x28: {  	[sflag:s23] =	ssyncset.done $0x0  }
0x29: {  	[sflag:s23] =	ssyncadd.s32 $0xFFFFFB00  }
0x2a: {  	_ =	swait.ge [sflag:s10], $0x1400  }
0x2b: {  	[sflag:s10] =	ssyncset.done $0x0  }
0x2c: {  	[sflag:s10] =	ssyncadd.s32 $0xFFFFEC00  }
0x2d: {  	[spmem:s2] =	stream.indirect.scatter.add.f32 [tilespmem:s30], [sflag:$0xA], $0x40, s18, s29, $0xb8;
	[tilespmem:$0x1E320] =	vst v63  }
0x2e: {  	_ =	swait.ge [sflag:s23], $0x1400  }
0x2f: {  	[sflag:s23] =	ssyncset.done $0x0  }
0x30: {  	s22 =	simm.s32 $0x4CE0;
	[sflag:s23] =	ssyncadd.s32 $0xFFFFEC00  }
0x31: {  	[spmem:s3] =	stream.indirect.scatter.add.f32 [tilespmem:s9], [sflag:$0xA], $0x10, s22, s29, $0xb8;
	[tilespmem:$0x1E320] =	vst v63  }
0x32: {  	_ =	swait.ge [sflag:s23], $0x500  }
0x33: {  	[sflag:s23] =	ssyncset.done $0x0  }
0x34: {  	[sflag:s23] =	ssyncadd.s32 $0xFFFFFB00  }
0x35: {  	_ =	swait.ge [sflag:s11], $0x1400  }
0x36: {  	[sflag:s11] =	ssyncset.done $0x0  }
0x37: {  	[sflag:s11] =	ssyncadd.s32 $0xFFFFEC00  }
0x38: {  	[spmem:s2] =	stream.indirect.scatter.add.f32 [tilespmem:s31], [sflag:$0xA], $0x40, s22, s29, $0xb8;
	[tilespmem:$0x1E320] =	vst v63  }
0x39: {  	_ =	swait.ge [sflag:s23], $0x1400  }
0x3a: {  	[sflag:s23] =	ssyncset.done $0x0  }
0x3b: {  	s24 =	simm.s32 $0x4D30;
	[sflag:s23] =	ssyncadd.s32 $0xFFFFEC00  }
0x3c: {  	[spmem:s3] =	stream.indirect.scatter.add.f32 [tilespmem:s9], [sflag:$0xA], $0x10, s24, s29, $0xb8;
	[tilespmem:$0x1E320] =	vst v63  }
0x3d: {  	_ =	swait.ge [sflag:s23], $0x500  }
0x3e: {  	[sflag:s23] =	ssyncset.done $0x0  }
0x3f: {  	[sflag:s23] =	ssyncadd.s32 $0xFFFFFB00  }
0x40: {  	_ =	swait.ge [sflag:s12], $0x1400  }
0x41: {  	[sflag:s12] =	ssyncset.done $0x0  }
0x42: {  	[sflag:s12] =	ssyncadd.s32 $0xFFFFEC00  }
0x43: {  	[spmem:s2] =	stream.indirect.scatter.add.f32 [tilespmem:s0], [sflag:$0xA], $0x40, s24, s29, $0xb8;
	[tilespmem:$0x1E320] =	vst v63  }
0x44: {  	_ =	swait.ge [sflag:s23], $0x1400  }
0x45: {  	[sflag:s23] =	ssyncset.done $0x0  }
0x46: {  	s25 =	simm.s32 $0x4D80;
	[sflag:s23] =	ssyncadd.s32 $0xFFFFEC00  }
0x47: {  	[spmem:s3] =	stream.indirect.scatter.add.f32 [tilespmem:s9], [sflag:$0xA], $0x10, s25, s29, $0xb8;
	[tilespmem:$0x1E320] =	vst v63  }
0x48: {  	_ =	swait.ge [sflag:s23], $0x500  }
0x49: {  	[sflag:s23] =	ssyncset.done $0x0  }
0x4a: {  	[sflag:s23] =	ssyncadd.s32 $0xFFFFFB00  }
0x4b: {  	_ =	swait.ge [sflag:s13], $0x1400  }
0x4c: {  	[sflag:s13] =	ssyncset.done $0x0  }
0x4d: {  	[sflag:s13] =	ssyncadd.s32 $0xFFFFEC00  }
0x4e: {  	[spmem:s2] =	stream.indirect.scatter.add.f32 [tilespmem:s1], [sflag:$0xA], $0x40, s25, s29, $0xb8;
	[tilespmem:$0x1E320] =	vst v63  }
0x4f: {  	_ =	swait.ge [sflag:s23], $0x1400  }
0x50: {  	[sflag:s23] =	ssyncset.done $0x0  }
0x51: {  	s19 =	simm.s32 $0x4DD0;
	[sflag:s23] =	ssyncadd.s32 $0xFFFFEC00  }
0x52: {  	[spmem:s3] =	stream.indirect.scatter.add.f32 [tilespmem:s9], [sflag:$0xA], $0x10, s19, s29, $0xb8;
	[tilespmem:$0x1E320] =	vst v63  }
0x53: {  	_ =	swait.ge [sflag:s23], $0x500  }
0x54: {  	[sflag:s23] =	ssyncset.done $0x0  }
0x55: {  	[sflag:s23] =	ssyncadd.s32 $0xFFFFFB00  }
0x56: {  	_ =	swait.ge [sflag:s14], $0x1400  }
0x57: {  	[sflag:s14] =	ssyncset.done $0x0  }
0x58: {  	[sflag:s14] =	ssyncadd.s32 $0xFFFFEC00  }
0x59: {  	[spmem:s2] =	stream.indirect.scatter.add.f32 [tilespmem:s21], [sflag:$0xA], $0x40, s19, s29, $0xb8;
	[tilespmem:$0x1E320] =	vst v63  }
0x5a: {  	_ =	swait.ge [sflag:s23], $0x1400  }
0x5b: {  	[sflag:s23] =	ssyncset.done $0x0  }
0x5c: {  	[sflag:s23] =	ssyncadd.s32 $0xFFFFEC00  }
0x5d: {  	s20 =	stileid.u32;
	[bflag:$0x0] =	sbarrier.arrive $0xFFFF  }
0x5e: {  	s18 =	sshll.u32 s20, $0x6;
	s19 =	rddreg [dreg:$0x7]  }
0x5f: {  	s18 =	sor.u32 $0x1C0A, s18;
	s20 =	rddreg [dreg:$0x14]  }
0x60: {  	[hbm:s19], [sflag:s18] =	dma.local [spmem:s20], $0x1400  }
0x61: {  	_ =	swait.ge [sflag:s23], $0x1400  }
0x62: {  	[sflag:s23] =	ssyncset.done $0x0;
	s22 =	rddreg [dreg:$0x8]  }
0x63: {  	s24 =	rddreg [dreg:$0x15];
	[sflag:s23] =	ssyncadd.s32 $0xFFFFEC00  }
0x64: {  	[hbm:s22], [sflag:s18] =	dma.local [spmem:s24], $0x500  }
0x65: {  	_ =	swait.ge [sflag:s23], $0x500  }
0x66: {  	s4 =	sadd.s32 $0x1, s4;
	s25 =	rddreg [dreg:$0x9]  }
0x67: {  	p0 =	sne.s32 s4, s25  }
.Ltmp1:
0x68: {  	_ = 	snop;
	(pc) =	sbr.rel @!p0 .LBB2_9-.Ltmp1, $3  }
0x69: {  	_ =	sdelay $0x1  }
0x6a: {  	[sflag:s23] =	ssyncset.done $0x0  }
0x6b: {  	[sflag:s23] =	ssyncadd.s32 $0xFFFFFB00  }
.LBB2_1:
0x6c: {  	s18 =	simm.s32 $0xF340;
	s19 =	simm.s32 $0x0  }
.LBB2_2:
0x6d: {  	p0 =	sne.s32 s19, $0x1FC0  }
.Ltmp2:
0x6e: {  	[tilespmem:s18+$0xFFFFFFE0] =	vst v0;
	(pc) =	sbr.rel @p0 .LBB2_2-.Ltmp2, $4  }
0x6f: {  	[tilespmem:s18+$0xFFFFFFF0] =	vst v0  }
0x70: {  	[tilespmem:s18+$0x0] =	vst v0  }
0x71: {  	[tilespmem:s18+$0x10] =	vst v0;
	s20 =	sshra.s32 s19, $0x2  }
0x72: {  	s18 =	sadd.s32 $0x40, s18;
	s19 =	sadd.s32 $0x40, s19;
	[tilespmem:s20+$0x11320] =	vst v0  }
0x73: {  	s18 =	simm.s32 $0x40;
	s19 =	simm.s32 $0x0  }
.LBB2_4:
0x74: {  	p0 =	sne.s32 s18, $0x13C0;
	[tilespmem:s19+$0xEE20] =	vst v1;
	s19 =	smov.u32 s18;
	s18 =	sadd.s32 $0x40, s18  }
.Ltmp3:
0x75: {  	(pc) =	sbr.rel @p0 .LBB2_4-.Ltmp3, $2  }
0x76: {  	_ =	sdelay $0x2  }
0x77: {  	s19 =	sshra.s32 s19, $0x2  }
0x78: {  	[tilespmem:s19+$0xEE20] =	vst v1;
	s18 =	simm.s32 $0x0;
	s24 =	rddreg [dreg:$0x5]  }
0x79: {  	[tilespmem:s18], [sflag:$0x1] =	stream.linear.gather [hbm4b:s24+s18], $0x2710, $0x38;
	[tilespmem:$0x1E320] =	vst v63  }
0x7a: {  	s25 =	rddreg [dreg:$0x6];
	s20 =	simm.s32 $0x2710  }
0x7b: {  	[tilespmem:s20], [sflag:$0x1] =	stream.linear.gather [hbm4b:s25+s18], $0x2710, $0x38;
	[tilespmem:$0x1E320] =	vst v63  }
0x7c: {  	s22 =	rddreg [dreg:$0xa];
	s20 =	simm.s32 $0xF320  }
0x7d: {  	[spmem:s22] =	stream.linear.scatter [tilespmem:s20], [sflag:$0xA], $0x2000, $0x38;
	[tilespmem:$0x1E320] =	vst v63  }
0x7e: {  	_ =	swait.ge [sflag:s23], $0x2000  }
0x7f: {  	[sflag:s23] =	ssyncset.done $0x0  }
0x80: {  	s24 =	rddreg [dreg:$0xb];
	[sflag:s23] =	ssyncadd.s32 $0xFFFFE000  }
0x81: {  	[spmem:s24] =	stream.linear.scatter [tilespmem:s26], [sflag:$0xA], $0x800, $0x38;
	[tilespmem:$0x1E320] =	vst v63  }
0x82: {  	_ =	swait.ge [sflag:s23], $0x800  }
0x83: {  	[sflag:s23] =	ssyncset.done $0x0  }
0x84: {  	s25 =	rddreg [dreg:$0xc];
	[sflag:s23] =	ssyncadd.s32 $0xFFFFF800  }
0x85: {  	[spmem:s25] =	stream.linear.scatter [tilespmem:s20], [sflag:$0xA], $0x2000, $0x38;
	[tilespmem:$0x1E320] =	vst v63  }
0x86: {  	_ =	swait.ge [sflag:s23], $0x2000  }
0x87: {  	[sflag:s23] =	ssyncset.done $0x0  }
0x88: {  	s22 =	rddreg [dreg:$0xd];
	[sflag:s23] =	ssyncadd.s32 $0xFFFFE000  }
0x89: {  	[spmem:s22] =	stream.linear.scatter [tilespmem:s26], [sflag:$0xA], $0x800, $0x38;
	[tilespmem:$0x1E320] =	vst v63  }
0x8a: {  	_ =	swait.ge [sflag:s23], $0x800  }
0x8b: {  	[sflag:s23] =	ssyncset.done $0x0  }
0x8c: {  	s24 =	rddreg [dreg:$0xe];
	[sflag:s23] =	ssyncadd.s32 $0xFFFFF800  }
0x8d: {  	[spmem:s24] =	stream.linear.scatter [tilespmem:s20], [sflag:$0xA], $0x2000, $0x38;
	[tilespmem:$0x1E320] =	vst v63  }
0x8e: {  	_ =	swait.ge [sflag:s23], $0x2000  }
0x8f: {  	[sflag:s23] =	ssyncset.done $0x0  }
0x90: {  	s25 =	rddreg [dreg:$0xf];
	[sflag:s23] =	ssyncadd.s32 $0xFFFFE000  }
0x91: {  	[spmem:s25] =	stream.linear.scatter [tilespmem:s26], [sflag:$0xA], $0x800, $0x38;
	[tilespmem:$0x1E320] =	vst v63  }
0x92: {  	_ =	swait.ge [sflag:s23], $0x800  }
0x93: {  	[sflag:s23] =	ssyncset.done $0x0  }
0x94: {  	s22 =	rddreg [dreg:$0x10];
	[sflag:s23] =	ssyncadd.s32 $0xFFFFF800  }
0x95: {  	[spmem:s22] =	stream.linear.scatter [tilespmem:s20], [sflag:$0xA], $0x2000, $0x38;
	[tilespmem:$0x1E320] =	vst v63  }
0x96: {  	_ =	swait.ge [sflag:s23], $0x2000  }
0x97: {  	[sflag:s23] =	ssyncset.done $0x0  }
0x98: {  	s24 =	rddreg [dreg:$0x11];
	[sflag:s23] =	ssyncadd.s32 $0xFFFFE000  }
0x99: {  	[spmem:s24] =	stream.linear.scatter [tilespmem:s26], [sflag:$0xA], $0x800, $0x38;
	[tilespmem:$0x1E320] =	vst v63  }
0x9a: {  	_ =	swait.ge [sflag:s23], $0x800  }
0x9b: {  	[sflag:s23] =	ssyncset.done $0x0  }
0x9c: {  	s25 =	rddreg [dreg:$0x12];
	[sflag:s23] =	ssyncadd.s32 $0xFFFFF800  }
0x9d: {  	[spmem:s25] =	stream.linear.scatter [tilespmem:s20], [sflag:$0xA], $0x2000, $0x38;
	[tilespmem:$0x1E320] =	vst v63  }
0x9e: {  	_ =	swait.ge [sflag:s23], $0x2000  }
0x9f: {  	[sflag:s23] =	ssyncset.done $0x0  }
0xa0: {  	s22 =	rddreg [dreg:$0x13];
	[sflag:s23] =	ssyncadd.s32 $0xFFFFE000  }
0xa1: {  	[spmem:s22] =	stream.linear.scatter [tilespmem:s26], [sflag:$0xA], $0x800, $0x38;
	[tilespmem:$0x1E320] =	vst v63  }
0xa2: {  	_ =	swait.ge [sflag:s23], $0x800  }
0xa3: {  	[sflag:s23] =	ssyncset.done $0x0  }
0xa4: {  	[sflag:s23] =	ssyncadd.s32 $0xFFFFF800  }
0xa5: {  	_ =	swait.ge [sflag:s28], $0x2710  }
0xa6: {  	[sflag:s28] =	ssyncset.done $0x0  }
0xa7: {  	[sflag:s28] =	ssyncadd.s32 $0xFFFFD8F0  }
0xa8: {  	_ =	swait.ge [sflag:s28], $0x2710  }
0xa9: {  	[sflag:s28] =	ssyncset.done $0x0  }
0xaa: {  	[sflag:s28] =	ssyncadd.s32 $0xFFFFD8F0  }
0xab: {  	[bflag:$0x0] =	sbarrier.arrive $0xFFFF  }
0xac: {  	[tilespmem:s30], [sflag:$0x2] =	stream.indirect.gather [hbm4b:s5+s29], $0x40, s18, s29, $0xb8;
	[tilespmem:$0x1E320] =	vst v63  }
0xad: {  	_ = 	snop  }
0xae: {  	[tilespmem:s31], [sflag:$0x3] =	stream.indirect.gather [hbm4b:s5+s29], $0x40, s29, s29, $0xb8;
	[tilespmem:$0x1E320] =	vst v63  }
0xaf: {  	s24 =	simm.s32 $0xA0  }
0xb0: {  	[tilespmem:s0], [sflag:$0x4] =	stream.indirect.gather [hbm4b:s5+s29], $0x40, s24, s29, $0xb8;
	[tilespmem:$0x1E320] =	vst v63  }
0xb1: {  	s25 =	simm.s32 $0xF0  }
0xb2: {  	[tilespmem:s1], [sflag:$0x5] =	stream.indirect.gather [hbm4b:s5+s29], $0x40, s25, s29, $0xb8;
	[tilespmem:$0x1E320] =	vst v63  }
0xb3: {  	s20 =	simm.s32 $0x140  }
0xb4: {  	[tilespmem:s21], [sflag:$0x6] =	stream.indirect.gather [hbm4b:s5+s29], $0x40, s20, s29, $0xb8;
	[tilespmem:$0x1E320] =	vst v63  }
0xb5: {  	s22 =	simm.s32 $0x190  }
0xb6: {  	[tilespmem:s6], [sflag:$0x7] =	stream.indirect.gather [hbm4b:s5+s29], $0x40, s22, s29, $0xb8;
	[tilespmem:$0x1E320] =	vst v63  }
0xb7: {  	s24 =	simm.s32 $0x1E0  }
0xb8: {  	[tilespmem:s7], [sflag:$0x8] =	stream.indirect.gather [hbm4b:s5+s29], $0x40, s24, s29, $0xb8;
	[tilespmem:$0x1E320] =	vst v63  }
0xb9: {  	s25 =	simm.s32 $0x230  }
0xba: {  	[tilespmem:s8], [sflag:$0x9] =	stream.indirect.gather [hbm4b:s5+s29], $0x40, s25, s29, $0xb8;
	[tilespmem:$0x1E320] =	vst v63  }
.LBB2_6:
0xbb: {  	s19 =	sshra.s32 s18, $0x2  }
0xbc: {  	s20 =	sadd.s32 $0x2710, s19  }
0xbd: {  	[spmem:s3] =	stream.indirect.scatter.add.f32 [tilespmem:s9], [sflag:$0xA], $0x10, s20, s29, $0xb8;
	[tilespmem:$0x1E320] =	vst v63  }
0xbe: {  	_ =	swait.ge [sflag:s23], $0x500  }
0xbf: {  	[sflag:s23] =	ssyncset.done $0x0  }
0xc0: {  	[sflag:s23] =	ssyncadd.s32 $0xFFFFFB00  }
0xc1: {  	_ =	swait.ge [sflag:s10], $0x1400  }
0xc2: {  	[sflag:s10] =	ssyncset.done $0x0  }
0xc3: {  	[sflag:s10] =	ssyncadd.s32 $0xFFFFEC00  }
0xc4: {  	[spmem:s2] =	stream.indirect.scatter.add.f32 [tilespmem:s30], [sflag:$0xA], $0x40, s20, s29, $0xb8;
	[tilespmem:$0x1E320] =	vst v63  }
0xc5: {  	_ =	swait.ge [sflag:s23], $0x1400  }
0xc6: {  	[sflag:s23] =	ssyncset.done $0x0  }
0xc7: {  	s22 =	sadd.s32 $0x280, s19;
	[sflag:s23] =	ssyncadd.s32 $0xFFFFEC00  }
0xc8: {  	[tilespmem:s30], [sflag:$0x2] =	stream.indirect.gather [hbm4b:s5+s29], $0x40, s22, s29, $0xb8;
	[tilespmem:$0x1E320] =	vst v63  }
0xc9: {  	s24 =	sadd.s32 $0x2760, s19  }
0xca: {  	[spmem:s3] =	stream.indirect.scatter.add.f32 [tilespmem:s9], [sflag:$0xA], $0x10, s24, s29, $0xb8;
	[tilespmem:$0x1E320] =	vst v63  }
0xcb: {  	_ =	swait.ge [sflag:s23], $0x500  }
0xcc: {  	[sflag:s23] =	ssyncset.done $0x0  }
0xcd: {  	[sflag:s23] =	ssyncadd.s32 $0xFFFFFB00  }
0xce: {  	_ =	swait.ge [sflag:s11], $0x1400  }
0xcf: {  	[sflag:s11] =	ssyncset.done $0x0  }
0xd0: {  	[sflag:s11] =	ssyncadd.s32 $0xFFFFEC00  }
0xd1: {  	[spmem:s2] =	stream.indirect.scatter.add.f32 [tilespmem:s31], [sflag:$0xA], $0x40, s24, s29, $0xb8;
	[tilespmem:$0x1E320] =	vst v63  }
0xd2: {  	_ =	swait.ge [sflag:s23], $0x1400  }
0xd3: {  	[sflag:s23] =	ssyncset.done $0x0  }
0xd4: {  	s25 =	sadd.s32 $0x2D0, s19;
	[sflag:s23] =	ssyncadd.s32 $0xFFFFEC00  }
0xd5: {  	[tilespmem:s31], [sflag:$0x3] =	stream.indirect.gather [hbm4b:s5+s29], $0x40, s25, s29, $0xb8;
	[tilespmem:$0x1E320] =	vst v63  }
0xd6: {  	s22 =	sadd.s32 $0x27B0, s19  }
0xd7: {  	[spmem:s3] =	stream.indirect.scatter.add.f32 [tilespmem:s9], [sflag:$0xA], $0x10, s22, s29, $0xb8;
	[tilespmem:$0x1E320] =	vst v63  }
0xd8: {  	_ =	swait.ge [sflag:s23], $0x500  }
0xd9: {  	[sflag:s23] =	ssyncset.done $0x0  }
0xda: {  	[sflag:s23] =	ssyncadd.s32 $0xFFFFFB00  }
0xdb: {  	_ =	swait.ge [sflag:s12], $0x1400  }
0xdc: {  	[sflag:s12] =	ssyncset.done $0x0  }
0xdd: {  	[sflag:s12] =	ssyncadd.s32 $0xFFFFEC00  }
0xde: {  	[spmem:s2] =	stream.indirect.scatter.add.f32 [tilespmem:s0], [sflag:$0xA], $0x40, s22, s29, $0xb8;
	[tilespmem:$0x1E320] =	vst v63  }
0xdf: {  	_ =	swait.ge [sflag:s23], $0x1400  }
0xe0: {  	[sflag:s23] =	ssyncset.done $0x0  }
0xe1: {  	s24 =	sadd.s32 $0x320, s19;
	[sflag:s23] =	ssyncadd.s32 $0xFFFFEC00  }
0xe2: {  	[tilespmem:s0], [sflag:$0x4] =	stream.indirect.gather [hbm4b:s5+s29], $0x40, s24, s29, $0xb8;
	[tilespmem:$0x1E320] =	vst v63  }
0xe3: {  	s25 =	sadd.s32 $0x2800, s19  }
0xe4: {  	[spmem:s3] =	stream.indirect.scatter.add.f32 [tilespmem:s9], [sflag:$0xA], $0x10, s25, s29, $0xb8;
	[tilespmem:$0x1E320] =	vst v63  }
0xe5: {  	_ =	swait.ge [sflag:s23], $0x500  }
0xe6: {  	[sflag:s23] =	ssyncset.done $0x0  }
0xe7: {  	[sflag:s23] =	ssyncadd.s32 $0xFFFFFB00  }
0xe8: {  	_ =	swait.ge [sflag:s13], $0x1400  }
0xe9: {  	[sflag:s13] =	ssyncset.done $0x0  }
0xea: {  	[sflag:s13] =	ssyncadd.s32 $0xFFFFEC00  }
0xeb: {  	[spmem:s2] =	stream.indirect.scatter.add.f32 [tilespmem:s1], [sflag:$0xA], $0x40, s25, s29, $0xb8;
	[tilespmem:$0x1E320] =	vst v63  }
0xec: {  	_ =	swait.ge [sflag:s23], $0x1400  }
0xed: {  	[sflag:s23] =	ssyncset.done $0x0  }
0xee: {  	s22 =	sadd.s32 $0x370, s19;
	[sflag:s23] =	ssyncadd.s32 $0xFFFFEC00  }
0xef: {  	[tilespmem:s1], [sflag:$0x5] =	stream.indirect.gather [hbm4b:s5+s29], $0x40, s22, s29, $0xb8;
	[tilespmem:$0x1E320] =	vst v63  }
0xf0: {  	s24 =	sadd.s32 $0x2850, s19  }
0xf1: {  	[spmem:s3] =	stream.indirect.scatter.add.f32 [tilespmem:s9], [sflag:$0xA], $0x10, s24, s29, $0xb8;
	[tilespmem:$0x1E320] =	vst v63  }
0xf2: {  	_ =	swait.ge [sflag:s23], $0x500  }
0xf3: {  	[sflag:s23] =	ssyncset.done $0x0  }
0xf4: {  	[sflag:s23] =	ssyncadd.s32 $0xFFFFFB00  }
0xf5: {  	_ =	swait.ge [sflag:s14], $0x1400  }
0xf6: {  	[sflag:s14] =	ssyncset.done $0x0  }
0xf7: {  	[sflag:s14] =	ssyncadd.s32 $0xFFFFEC00  }
0xf8: {  	[spmem:s2] =	stream.indirect.scatter.add.f32 [tilespmem:s21], [sflag:$0xA], $0x40, s24, s29, $0xb8;
	[tilespmem:$0x1E320] =	vst v63  }
0xf9: {  	_ =	swait.ge [sflag:s23], $0x1400  }
0xfa: {  	[sflag:s23] =	ssyncset.done $0x0  }
0xfb: {  	s25 =	sadd.s32 $0x3C0, s19;
	[sflag:s23] =	ssyncadd.s32 $0xFFFFEC00  }
0xfc: {  	[tilespmem:s21], [sflag:$0x6] =	stream.indirect.gather [hbm4b:s5+s29], $0x40, s25, s29, $0xb8;
	[tilespmem:$0x1E320] =	vst v63  }
0xfd: {  	s22 =	sadd.s32 $0x28A0, s19  }
0xfe: {  	[spmem:s3] =	stream.indirect.scatter.add.f32 [tilespmem:s9], [sflag:$0xA], $0x10, s22, s29, $0xb8;
	[tilespmem:$0x1E320] =	vst v63  }
0xff: {  	_ =	swait.ge [sflag:s23], $0x500  }
0x100: {  	[sflag:s23] =	ssyncset.done $0x0  }
0x101: {  	[sflag:s23] =	ssyncadd.s32 $0xFFFFFB00  }
0x102: {  	_ =	swait.ge [sflag:s15], $0x1400  }
0x103: {  	[sflag:s15] =	ssyncset.done $0x0  }
0x104: {  	p0 =	seq.s32 s18, $0x8C00;
	[sflag:s15] =	ssyncadd.s32 $0xFFFFEC00  }
0x105: {  	[spmem:s2] =	stream.indirect.scatter.add.f32 [tilespmem:s6], [sflag:$0xA], $0x40, s22, s29, $0xb8;
	[tilespmem:$0x1E320] =	vst v63  }
0x106: {  	s20 =	sshra.s32 @!p0 s18, $0x2;
	_ =	swait.ge [sflag:s23], $0x1400  }
0x107: {  	s24 =	sadd.s32 @!p0 $0x410, s20;
	[sflag:s23] =	ssyncset.done $0x0  }
0x108: {  	s25 =	simm.s32 @!p0 $0x50;
	s22 =	simm.s32 @!p0 $0xB220;
	[sflag:s23] =	ssyncadd.s32 $0xFFFFEC00  }
0x109: {  	[tilespmem:s22], [sflag:$0x7] =	stream.indirect.gather @!p0 [hbm4b:s5+s25], $0x40, s24, s25, $0xb8;
	[tilespmem:$0x1E320] =	vst v63  }
0x10a: {  	s24 =	sadd.s32 $0x28F0, s19  }
0x10b: {  	[spmem:s3] =	stream.indirect.scatter.add.f32 [tilespmem:s9], [sflag:$0xA], $0x10, s24, s29, $0xb8;
	[tilespmem:$0x1E320] =	vst v63  }
0x10c: {  	_ =	swait.ge [sflag:s23], $0x500  }
0x10d: {  	[sflag:s23] =	ssyncset.done $0x0  }
0x10e: {  	[sflag:s23] =	ssyncadd.s32 $0xFFFFFB00  }
0x10f: {  	_ =	swait.ge [sflag:s16], $0x1400  }
0x110: {  	[sflag:s16] =	ssyncset.done $0x0  }
0x111: {  	[sflag:s16] =	ssyncadd.s32 $0xFFFFEC00  }
0x112: {  	[spmem:s2] =	stream.indirect.scatter.add.f32 [tilespmem:s7], [sflag:$0xA], $0x40, s24, s29, $0xb8;
	[tilespmem:$0x1E320] =	vst v63  }
0x113: {  	_ =	swait.ge [sflag:s23], $0x1400  }
0x114: {  	[sflag:s23] =	ssyncset.done $0x0  }
0x115: {  	s20 =	sadd.s32 @!p0 $0x460, s20;
	s22 =	simm.s32 @!p0 $0xC620;
	[sflag:s23] =	ssyncadd.s32 $0xFFFFEC00  }
0x116: {  	[tilespmem:s22], [sflag:$0x8] =	stream.indirect.gather @!p0 [hbm4b:s5+s25], $0x40, s20, s25, $0xb8;
	[tilespmem:$0x1E320] =	vst v63  }
0x117: {  	s25 =	sadd.s32 $0x2940, s19  }
0x118: {  	[spmem:s3] =	stream.indirect.scatter.add.f32 [tilespmem:s9], [sflag:$0xA], $0x10, s25, s29, $0xb8;
	[tilespmem:$0x1E320] =	vst v63  }
0x119: {  	_ =	swait.ge [sflag:s23], $0x500  }
0x11a: {  	[sflag:s23] =	ssyncset.done $0x0  }
0x11b: {  	[sflag:s23] =	ssyncadd.s32 $0xFFFFFB00  }
0x11c: {  	_ =	swait.ge [sflag:s17], $0x1400  }
0x11d: {  	[sflag:s17] =	ssyncset.done $0x0  }
.Ltmp4:
0x11e: {  	[sflag:s17] =	ssyncadd.s32 $0xFFFFEC00;
	(pc) =	sbr.rel @p0 .LBB2_8-.Ltmp4, $4  }
0x11f: {  	[spmem:s2] =	stream.indirect.scatter.add.f32 [tilespmem:s8], [sflag:$0xA], $0x40, s25, s29, $0xb8;
	[tilespmem:$0x1E320] =	vst v63  }
0x120: {  	_ =	swait.ge [sflag:s23], $0x1400  }
0x121: {  	[sflag:s23] =	ssyncset.done $0x0  }
0x122: {  	[sflag:s23] =	ssyncadd.s32 $0xFFFFEC00  }
.Ltmp5:
0x123: {  	(pc) =	sbr.rel .LBB2_6-.Ltmp5, $3  }
0x124: {  	_ =	sdelay $0x1  }
0x125: {  	s19 =	sadd.s32 $0x4B0, s19;
	s18 =	sadd.s32 $0xA00, s18  }
0x126: {  	[tilespmem:s8], [sflag:$0x9] =	stream.indirect.gather [hbm4b:s5+s29], $0x40, s19, s29, $0xb8;
	[tilespmem:$0x1E320] =	vst v63  }
.LBB2_9:
0x127: {  	_ =	sfence.sel $0x180000  }
0x128: {  	[bflag:$0x0] =	sbarrier.arrive $0xFFFF  }
0x129: {  	_ =	strace $0x90000047  }
0x12a: {  	s0 =	stileid.u32;
	[bflag:$0x2] =	sbarrier.arrive $0xFFFF  }
0x12b: {  	p0 =	sne.s32 s0, $0x0;
	s0 =	rddreg [dreg:$0x4]  }
0x12c: {  	s0 =	sadd.s32 @!p0 $0x100000, s0  }
0x12d: {  	[sflag:s0] =	ssyncadd.tile.s32 @!p0 $0x1;
	_ =	shalt  }
.Lfunc_end2:
_tile_overlayer_lowered:
.L_overlay_start_2:
0x12e: {  	(tag) =	ssettag $0x2  }
0x12f: {  	s0 =	rddreg [dreg:$0x0];
	s2 =	stileid.u32  }
0x130: {  	s1 =	rddreg [dreg:$0x1];
	p0 =	sne.s32 s2, $0x0  }
0x131: {  	s3 =	rddreg [dreg:$0x2];
	[bflag:$0x3] =	sbarrier.arrive $0xFFFF;
	s2 =	simm.s32 @!p0 $0x1C0A  }
0x132: {  	[timem:s3], [sflag:s2] =	dma.local @!p0 [hbm:s0], s1  }
0x133: {  	s0 =	simm.s32 @!p0 $0xA  }
0x134: {  	_ =	swait.ge @!p0 [sflag:s0], s1  }
0x135: {  	s1 =	ssub.s32 @!p0 $0x0, s1;
	[sflag:s0] =	ssyncset.done @!p0 $0x0  }
0x136: {  	[sflag:s0] =	ssyncadd.s32 @!p0 s1  }
0x137: {  	[bflag:$0x3] =	sbarrier.arrive $0xFFFF  }
0x138: {  	_ =	shalt  }

</sc_bundles>
